<compile_context>
chip_gen: v7x
topology: tpu7x:2x2x1
jax: 0.10.2.dev20260603
libtpu: 0.0.44.dev20260713+nightly
codegen_flags: <defaults>
</compile_context>

<pallas_src>
import functools

import jax
import jax.numpy as jnp
from jax import lax
from jax.experimental import pallas as pl
from jax.experimental.pallas import tpu as pltpu
from jax.experimental.pallas import tpu_sc as plsc

N = 10000
E = 320000
D = 128
OC = 42
H1 = 16 * OC
H2 = 8 * OC
NG = 16
NA = 8
NP = 21

NCORE = 2
NSUB = 16
CH = 128
NCHK = 157
EPT = NCHK * CH
E_PAD = NSUB * EPT
TBL = 10016
RPT = TBL // NSUB

NBUF = 2

R = 1000
G = N // R


def _make_sc_agg(dcol, ntab):
  mesh = plsc.VectorSubcoreMesh(
      core_axis_name="c", subcore_axis_name="s",
      num_cores=NCORE, num_subcores=NSUB)

  @functools.partial(
      pl.kernel,
      out_type=[jax.ShapeDtypeStruct((NCORE, TBL, dcol), jnp.float32)] * ntab,
      mesh=mesh,
      compiler_params=pltpu.CompilerParams(use_tc_tiling_on_sc=False),
      scratch_types=[
          pltpu.VMEM((EPT,), jnp.int32),
          pltpu.VMEM((NCHK, CH), jnp.int32),
          pltpu.VMEM((NBUF, CH, dcol), jnp.float32),
          pltpu.VMEM_SHARED((TBL, dcol), jnp.float32),
      ] + [pltpu.SemaphoreType.DMA] * (2 * NBUF),
  )
  def sc_agg(*args):
    tbls = args[:ntab]
    src_hbm, dst_hbm, zeros_hbm = args[ntab:ntab + 3]
    outs = args[ntab + 3:2 * ntab + 3]
    src_v, dst_v, rows_v, shared = args[2 * ntab + 3:2 * ntab + 7]
    sems = args[2 * ntab + 7:]
    gsem = sems[:NBUF]
    ssem = sems[NBUF:]
    cid = lax.axis_index("c")
    sid = lax.axis_index("s")
    row0 = sid * RPT
    pltpu.sync_copy(src_hbm.at[cid * NSUB + sid], src_v)
    pltpu.sync_copy(dst_hbm.at[sid], dst_v)

    def run_pass(tbl_hbm, out_hbm):
      pltpu.sync_copy(zeros_hbm.at[pl.ds(row0, RPT)],
                      shared.at[pl.ds(row0, RPT)])
      plsc.subcore_barrier()

      def g_desc(c, b):
        return pltpu.make_async_copy(
            tbl_hbm.at[src_v.at[pl.ds(c * CH, CH)]], rows_v.at[b], gsem[b])

      def s_start(c, b):
        pltpu.async_copy(rows_v.at[b], shared.at[dst_v.at[c]], ssem[b],
                         add=True)

      def s_wait(c, b):
        pltpu.make_async_copy(rows_v.at[b], shared.at[dst_v.at[c]],
                              ssem[b]).wait()

      for b in range(NBUF):
        g_desc(b, b).start()

      def group(g, carry):
        for b in range(NBUF):
          c = g * NBUF + b
          g_desc(c, b).wait()
          s_start(c, b)
          nxt = c + NBUF

          @pl.when(nxt < NCHK)
          def _():
            s_wait(c, b)
            g_desc(nxt, b).start()

        return carry

      ngrp = NCHK // NBUF
      lax.fori_loop(0, ngrp, group, 0)
      for c in range(ngrp * NBUF, NCHK):
        b = c % NBUF
        g_desc(c, b).wait()
        s_start(c, b)
      for c in range(NCHK - NBUF, NCHK):
        b = c % NBUF
        s_wait(c, b)
      plsc.subcore_barrier()
      pltpu.sync_copy(shared.at[pl.ds(row0, RPT)],
                      out_hbm.at[cid, pl.ds(row0, RPT)])

    for t in range(ntab):
      if t:
        plsc.subcore_barrier()
      run_pass(tbls[t], outs[t])

  return sc_agg


_sc_agg_a72 = _make_sc_agg(72, 1)
_sc_agg_b88 = _make_sc_agg(88, 2)
_sc_agg_c48 = _make_sc_agg(48, 1)


def _tc1_body(x_r, agga_r, w1rel_r, w1root_r, b1_r,
              w2rel_r, w2root_r, b2_r, t2a_r, t2b_r, r1_r):
  a = agga_r[...]
  inv = 1.0 / jnp.maximum(a[0, :, 64:65], 1.0)
  mean = jnp.concatenate([a[0, :, :64], a[1, :, :64]], axis=1) * inv
  h1 = jnp.maximum(
      jnp.dot(mean, w1rel_r[...], preferred_element_type=jnp.float32)
      + jnp.dot(x_r[...], w1root_r[...], preferred_element_type=jnp.float32)
      + b1_r[...], 0.0)
  t1 = jnp.dot(h1, w2rel_r[...], preferred_element_type=jnp.float32)
  q = H2 // 4
  zpad = jnp.zeros((R, 4), jnp.float32)
  t2a_r[0] = jnp.concatenate([t1[:, 0 * q:1 * q], zpad], axis=1)
  t2a_r[1] = jnp.concatenate([t1[:, 2 * q:3 * q], zpad], axis=1)
  t2b_r[0] = jnp.concatenate([t1[:, 1 * q:2 * q], zpad], axis=1)
  t2b_r[1] = jnp.concatenate([t1[:, 3 * q:4 * q], zpad], axis=1)
  r1_r[...] = (jnp.dot(h1, w2root_r[...], preferred_element_type=jnp.float32)
               + b2_r[...])


def _tc2_body(b1_r, b2_r, agga_r, r1_r, wmur_r, wlsr_r, wmuo_r,
              wlso_r, bmu_r, bls_r, t3_r, r2mu_r, r2ls_r):
  q = H2 // 4
  ba_ = b1_r[...]
  bb_ = b2_r[...]
  inv = 1.0 / jnp.maximum(agga_r[0, :, 64:65], 1.0)
  mean1 = jnp.concatenate(
      [ba_[0, :, :q], bb_[0, :, :q], ba_[1, :, :q], bb_[1, :, :q]],
      axis=1) * inv
  h2 = jnp.maximum(mean1 + r1_r[...], 0.0)
  t2mu = jnp.dot(h2, wmur_r[...], preferred_element_type=jnp.float32)
  t2ls = jnp.dot(h2, wlsr_r[...], preferred_element_type=jnp.float32)
  zpad = jnp.zeros((R, 6), jnp.float32)
  t3_r[0] = jnp.concatenate([t2mu, zpad], axis=1)
  t3_r[1] = jnp.concatenate([t2ls, zpad], axis=1)
  r2mu_r[...] = (jnp.dot(h2, wmuo_r[...], preferred_element_type=jnp.float32)
                 + bmu_r[...])
  r2ls_r[...] = (jnp.dot(h2, wlso_r[...], preferred_element_type=jnp.float32)
                 + bls_r[...])


def _tc3_body(aggc_r, agga_r, r2mu_r, r2ls_r, eps_r, batch_r,
              wp_r, bp_r, wa_r, ba_r, pz_r, z_r, gext_r, az_r):
  i = pl.program_id(0)
  c_ = aggc_r[...]
  inv = 1.0 / jnp.maximum(agga_r[0, :, 64:65], 1.0)
  mu = c_[0, :, :OC] * inv + r2mu_r[...]
  ls = jnp.minimum(c_[1, :, :OC] * inv + r2ls_r[...], 10.0)
  z = mu + eps_r[...] * jnp.exp(ls)
  z_r[...] = z
  logits = jnp.maximum(
      jnp.dot(z, wp_r[...], preferred_element_type=jnp.float32) + bp_r[...],
      0.0)
  m = jnp.max(logits, axis=1, keepdims=True)
  pz_r[...] = (logits - m) - jnp.log(
      jnp.sum(jnp.exp(logits - m), axis=1, keepdims=True))
  lanes = lax.broadcasted_iota(jnp.int32, (R, NG), 1)
  oh = (batch_r[...] == lanes).astype(jnp.float32)
  zc = jnp.concatenate([z, jnp.ones((R, 1), jnp.float32)], axis=1)
  contrib = lax.dot_general(oh, zc, (((0,), (0,)), ((), ())),
                            preferred_element_type=jnp.float32)

  @pl.when(i == 0)
  def _():
    gext_r[...] = contrib

  @pl.when(i > 0)
  def _():
    gext_r[...] += contrib

  @pl.when(i == G - 1)
  def _():
    ge = gext_r[...]
    pooled = ge[:, :OC] / jnp.maximum(ge[:, OC:OC + 1], 1.0)
    al = jnp.dot(pooled, wa_r[...], preferred_element_type=jnp.float32) + ba_r[...]
    m2 = jnp.max(al, axis=1, keepdims=True)
    az_r[...] = (al - m2) - jnp.log(
        jnp.sum(jnp.exp(al - m2), axis=1, keepdims=True))


def _full(shape):
  return pl.BlockSpec(shape, lambda i: (0,) * len(shape))


def _rows(cols):
  return pl.BlockSpec((R, cols), lambda i: (i, 0))


def kernel(x, edge_index, batch, W1_rel, W1_root, b1, W2_rel, W2_root, b2,
           Wmu_rel, Wmu_root, bmu, Wls_rel, Wls_root, bls, Wp, bp, Wa, ba):
  src = edge_index[0]
  dst = edge_index[1]
  pad = E_PAD - E
  srcp = jnp.concatenate([src, jnp.zeros((pad,), jnp.int32)])
  dstp = jnp.concatenate([dst, jnp.full((pad,), N, jnp.int32)])
  src_t = srcp.reshape(NSUB, EPT)
  src2 = jnp.concatenate([src_t, src_t + N], axis=0)
  dst3 = dstp.reshape(NSUB, NCHK, CH)

  ones = jnp.ones((N, 1), jnp.float32)
  zc7 = jnp.zeros((N, 7), jnp.float32)
  ta = jnp.concatenate([
      jnp.concatenate([x[:, :64], ones, zc7], axis=1),
      jnp.concatenate([x[:, 64:], ones, zc7], axis=1)], axis=0)
  (agg_a,) = _sc_agg_a72(ta, src2, dst3, jnp.zeros((TBL, 72), jnp.float32))

  aga_spec = pl.BlockSpec((2, R, 72), lambda i: (0, i, 0))
  t2a, t2b, r1 = pl.pallas_call(
      _tc1_body,
      grid=(G,),
      in_specs=[_rows(D), aga_spec,
                _full((D, H1)), _full((D, H1)), _full((1, H1)),
                _full((H1, H2)), _full((H1, H2)), _full((1, H2))],
      out_specs=[pl.BlockSpec((2, R, 88), lambda i: (0, i, 0)),
                 pl.BlockSpec((2, R, 88), lambda i: (0, i, 0)),
                 _rows(H2)],
      out_shape=[jax.ShapeDtypeStruct((2, N, 88), jnp.float32),
                 jax.ShapeDtypeStruct((2, N, 88), jnp.float32),
                 jax.ShapeDtypeStruct((N, H2), jnp.float32)],
  )(x, agg_a, W1_rel, W1_root, b1.reshape(1, H1),
    W2_rel, W2_root, b2.reshape(1, H2))

  agg_b1, agg_b2 = _sc_agg_b88(
      t2a.reshape(2 * N, 88), t2b.reshape(2 * N, 88), src2, dst3,
      jnp.zeros((TBL, 88), jnp.float32))

  agb_spec = pl.BlockSpec((2, R, 88), lambda i: (0, i, 0))
  t3_tab, r2mu, r2ls = pl.pallas_call(
      _tc2_body,
      grid=(G,),
      in_specs=[agb_spec, agb_spec, aga_spec, _rows(H2),
                _full((H2, OC)), _full((H2, OC)),
                _full((H2, OC)), _full((H2, OC)),
                _full((1, OC)), _full((1, OC))],
      out_specs=[pl.BlockSpec((2, R, 48), lambda i: (0, i, 0)),
                 _rows(OC), _rows(OC)],
      out_shape=[jax.ShapeDtypeStruct((2, N, 48), jnp.float32),
                 jax.ShapeDtypeStruct((N, OC), jnp.float32),
                 jax.ShapeDtypeStruct((N, OC), jnp.float32)],
  )(agg_b1, agg_b2, agg_a, r1, Wmu_rel, Wls_rel, Wmu_root, Wls_root,
    bmu.reshape(1, OC), bls.reshape(1, OC))

  (agg_c,) = _sc_agg_c48(t3_tab.reshape(2 * N, 48), src2, dst3,
                         jnp.zeros((TBL, 48), jnp.float32))

  eps = jax.random.normal(jax.random.key(42), (N, OC), dtype=jnp.float32)
  p_z, z, _, a_z = pl.pallas_call(
      _tc3_body,
      grid=(G,),
      in_specs=[pl.BlockSpec((2, R, 48), lambda i: (0, i, 0)), aga_spec,
                _rows(OC), _rows(OC), _rows(OC), _rows(1),
                _full((OC, NP)), _full((1, NP)),
                _full((OC, NA)), _full((1, NA))],
      out_specs=[_rows(NP), _rows(OC),
                 pl.BlockSpec((NG, OC + 1), lambda i: (0, 0)),
                 pl.BlockSpec((NG, NA), lambda i: (0, 0))],
      out_shape=[jax.ShapeDtypeStruct((N, NP), jnp.float32),
                 jax.ShapeDtypeStruct((N, OC), jnp.float32),
                 jax.ShapeDtypeStruct((NG, OC + 1), jnp.float32),
                 jax.ShapeDtypeStruct((NG, NA), jnp.float32)],
  )(agg_c, agg_a, r2mu, r2ls, eps, batch.reshape(N, 1),
    Wp, bp.reshape(1, NP), Wa, ba.reshape(1, NA))

  return (p_z, a_z, z)

# --- scband reference (transcript-rebuilt; emitter-appended) ---
"""Pipeline reference for scband-graph-net-27066883899548 (READ-ONLY COPY).

The authoritative reference and input builder live on the scoring server;
editing this copy changes nothing except your own understanding.
"""

import jax, jax.numpy as jnp
import numpy as np

N = 10000
E = 320000
D = 128
OC = 42
H1 = 16 * OC
H2 = 8 * OC
NG = 16
NA = 8
NP = 21


def setup_inputs(seed: int = 0) -> dict:
    key = jax.random.key(seed)
    ks = jax.random.split(key, 20)
    x = jax.random.normal(ks[0], (N, D), dtype=jnp.float32)
    edge_index = jax.random.randint(ks[1], (2, E), 0, N, dtype=jnp.int32)
    batch = jnp.sort(jax.random.randint(ks[2], (N,), 0, NG, dtype=jnp.int32))
    s = 0.05
    W1_rel = s * jax.random.normal(ks[3], (D, H1), dtype=jnp.float32)
    W1_root = s * jax.random.normal(ks[4], (D, H1), dtype=jnp.float32)
    b1 = jnp.zeros((H1,), dtype=jnp.float32)
    W2_rel = s * jax.random.normal(ks[5], (H1, H2), dtype=jnp.float32)
    W2_root = s * jax.random.normal(ks[6], (H1, H2), dtype=jnp.float32)
    b2 = jnp.zeros((H2,), dtype=jnp.float32)
    Wmu_rel = s * jax.random.normal(ks[7], (H2, OC), dtype=jnp.float32)
    Wmu_root = s * jax.random.normal(ks[8], (H2, OC), dtype=jnp.float32)
    bmu = jnp.zeros((OC,), dtype=jnp.float32)
    Wls_rel = s * jax.random.normal(ks[9], (H2, OC), dtype=jnp.float32)
    Wls_root = s * jax.random.normal(ks[10], (H2, OC), dtype=jnp.float32)
    bls = jnp.zeros((OC,), dtype=jnp.float32)
    Wp = s * jax.random.normal(ks[11], (OC, NP), dtype=jnp.float32)
    bp = jnp.zeros((NP,), dtype=jnp.float32)
    Wa = s * jax.random.normal(ks[12], (OC, NA), dtype=jnp.float32)
    ba = jnp.zeros((NA,), dtype=jnp.float32)
    return {"x": x, "edge_index": edge_index, "batch": batch,
            "W1_rel": W1_rel, "W1_root": W1_root, "b1": b1,
            "W2_rel": W2_rel, "W2_root": W2_root, "b2": b2,
            "Wmu_rel": Wmu_rel, "Wmu_root": Wmu_root, "bmu": bmu,
            "Wls_rel": Wls_rel, "Wls_root": Wls_root, "bls": bls,
            "Wp": Wp, "bp": bp, "Wa": Wa, "ba": ba}


def _graph_conv_mean(h, edge_index, W_rel, b_rel, W_root):
    # PyG GraphConv(aggr='mean'): out = lin_rel(mean_{j in N(i)} x_j) + lin_root(x_i)
    src = edge_index[0]
    dst = edge_index[1]
    n = h.shape[0]
    agg = jax.ops.segment_sum(h[src], dst, num_segments=n)
    cnt = jax.ops.segment_sum(jnp.ones((edge_index.shape[1],), h.dtype), dst, num_segments=n)
    mean = agg / jnp.maximum(cnt, 1.0)[:, None]
    return mean @ W_rel + b_rel + h @ W_root


def reference(x, edge_index, batch, W1_rel, W1_root, b1, W2_rel, W2_root, b2,
              Wmu_rel, Wmu_root, bmu, Wls_rel, Wls_root, bls, Wp, bp, Wa, ba):
    # Encoder: two GraphConv(mean) + relu, then mu / logstd heads
    h = jax.nn.relu(_graph_conv_mean(x, edge_index, W1_rel, b1, W1_root))
    h = jax.nn.relu(_graph_conv_mean(h, edge_index, W2_rel, b2, W2_root))
    mu = _graph_conv_mean(h, edge_index, Wmu_rel, bmu, Wmu_root)
    logstd = jnp.minimum(_graph_conv_mean(h, edge_index, Wls_rel, bls, Wls_root), 10.0)
    # VGAE reparameterization (training path) with a fixed key
    eps = jax.random.normal(jax.random.key(42), mu.shape, dtype=mu.dtype)
    z = mu + eps * jnp.exp(logstd)
    # Predictor: Linear(OC, 21) -> relu -> log_softmax
    p_z = jax.nn.log_softmax(jax.nn.relu(z @ Wp + bp), axis=1)
    # ActionPredictor: global_mean_pool over batch -> Linear -> log_softmax
    n = z.shape[0]
    gs = jax.ops.segment_sum(z, batch, num_segments=NG)
    gc = jax.ops.segment_sum(jnp.ones((n,), z.dtype), batch, num_segments=NG)
    pooled = gs / jnp.maximum(gc, 1.0)[:, None]
    a_z = jax.nn.log_softmax(pooled @ Wa + ba, axis=1)
    return (p_z, a_z, z)

if __name__ == "__main__":
    import jax
    _d = setup_inputs()
    print(jax.jit(kernel)(*tuple(_d.values())))

</pallas_src>

<mosaic_0001>
#map = affine_map<(d0, d1) -> (0, 0)>
#map1 = affine_map<(d0, d1) -> (0, 0, 0)>
module attributes {stable_mosaic.version = 14 : i64} {
  func.func @sc_agg(%arg0: i32, %arg1: i32, %arg2: memref<20000x48xf32, #tpu.memory_space<hbm>>, %arg3: memref<32x20096xi32, #tpu.memory_space<hbm>>, %arg4: memref<16x157x128xi32, #tpu.memory_space<hbm>>, %arg5: memref<10016x48xf32, #tpu.memory_space<hbm>>, %arg6: memref<2x10016x48xf32, #tpu.memory_space<hbm>>, %arg7: memref<20096xi32, #tpu.memory_space<vmem>>, %arg8: memref<157x128xi32, #tpu.memory_space<vmem>>, %arg9: memref<2x128x48xf32, #tpu.memory_space<vmem>>, %arg10: memref<10016x48xf32, #tpu.memory_space<vmem_shared>>, %arg11: memref<!tpu.dma_semaphore, #tpu.memory_space<semaphore_mem>>, %arg12: memref<!tpu.dma_semaphore, #tpu.memory_space<semaphore_mem>>, %arg13: memref<!tpu.dma_semaphore, #tpu.memory_space<semaphore_mem>>, %arg14: memref<!tpu.dma_semaphore, #tpu.memory_space<semaphore_mem>>) attributes {dimension_semantics = [#tpu.dimension_semantics<core_parallel>, #tpu.dimension_semantics<subcore_parallel>], iteration_bounds = array<i64: 2, 16>, scalar_prefetch = 0 : i64, scratch_operands = 8 : i64, tpu.core_type = #tpu.core_type<sc_vector_subcore>, window_params = [{transform_indices = #map}, {transform_indices = #map}, {transform_indices = #map1}, {transform_indices = #map}, {transform_indices = #map1}]} {
    %mul3A = arith.constant 626 : i32
    %mul3A_0 = arith.muli %arg1, %mul3A : i32
    %mul3A_1 = arith.constant 16 : i32
    %mul3A_2 = arith.muli %arg0, %mul3A_1 : i32
    %add3A = arith.addi %mul3A_2, %arg1 : i32
    "tpu.region"() ({
      %run_scoped3A = tpu.sem_alloc : memref<!tpu.dma_semaphore, #tpu.memory_space<semaphore_mem>>
      %dma_start3A_73 = arith.constant 0 : i32
      %dma_start3A_74 = tpu.memref_slice %arg3[%add3A, %dma_start3A_73] : memref<32x20096xi32, #tpu.memory_space<hbm>> -> memref<1x20096xi32, #tpu.memory_space<hbm>>
      %dma_start3A_75 = tpu.memref_squeeze %dma_start3A_74 : memref<1x20096xi32, #tpu.memory_space<hbm>> -> memref<20096xi32, #tpu.memory_space<hbm>>
      %dma_start3A_76 = arith.constant 0 : i32
      %dma_start3A_77 = tpu.memref_slice %arg3[%add3A, %dma_start3A_76] : memref<32x20096xi32, #tpu.memory_space<hbm>> -> memref<1x20096xi32, #tpu.memory_space<hbm>>
      %dma_start3A_78 = tpu.memref_squeeze %dma_start3A_77 : memref<1x20096xi32, #tpu.memory_space<hbm>> -> memref<20096xi32, #tpu.memory_space<hbm>>
      tpu.enqueue_dma source(%dma_start3A_78 : memref<20096xi32, #tpu.memory_space<hbm>>) target(%arg7 : memref<20096xi32, #tpu.memory_space<vmem>>) target_semaphore(%run_scoped3A : memref<!tpu.dma_semaphore, #tpu.memory_space<semaphore_mem>>)
      %dma_wait3A_79 = arith.constant 0 : i32
      %dma_wait3A_80 = tpu.memref_slice %arg3[%add3A, %dma_wait3A_79] : memref<32x20096xi32, #tpu.memory_space<hbm>> -> memref<1x20096xi32, #tpu.memory_space<hbm>>
      %dma_wait3A_81 = tpu.memref_squeeze %dma_wait3A_80 : memref<1x20096xi32, #tpu.memory_space<hbm>> -> memref<20096xi32, #tpu.memory_space<hbm>>
      %dma_wait3A_82 = arith.constant 0 : i32
      %dma_wait3A_83 = tpu.memref_slice %arg3[%add3A, %dma_wait3A_82] : memref<32x20096xi32, #tpu.memory_space<hbm>> -> memref<1x20096xi32, #tpu.memory_space<hbm>>
      %dma_wait3A_84 = tpu.memref_squeeze %dma_wait3A_83 : memref<1x20096xi32, #tpu.memory_space<hbm>> -> memref<20096xi32, #tpu.memory_space<hbm>>
      tpu.wait_dma2 semaphore(%run_scoped3A : memref<!tpu.dma_semaphore, #tpu.memory_space<semaphore_mem>>) src(%dma_wait3A_84 : memref<20096xi32, #tpu.memory_space<hbm>>) dst(%arg7 : memref<20096xi32, #tpu.memory_space<vmem>>)
      tpu.yield
    }) : () -> ()
    "tpu.region"() ({
      %run_scoped3A = tpu.sem_alloc : memref<!tpu.dma_semaphore, #tpu.memory_space<semaphore_mem>>
      %dma_start3A_73 = arith.constant 0 : i32
      %dma_start3A_74 = arith.constant 0 : i32
      %dma_start3A_75 = tpu.memref_slice %arg4[%arg1, %dma_start3A_73, %dma_start3A_74] : memref<16x157x128xi32, #tpu.memory_space<hbm>> -> memref<1x157x128xi32, #tpu.memory_space<hbm>>
      %dma_start3A_76 = tpu.memref_squeeze %dma_start3A_75 : memref<1x157x128xi32, #tpu.memory_space<hbm>> -> memref<157x128xi32, #tpu.memory_space<hbm>>
      %dma_start3A_77 = arith.constant 0 : i32
      %dma_start3A_78 = arith.constant 0 : i32
      %dma_start3A_79 = tpu.memref_slice %arg4[%arg1, %dma_start3A_77, %dma_start3A_78] : memref<16x157x128xi32, #tpu.memory_space<hbm>> -> memref<1x157x128xi32, #tpu.memory_space<hbm>>
      %dma_start3A_80 = tpu.memref_squeeze %dma_start3A_79 : memref<1x157x128xi32, #tpu.memory_space<hbm>> -> memref<157x128xi32, #tpu.memory_space<hbm>>
      tpu.enqueue_dma source(%dma_start3A_80 : memref<157x128xi32, #tpu.memory_space<hbm>>) target(%arg8 : memref<157x128xi32, #tpu.memory_space<vmem>>) target_semaphore(%run_scoped3A : memref<!tpu.dma_semaphore, #tpu.memory_space<semaphore_mem>>)
      %dma_wait3A_81 = arith.constant 0 : i32
      %dma_wait3A_82 = arith.constant 0 : i32
      %dma_wait3A_83 = tpu.memref_slice %arg4[%arg1, %dma_wait3A_81, %dma_wait3A_82] : memref<16x157x128xi32, #tpu.memory_space<hbm>> -> memref<1x157x128xi32, #tpu.memory_space<hbm>>
      %dma_wait3A_84 = tpu.memref_squeeze %dma_wait3A_83 : memref<1x157x128xi32, #tpu.memory_space<hbm>> -> memref<157x128xi32, #tpu.memory_space<hbm>>
      %dma_wait3A_85 = arith.constant 0 : i32
      %dma_wait3A_86 = arith.constant 0 : i32
      %dma_wait3A_87 = tpu.memref_slice %arg4[%arg1, %dma_wait3A_85, %dma_wait3A_86] : memref<16x157x128xi32, #tpu.memory_space<hbm>> -> memref<1x157x128xi32, #tpu.memory_space<hbm>>
      %dma_wait3A_88 = tpu.memref_squeeze %dma_wait3A_87 : memref<1x157x128xi32, #tpu.memory_space<hbm>> -> memref<157x128xi32, #tpu.memory_space<hbm>>
      tpu.wait_dma2 semaphore(%run_scoped3A : memref<!tpu.dma_semaphore, #tpu.memory_space<semaphore_mem>>) src(%dma_wait3A_88 : memref<157x128xi32, #tpu.memory_space<hbm>>) dst(%arg8 : memref<157x128xi32, #tpu.memory_space<vmem>>)
      tpu.yield
    }) : () -> ()
    "tpu.region"() ({
      %run_scoped3A = tpu.sem_alloc : memref<!tpu.dma_semaphore, #tpu.memory_space<semaphore_mem>>
      %dma_start3A_73 = arith.constant 0 : i32
      %dma_start3A_74 = tpu.memref_slice %arg10[%mul3A_0, %dma_start3A_73] : memref<10016x48xf32, #tpu.memory_space<vmem_shared>> -> memref<626x48xf32, #tpu.memory_space<vmem_shared>>
      %dma_start3A_75 = arith.constant 0 : i32
      %dma_start3A_76 = tpu.memref_slice %arg5[%mul3A_0, %dma_start3A_75] : memref<10016x48xf32, #tpu.memory_space<hbm>> -> memref<626x48xf32, #tpu.memory_space<hbm>>
      tpu.enqueue_dma source(%dma_start3A_76 : memref<626x48xf32, #tpu.memory_space<hbm>>) target(%dma_start3A_74 : memref<626x48xf32, #tpu.memory_space<vmem_shared>>) target_semaphore(%run_scoped3A : memref<!tpu.dma_semaphore, #tpu.memory_space<semaphore_mem>>)
      %dma_wait3A_77 = arith.constant 0 : i32
      %dma_wait3A_78 = tpu.memref_slice %arg10[%mul3A_0, %dma_wait3A_77] : memref<10016x48xf32, #tpu.memory_space<vmem_shared>> -> memref<626x48xf32, #tpu.memory_space<vmem_shared>>
      %dma_wait3A_79 = arith.constant 0 : i32
      %dma_wait3A_80 = tpu.memref_slice %arg5[%mul3A_0, %dma_wait3A_79] : memref<10016x48xf32, #tpu.memory_space<hbm>> -> memref<626x48xf32, #tpu.memory_space<hbm>>
      tpu.wait_dma2 semaphore(%run_scoped3A : memref<!tpu.dma_semaphore, #tpu.memory_space<semaphore_mem>>) src(%dma_wait3A_80 : memref<626x48xf32, #tpu.memory_space<hbm>>) dst(%dma_wait3A_78 : memref<626x48xf32, #tpu.memory_space<vmem_shared>>)
      tpu.yield
    }) : () -> ()
    %barrier3A = arith.constant 0 : index
    tpu.barrier barrier_id(%barrier3A)
    %dma_start3A = arith.constant 0 : i32
    %dma_start3A_3 = arith.constant 0 : i32
    %dma_start3A_4 = arith.constant 0 : i32
    %dma_start3A_5 = tpu.memref_slice %arg9[%dma_start3A, %dma_start3A_3, %dma_start3A_4] : memref<2x128x48xf32, #tpu.memory_space<vmem>> -> memref<1x128x48xf32, #tpu.memory_space<vmem>>
    %dma_start3A_6 = tpu.memref_squeeze %dma_start3A_5 : memref<1x128x48xf32, #tpu.memory_space<vmem>> -> memref<128x48xf32, #tpu.memory_space<vmem>>
    %dma_start3A_7 = arith.constant 0 : i32
    %dma_start3A_8 = tpu.memref_slice %arg7[%dma_start3A_7] : memref<20096xi32, #tpu.memory_space<vmem>> -> memref<128xi32, #tpu.memory_space<vmem>>
    %dma_start3A_9 = arith.constant 0 : i32
    %dma_start3A_10 = arith.constant 0 : i32
    %dma_start3A_11 = tpu.memref_slice %arg2[%dma_start3A_9, %dma_start3A_10] : memref<20000x48xf32, #tpu.memory_space<hbm>> -> memref<20000x48xf32, #tpu.memory_space<hbm>>
    tpu.enqueue_indirect_dma source(%dma_start3A_11 : memref<20000x48xf32, #tpu.memory_space<hbm>>) target(%dma_start3A_6 : memref<128x48xf32, #tpu.memory_space<vmem>>) offsets(%dma_start3A_8 : memref<128xi32, #tpu.memory_space<vmem>>) semaphore(%arg11 : memref<!tpu.dma_semaphore, #tpu.memory_space<semaphore_mem>>)
    %dma_start3A_12 = arith.constant 1 : i32
    %dma_start3A_13 = arith.constant 0 : i32
    %dma_start3A_14 = arith.constant 0 : i32
    %dma_start3A_15 = tpu.memref_slice %arg9[%dma_start3A_12, %dma_start3A_13, %dma_start3A_14] : memref<2x128x48xf32, #tpu.memory_space<vmem>> -> memref<1x128x48xf32, #tpu.memory_space<vmem>>
    %dma_start3A_16 = tpu.memref_squeeze %dma_start3A_15 : memref<1x128x48xf32, #tpu.memory_space<vmem>> -> memref<128x48xf32, #tpu.memory_space<vmem>>
    %dma_start3A_17 = arith.constant 128 : i32
    %dma_start3A_18 = tpu.memref_slice %arg7[%dma_start3A_17] : memref<20096xi32, #tpu.memory_space<vmem>> -> memref<128xi32, #tpu.memory_space<vmem>>
    %dma_start3A_19 = arith.constant 0 : i32
    %dma_start3A_20 = arith.constant 0 : i32
    %dma_start3A_21 = tpu.memref_slice %arg2[%dma_start3A_19, %dma_start3A_20] : memref<20000x48xf32, #tpu.memory_space<hbm>> -> memref<20000x48xf32, #tpu.memory_space<hbm>>
    tpu.enqueue_indirect_dma source(%dma_start3A_21 : memref<20000x48xf32, #tpu.memory_space<hbm>>) target(%dma_start3A_16 : memref<128x48xf32, #tpu.memory_space<vmem>>) offsets(%dma_start3A_18 : memref<128xi32, #tpu.memory_space<vmem>>) semaphore(%arg12 : memref<!tpu.dma_semaphore, #tpu.memory_space<semaphore_mem>>)
    %scan3A = arith.constant 0 : i32
    %scan3A_22 = arith.constant 0 : i32
    %scan3A_23 = arith.constant 78 : i32
    %scan3A_24 = arith.addi %scan3A_22, %scan3A_23 : i32
    %scan3A_25 = arith.constant 1 : i32
    scf.for %scan3A_73 = %scan3A_22 to %scan3A_24 step %scan3A_25  : i32 {
      %mul3A_74 = arith.constant 2 : i32
      %mul3A_75 = arith.muli %scan3A_73, %mul3A_74 : i32
      %add3A_76 = arith.constant 0 : i32
      %add3A_77 = arith.addi %mul3A_75, %add3A_76 : i32
      %mul3A_78 = arith.constant 128 : i32
      %mul3A_79 = arith.muli %add3A_77, %mul3A_78 : i32
      %dma_wait3A_80 = arith.constant 0 : i32
      %dma_wait3A_81 = arith.constant 0 : i32
      %dma_wait3A_82 = arith.constant 0 : i32
      %dma_wait3A_83 = tpu.memref_slice %arg9[%dma_wait3A_80, %dma_wait3A_81, %dma_wait3A_82] : memref<2x128x48xf32, #tpu.memory_space<vmem>> -> memref<1x128x48xf32, #tpu.memory_space<vmem>>
      %dma_wait3A_84 = tpu.memref_squeeze %dma_wait3A_83 : memref<1x128x48xf32, #tpu.memory_space<vmem>> -> memref<128x48xf32, #tpu.memory_space<vmem>>
      %dma_wait3A_85 = tpu.memref_slice %arg7[%mul3A_79] : memref<20096xi32, #tpu.memory_space<vmem>> -> memref<128xi32, #tpu.memory_space<vmem>>
      %dma_wait3A_86 = arith.constant 0 : i32
      %dma_wait3A_87 = arith.constant 0 : i32
      %dma_wait3A_88 = tpu.memref_slice %arg2[%dma_wait3A_86, %dma_wait3A_87] : memref<20000x48xf32, #tpu.memory_space<hbm>> -> memref<20000x48xf32, #tpu.memory_space<hbm>>
      tpu.wait_indirect_dma semaphore(%arg11 : memref<!tpu.dma_semaphore, #tpu.memory_space<semaphore_mem>>) src(%dma_wait3A_88 : memref<20000x48xf32, #tpu.memory_space<hbm>>) dst(%dma_wait3A_84 : memref<128x48xf32, #tpu.memory_space<vmem>>)
      %dma_start3A_89 = arith.constant 0 : i32
      %dma_start3A_90 = arith.constant 0 : i32
      %dma_start3A_91 = arith.constant 0 : i32
      %dma_start3A_92 = tpu.memref_slice %arg9[%dma_start3A_89, %dma_start3A_90, %dma_start3A_91] : memref<2x128x48xf32, #tpu.memory_space<vmem>> -> memref<1x128x48xf32, #tpu.memory_space<vmem>>
      %dma_start3A_93 = tpu.memref_squeeze %dma_start3A_92 : memref<1x128x48xf32, #tpu.memory_space<vmem>> -> memref<128x48xf32, #tpu.memory_space<vmem>>
      %dma_start3A_94 = arith.constant 0 : i32
      %dma_start3A_95 = tpu.memref_slice %arg8[%add3A_77, %dma_start3A_94] : memref<157x128xi32, #tpu.memory_space<vmem>> -> memref<1x128xi32, #tpu.memory_space<vmem>>
      %dma_start3A_96 = tpu.memref_squeeze %dma_start3A_95 : memref<1x128xi32, #tpu.memory_space<vmem>> -> memref<128xi32, #tpu.memory_space<vmem>>
      %dma_start3A_97 = arith.constant 0 : i32
      %dma_start3A_98 = arith.constant 0 : i32
      %dma_start3A_99 = tpu.memref_slice %arg10[%dma_start3A_97, %dma_start3A_98] : memref<10016x48xf32, #tpu.memory_space<vmem_shared>> -> memref<10016x48xf32, #tpu.memory_space<vmem_shared>>
      tpu.enqueue_indirect_dma source(%dma_start3A_93 : memref<128x48xf32, #tpu.memory_space<vmem>>) target(%dma_start3A_99 : memref<10016x48xf32, #tpu.memory_space<vmem_shared>>) offsets(%dma_start3A_96 : memref<128xi32, #tpu.memory_space<vmem>>) semaphore(%arg13 : memref<!tpu.dma_semaphore, #tpu.memory_space<semaphore_mem>>) {add = true}
      %add3A_100 = arith.constant 2 : i32
      %add3A_101 = arith.addi %add3A_77, %add3A_100 : i32
      %lt3A = arith.constant 157 : i32
      %lt3A_102 = arith.cmpi slt, %add3A_101, %lt3A : i32
      %convert_element_type3A = arith.extui %lt3A_102 : i1 to i32
      %cond3A = arith.constant 0 : i32
      %cond3A_103 = arith.cmpi ne, %convert_element_type3A, %cond3A : i32
      scf.if %cond3A_103 {
        %dma_wait3A_137 = arith.constant 0 : i32
        %dma_wait3A_138 = arith.constant 0 : i32
        %dma_wait3A_139 = arith.constant 0 : i32
        %dma_wait3A_140 = tpu.memref_slice %arg9[%dma_wait3A_137, %dma_wait3A_138, %dma_wait3A_139] : memref<2x128x48xf32, #tpu.memory_space<vmem>> -> memref<1x128x48xf32, #tpu.memory_space<vmem>>
        %dma_wait3A_141 = tpu.memref_squeeze %dma_wait3A_140 : memref<1x128x48xf32, #tpu.memory_space<vmem>> -> memref<128x48xf32, #tpu.memory_space<vmem>>
        %dma_wait3A_142 = arith.constant 0 : i32
        %dma_wait3A_143 = tpu.memref_slice %arg8[%add3A_77, %dma_wait3A_142] : memref<157x128xi32, #tpu.memory_space<vmem>> -> memref<1x128xi32, #tpu.memory_space<vmem>>
        %dma_wait3A_144 = tpu.memref_squeeze %dma_wait3A_143 : memref<1x128xi32, #tpu.memory_space<vmem>> -> memref<128xi32, #tpu.memory_space<vmem>>
        %dma_wait3A_145 = arith.constant 0 : i32
        %dma_wait3A_146 = arith.constant 0 : i32
        %dma_wait3A_147 = tpu.memref_slice %arg10[%dma_wait3A_145, %dma_wait3A_146] : memref<10016x48xf32, #tpu.memory_space<vmem_shared>> -> memref<10016x48xf32, #tpu.memory_space<vmem_shared>>
        tpu.wait_indirect_dma semaphore(%arg13 : memref<!tpu.dma_semaphore, #tpu.memory_space<semaphore_mem>>) src(%dma_wait3A_141 : memref<128x48xf32, #tpu.memory_space<vmem>>) dst(%dma_wait3A_147 : memref<10016x48xf32, #tpu.memory_space<vmem_shared>>)
        %mul3A_148 = arith.constant 128 : i32
        %mul3A_149 = arith.muli %add3A_101, %mul3A_148 : i32
        %dma_start3A_150 = arith.constant 0 : i32
        %dma_start3A_151 = arith.constant 0 : i32
        %dma_start3A_152 = arith.constant 0 : i32
        %dma_start3A_153 = tpu.memref_slice %arg9[%dma_start3A_150, %dma_start3A_151, %dma_start3A_152] : memref<2x128x48xf32, #tpu.memory_space<vmem>> -> memref<1x128x48xf32, #tpu.memory_space<vmem>>
        %dma_start3A_154 = tpu.memref_squeeze %dma_start3A_153 : memref<1x128x48xf32, #tpu.memory_space<vmem>> -> memref<128x48xf32, #tpu.memory_space<vmem>>
        %dma_start3A_155 = tpu.memref_slice %arg7[%mul3A_149] : memref<20096xi32, #tpu.memory_space<vmem>> -> memref<128xi32, #tpu.memory_space<vmem>>
        %dma_start3A_156 = arith.constant 0 : i32
        %dma_start3A_157 = arith.constant 0 : i32
        %dma_start3A_158 = tpu.memref_slice %arg2[%dma_start3A_156, %dma_start3A_157] : memref<20000x48xf32, #tpu.memory_space<hbm>> -> memref<20000x48xf32, #tpu.memory_space<hbm>>
        tpu.enqueue_indirect_dma source(%dma_start3A_158 : memref<20000x48xf32, #tpu.memory_space<hbm>>) target(%dma_start3A_154 : memref<128x48xf32, #tpu.memory_space<vmem>>) offsets(%dma_start3A_155 : memref<128xi32, #tpu.memory_space<vmem>>) semaphore(%arg11 : memref<!tpu.dma_semaphore, #tpu.memory_space<semaphore_mem>>)
      } else {
      }
      %mul3A_104 = arith.constant 2 : i32
      %mul3A_105 = arith.muli %scan3A_73, %mul3A_104 : i32
      %add3A_106 = arith.constant 1 : i32
      %add3A_107 = arith.addi %mul3A_105, %add3A_106 : i32
      %mul3A_108 = arith.constant 128 : i32
      %mul3A_109 = arith.muli %add3A_107, %mul3A_108 : i32
      %dma_wait3A_110 = arith.constant 1 : i32
      %dma_wait3A_111 = arith.constant 0 : i32
      %dma_wait3A_112 = arith.constant 0 : i32
      %dma_wait3A_113 = tpu.memref_slice %arg9[%dma_wait3A_110, %dma_wait3A_111, %dma_wait3A_112] : memref<2x128x48xf32, #tpu.memory_space<vmem>> -> memref<1x128x48xf32, #tpu.memory_space<vmem>>
      %dma_wait3A_114 = tpu.memref_squeeze %dma_wait3A_113 : memref<1x128x48xf32, #tpu.memory_space<vmem>> -> memref<128x48xf32, #tpu.memory_space<vmem>>
      %dma_wait3A_115 = tpu.memref_slice %arg7[%mul3A_109] : memref<20096xi32, #tpu.memory_space<vmem>> -> memref<128xi32, #tpu.memory_space<vmem>>
      %dma_wait3A_116 = arith.constant 0 : i32
      %dma_wait3A_117 = arith.constant 0 : i32
      %dma_wait3A_118 = tpu.memref_slice %arg2[%dma_wait3A_116, %dma_wait3A_117] : memref<20000x48xf32, #tpu.memory_space<hbm>> -> memref<20000x48xf32, #tpu.memory_space<hbm>>
      tpu.wait_indirect_dma semaphore(%arg12 : memref<!tpu.dma_semaphore, #tpu.memory_space<semaphore_mem>>) src(%dma_wait3A_118 : memref<20000x48xf32, #tpu.memory_space<hbm>>) dst(%dma_wait3A_114 : memref<128x48xf32, #tpu.memory_space<vmem>>)
      %dma_start3A_119 = arith.constant 1 : i32
      %dma_start3A_120 = arith.constant 0 : i32
      %dma_start3A_121 = arith.constant 0 : i32
      %dma_start3A_122 = tpu.memref_slice %arg9[%dma_start3A_119, %dma_start3A_120, %dma_start3A_121] : memref<2x128x48xf32, #tpu.memory_space<vmem>> -> memref<1x128x48xf32, #tpu.memory_space<vmem>>
      %dma_start3A_123 = tpu.memref_squeeze %dma_start3A_122 : memref<1x128x48xf32, #tpu.memory_space<vmem>> -> memref<128x48xf32, #tpu.memory_space<vmem>>
      %dma_start3A_124 = arith.constant 0 : i32
      %dma_start3A_125 = tpu.memref_slice %arg8[%add3A_107, %dma_start3A_124] : memref<157x128xi32, #tpu.memory_space<vmem>> -> memref<1x128xi32, #tpu.memory_space<vmem>>
      %dma_start3A_126 = tpu.memref_squeeze %dma_start3A_125 : memref<1x128xi32, #tpu.memory_space<vmem>> -> memref<128xi32, #tpu.memory_space<vmem>>
      %dma_start3A_127 = arith.constant 0 : i32
      %dma_start3A_128 = arith.constant 0 : i32
      %dma_start3A_129 = tpu.memref_slice %arg10[%dma_start3A_127, %dma_start3A_128] : memref<10016x48xf32, #tpu.memory_space<vmem_shared>> -> memref<10016x48xf32, #tpu.memory_space<vmem_shared>>
      tpu.enqueue_indirect_dma source(%dma_start3A_123 : memref<128x48xf32, #tpu.memory_space<vmem>>) target(%dma_start3A_129 : memref<10016x48xf32, #tpu.memory_space<vmem_shared>>) offsets(%dma_start3A_126 : memref<128xi32, #tpu.memory_space<vmem>>) semaphore(%arg14 : memref<!tpu.dma_semaphore, #tpu.memory_space<semaphore_mem>>) {add = true}
      %add3A_130 = arith.constant 2 : i32
      %add3A_131 = arith.addi %add3A_107, %add3A_130 : i32
      %lt3A_132 = arith.constant 157 : i32
      %lt3A_133 = arith.cmpi slt, %add3A_131, %lt3A_132 : i32
      %convert_element_type3A_134 = arith.extui %lt3A_133 : i1 to i32
      %cond3A_135 = arith.constant 0 : i32
      %cond3A_136 = arith.cmpi ne, %convert_element_type3A_134, %cond3A_135 : i32
      scf.if %cond3A_136 {
        %dma_wait3A_137 = arith.constant 1 : i32
        %dma_wait3A_138 = arith.constant 0 : i32
        %dma_wait3A_139 = arith.constant 0 : i32
        %dma_wait3A_140 = tpu.memref_slice %arg9[%dma_wait3A_137, %dma_wait3A_138, %dma_wait3A_139] : memref<2x128x48xf32, #tpu.memory_space<vmem>> -> memref<1x128x48xf32, #tpu.memory_space<vmem>>
        %dma_wait3A_141 = tpu.memref_squeeze %dma_wait3A_140 : memref<1x128x48xf32, #tpu.memory_space<vmem>> -> memref<128x48xf32, #tpu.memory_space<vmem>>
        %dma_wait3A_142 = arith.constant 0 : i32
        %dma_wait3A_143 = tpu.memref_slice %arg8[%add3A_107, %dma_wait3A_142] : memref<157x128xi32, #tpu.memory_space<vmem>> -> memref<1x128xi32, #tpu.memory_space<vmem>>
        %dma_wait3A_144 = tpu.memref_squeeze %dma_wait3A_143 : memref<1x128xi32, #tpu.memory_space<vmem>> -> memref<128xi32, #tpu.memory_space<vmem>>
        %dma_wait3A_145 = arith.constant 0 : i32
        %dma_wait3A_146 = arith.constant 0 : i32
        %dma_wait3A_147 = tpu.memref_slice %arg10[%dma_wait3A_145, %dma_wait3A_146] : memref<10016x48xf32, #tpu.memory_space<vmem_shared>> -> memref<10016x48xf32, #tpu.memory_space<vmem_shared>>
        tpu.wait_indirect_dma semaphore(%arg14 : memref<!tpu.dma_semaphore, #tpu.memory_space<semaphore_mem>>) src(%dma_wait3A_141 : memref<128x48xf32, #tpu.memory_space<vmem>>) dst(%dma_wait3A_147 : memref<10016x48xf32, #tpu.memory_space<vmem_shared>>)
        %mul3A_148 = arith.constant 128 : i32
        %mul3A_149 = arith.muli %add3A_131, %mul3A_148 : i32
        %dma_start3A_150 = arith.constant 1 : i32
        %dma_start3A_151 = arith.constant 0 : i32
        %dma_start3A_152 = arith.constant 0 : i32
        %dma_start3A_153 = tpu.memref_slice %arg9[%dma_start3A_150, %dma_start3A_151, %dma_start3A_152] : memref<2x128x48xf32, #tpu.memory_space<vmem>> -> memref<1x128x48xf32, #tpu.memory_space<vmem>>
        %dma_start3A_154 = tpu.memref_squeeze %dma_start3A_153 : memref<1x128x48xf32, #tpu.memory_space<vmem>> -> memref<128x48xf32, #tpu.memory_space<vmem>>
        %dma_start3A_155 = tpu.memref_slice %arg7[%mul3A_149] : memref<20096xi32, #tpu.memory_space<vmem>> -> memref<128xi32, #tpu.memory_space<vmem>>
        %dma_start3A_156 = arith.constant 0 : i32
        %dma_start3A_157 = arith.constant 0 : i32
        %dma_start3A_158 = tpu.memref_slice %arg2[%dma_start3A_156, %dma_start3A_157] : memref<20000x48xf32, #tpu.memory_space<hbm>> -> memref<20000x48xf32, #tpu.memory_space<hbm>>
        tpu.enqueue_indirect_dma source(%dma_start3A_158 : memref<20000x48xf32, #tpu.memory_space<hbm>>) target(%dma_start3A_154 : memref<128x48xf32, #tpu.memory_space<vmem>>) offsets(%dma_start3A_155 : memref<128xi32, #tpu.memory_space<vmem>>) semaphore(%arg12 : memref<!tpu.dma_semaphore, #tpu.memory_space<semaphore_mem>>)
      } else {
      }
    }
    %scan3A_26 = arith.constant 78 : i32
    %dma_wait3A = arith.constant 0 : i32
    %dma_wait3A_27 = arith.constant 0 : i32
    %dma_wait3A_28 = arith.constant 0 : i32
    %dma_wait3A_29 = tpu.memref_slice %arg9[%dma_wait3A, %dma_wait3A_27, %dma_wait3A_28] : memref<2x128x48xf32, #tpu.memory_space<vmem>> -> memref<1x128x48xf32, #tpu.memory_space<vmem>>
    %dma_wait3A_30 = tpu.memref_squeeze %dma_wait3A_29 : memref<1x128x48xf32, #tpu.memory_space<vmem>> -> memref<128x48xf32, #tpu.memory_space<vmem>>
    %dma_wait3A_31 = arith.constant 19968 : i32
    %dma_wait3A_32 = tpu.memref_slice %arg7[%dma_wait3A_31] : memref<20096xi32, #tpu.memory_space<vmem>> -> memref<128xi32, #tpu.memory_space<vmem>>
    %dma_wait3A_33 = arith.constant 0 : i32
    %dma_wait3A_34 = arith.constant 0 : i32
    %dma_wait3A_35 = tpu.memref_slice %arg2[%dma_wait3A_33, %dma_wait3A_34] : memref<20000x48xf32, #tpu.memory_space<hbm>> -> memref<20000x48xf32, #tpu.memory_space<hbm>>
    tpu.wait_indirect_dma semaphore(%arg11 : memref<!tpu.dma_semaphore, #tpu.memory_space<semaphore_mem>>) src(%dma_wait3A_35 : memref<20000x48xf32, #tpu.memory_space<hbm>>) dst(%dma_wait3A_30 : memref<128x48xf32, #tpu.memory_space<vmem>>)
    %dma_start3A_36 = arith.constant 0 : i32
    %dma_start3A_37 = arith.constant 156 : i32
    %dma_start3A_38 = arith.constant 0 : i32
    %dma_start3A_39 = arith.constant 0 : i32
    %dma_start3A_40 = tpu.memref_slice %arg9[%dma_start3A_36, %dma_start3A_38, %dma_start3A_39] : memref<2x128x48xf32, #tpu.memory_space<vmem>> -> memref<1x128x48xf32, #tpu.memory_space<vmem>>
    %dma_start3A_41 = tpu.memref_squeeze %dma_start3A_40 : memref<1x128x48xf32, #tpu.memory_space<vmem>> -> memref<128x48xf32, #tpu.memory_space<vmem>>
    %dma_start3A_42 = arith.constant 0 : i32
    %dma_start3A_43 = tpu.memref_slice %arg8[%dma_start3A_37, %dma_start3A_42] : memref<157x128xi32, #tpu.memory_space<vmem>> -> memref<1x128xi32, #tpu.memory_space<vmem>>
    %dma_start3A_44 = tpu.memref_squeeze %dma_start3A_43 : memref<1x128xi32, #tpu.memory_space<vmem>> -> memref<128xi32, #tpu.memory_space<vmem>>
    %dma_start3A_45 = arith.constant 0 : i32
    %dma_start3A_46 = arith.constant 0 : i32
    %dma_start3A_47 = tpu.memref_slice %arg10[%dma_start3A_45, %dma_start3A_46] : memref<10016x48xf32, #tpu.memory_space<vmem_shared>> -> memref<10016x48xf32, #tpu.memory_space<vmem_shared>>
    tpu.enqueue_indirect_dma source(%dma_start3A_41 : memref<128x48xf32, #tpu.memory_space<vmem>>) target(%dma_start3A_47 : memref<10016x48xf32, #tpu.memory_space<vmem_shared>>) offsets(%dma_start3A_44 : memref<128xi32, #tpu.memory_space<vmem>>) semaphore(%arg13 : memref<!tpu.dma_semaphore, #tpu.memory_space<semaphore_mem>>) {add = true}
    %dma_wait3A_48 = arith.constant 1 : i32
    %dma_wait3A_49 = arith.constant 155 : i32
    %dma_wait3A_50 = arith.constant 0 : i32
    %dma_wait3A_51 = arith.constant 0 : i32
    %dma_wait3A_52 = tpu.memref_slice %arg9[%dma_wait3A_48, %dma_wait3A_50, %dma_wait3A_51] : memref<2x128x48xf32, #tpu.memory_space<vmem>> -> memref<1x128x48xf32, #tpu.memory_space<vmem>>
    %dma_wait3A_53 = tpu.memref_squeeze %dma_wait3A_52 : memref<1x128x48xf32, #tpu.memory_space<vmem>> -> memref<128x48xf32, #tpu.memory_space<vmem>>
    %dma_wait3A_54 = arith.constant 0 : i32
    %dma_wait3A_55 = tpu.memref_slice %arg8[%dma_wait3A_49, %dma_wait3A_54] : memref<157x128xi32, #tpu.memory_space<vmem>> -> memref<1x128xi32, #tpu.memory_space<vmem>>
    %dma_wait3A_56 = tpu.memref_squeeze %dma_wait3A_55 : memref<1x128xi32, #tpu.memory_space<vmem>> -> memref<128xi32, #tpu.memory_space<vmem>>
    %dma_wait3A_57 = arith.constant 0 : i32
    %dma_wait3A_58 = arith.constant 0 : i32
    %dma_wait3A_59 = tpu.memref_slice %arg10[%dma_wait3A_57, %dma_wait3A_58] : memref<10016x48xf32, #tpu.memory_space<vmem_shared>> -> memref<10016x48xf32, #tpu.memory_space<vmem_shared>>
    tpu.wait_indirect_dma semaphore(%arg14 : memref<!tpu.dma_semaphore, #tpu.memory_space<semaphore_mem>>) src(%dma_wait3A_53 : memref<128x48xf32, #tpu.memory_space<vmem>>) dst(%dma_wait3A_59 : memref<10016x48xf32, #tpu.memory_space<vmem_shared>>)
    %dma_wait3A_60 = arith.constant 0 : i32
    %dma_wait3A_61 = arith.constant 156 : i32
    %dma_wait3A_62 = arith.constant 0 : i32
    %dma_wait3A_63 = arith.constant 0 : i32
    %dma_wait3A_64 = tpu.memref_slice %arg9[%dma_wait3A_60, %dma_wait3A_62, %dma_wait3A_63] : memref<2x128x48xf32, #tpu.memory_space<vmem>> -> memref<1x128x48xf32, #tpu.memory_space<vmem>>
    %dma_wait3A_65 = tpu.memref_squeeze %dma_wait3A_64 : memref<1x128x48xf32, #tpu.memory_space<vmem>> -> memref<128x48xf32, #tpu.memory_space<vmem>>
    %dma_wait3A_66 = arith.constant 0 : i32
    %dma_wait3A_67 = tpu.memref_slice %arg8[%dma_wait3A_61, %dma_wait3A_66] : memref<157x128xi32, #tpu.memory_space<vmem>> -> memref<1x128xi32, #tpu.memory_space<vmem>>
    %dma_wait3A_68 = tpu.memref_squeeze %dma_wait3A_67 : memref<1x128xi32, #tpu.memory_space<vmem>> -> memref<128xi32, #tpu.memory_space<vmem>>
    %dma_wait3A_69 = arith.constant 0 : i32
    %dma_wait3A_70 = arith.constant 0 : i32
    %dma_wait3A_71 = tpu.memref_slice %arg10[%dma_wait3A_69, %dma_wait3A_70] : memref<10016x48xf32, #tpu.memory_space<vmem_shared>> -> memref<10016x48xf32, #tpu.memory_space<vmem_shared>>
    tpu.wait_indirect_dma semaphore(%arg13 : memref<!tpu.dma_semaphore, #tpu.memory_space<semaphore_mem>>) src(%dma_wait3A_65 : memref<128x48xf32, #tpu.memory_space<vmem>>) dst(%dma_wait3A_71 : memref<10016x48xf32, #tpu.memory_space<vmem_shared>>)
    %barrier3A_72 = arith.constant 0 : index
    tpu.barrier barrier_id(%barrier3A_72)
    "tpu.region"() ({
      %run_scoped3A = tpu.sem_alloc : memref<!tpu.dma_semaphore, #tpu.memory_space<semaphore_mem>>
      %dma_start3A_73 = arith.constant 0 : i32
      %dma_start3A_74 = tpu.memref_slice %arg6[%arg0, %mul3A_0, %dma_start3A_73] : memref<2x10016x48xf32, #tpu.memory_space<hbm>> -> memref<1x626x48xf32, #tpu.memory_space<hbm>>
      %dma_start3A_75 = tpu.memref_squeeze %dma_start3A_74 : memref<1x626x48xf32, #tpu.memory_space<hbm>> -> memref<626x48xf32, #tpu.memory_space<hbm>>
      %dma_start3A_76 = arith.constant 0 : i32
      %dma_start3A_77 = tpu.memref_slice %arg10[%mul3A_0, %dma_start3A_76] : memref<10016x48xf32, #tpu.memory_space<vmem_shared>> -> memref<626x48xf32, #tpu.memory_space<vmem_shared>>
      tpu.enqueue_dma source(%dma_start3A_77 : memref<626x48xf32, #tpu.memory_space<vmem_shared>>) target(%dma_start3A_75 : memref<626x48xf32, #tpu.memory_space<hbm>>) target_semaphore(%run_scoped3A : memref<!tpu.dma_semaphore, #tpu.memory_space<semaphore_mem>>)
      %dma_wait3A_78 = arith.constant 0 : i32
      %dma_wait3A_79 = tpu.memref_slice %arg6[%arg0, %mul3A_0, %dma_wait3A_78] : memref<2x10016x48xf32, #tpu.memory_space<hbm>> -> memref<1x626x48xf32, #tpu.memory_space<hbm>>
      %dma_wait3A_80 = tpu.memref_squeeze %dma_wait3A_79 : memref<1x626x48xf32, #tpu.memory_space<hbm>> -> memref<626x48xf32, #tpu.memory_space<hbm>>
      %dma_wait3A_81 = arith.constant 0 : i32
      %dma_wait3A_82 = tpu.memref_slice %arg10[%mul3A_0, %dma_wait3A_81] : memref<10016x48xf32, #tpu.memory_space<vmem_shared>> -> memref<626x48xf32, #tpu.memory_space<vmem_shared>>
      tpu.wait_dma2 semaphore(%run_scoped3A : memref<!tpu.dma_semaphore, #tpu.memory_space<semaphore_mem>>) src(%dma_wait3A_82 : memref<626x48xf32, #tpu.memory_space<vmem_shared>>) dst(%dma_wait3A_80 : memref<626x48xf32, #tpu.memory_space<hbm>>)
      tpu.yield
    }) : () -> ()
    return
  }
}

#map = affine_map<(d0, d1) -> (0, 0)>
#map1 = affine_map<(d0, d1) -> (0, 0, 0)>
module attributes {stable_mosaic.version = 14 : i64} {
  func.func @sc_agg(%arg0: i32, %arg1: i32, %arg2: memref<20000x72xf32, #tpu.memory_space<hbm>>, %arg3: memref<32x20096xi32, #tpu.memory_space<hbm>>, %arg4: memref<16x157x128xi32, #tpu.memory_space<hbm>>, %arg5: memref<10016x72xf32, #tpu.memory_space<hbm>>, %arg6: memref<2x10016x72xf32, #tpu.memory_space<hbm>>, %arg7: memref<20096xi32, #tpu.memory_space<vmem>>, %arg8: memref<157x128xi32, #tpu.memory_space<vmem>>, %arg9: memref<2x128x72xf32, #tpu.memory_space<vmem>>, %arg10: memref<10016x72xf32, #tpu.memory_space<vmem_shared>>, %arg11: memref<!tpu.dma_semaphore, #tpu.memory_space<semaphore_mem>>, %arg12: memref<!tpu.dma_semaphore, #tpu.memory_space<semaphore_mem>>, %arg13: memref<!tpu.dma_semaphore, #tpu.memory_space<semaphore_mem>>, %arg14: memref<!tpu.dma_semaphore, #tpu.memory_space<semaphore_mem>>) attributes {dimension_semantics = [#tpu.dimension_semantics<core_parallel>, #tpu.dimension_semantics<subcore_parallel>], iteration_bounds = array<i64: 2, 16>, scalar_prefetch = 0 : i64, scratch_operands = 8 : i64, tpu.core_type = #tpu.core_type<sc_vector_subcore>, window_params = [{transform_indices = #map}, {transform_indices = #map}, {transform_indices = #map1}, {transform_indices = #map}, {transform_indices = #map1}]} {
    %mul3A = arith.constant 626 : i32
    %mul3A_0 = arith.muli %arg1, %mul3A : i32
    %mul3A_1 = arith.constant 16 : i32
    %mul3A_2 = arith.muli %arg0, %mul3A_1 : i32
    %add3A = arith.addi %mul3A_2, %arg1 : i32
    "tpu.region"() ({
      %run_scoped3A = tpu.sem_alloc : memref<!tpu.dma_semaphore, #tpu.memory_space<semaphore_mem>>
      %dma_start3A_73 = arith.constant 0 : i32
      %dma_start3A_74 = tpu.memref_slice %arg3[%add3A, %dma_start3A_73] : memref<32x20096xi32, #tpu.memory_space<hbm>> -> memref<1x20096xi32, #tpu.memory_space<hbm>>
      %dma_start3A_75 = tpu.memref_squeeze %dma_start3A_74 : memref<1x20096xi32, #tpu.memory_space<hbm>> -> memref<20096xi32, #tpu.memory_space<hbm>>
      %dma_start3A_76 = arith.constant 0 : i32
      %dma_start3A_77 = tpu.memref_slice %arg3[%add3A, %dma_start3A_76] : memref<32x20096xi32, #tpu.memory_space<hbm>> -> memref<1x20096xi32, #tpu.memory_space<hbm>>
      %dma_start3A_78 = tpu.memref_squeeze %dma_start3A_77 : memref<1x20096xi32, #tpu.memory_space<hbm>> -> memref<20096xi32, #tpu.memory_space<hbm>>
      tpu.enqueue_dma source(%dma_start3A_78 : memref<20096xi32, #tpu.memory_space<hbm>>) target(%arg7 : memref<20096xi32, #tpu.memory_space<vmem>>) target_semaphore(%run_scoped3A : memref<!tpu.dma_semaphore, #tpu.memory_space<semaphore_mem>>)
      %dma_wait3A_79 = arith.constant 0 : i32
      %dma_wait3A_80 = tpu.memref_slice %arg3[%add3A, %dma_wait3A_79] : memref<32x20096xi32, #tpu.memory_space<hbm>> -> memref<1x20096xi32, #tpu.memory_space<hbm>>
      %dma_wait3A_81 = tpu.memref_squeeze %dma_wait3A_80 : memref<1x20096xi32, #tpu.memory_space<hbm>> -> memref<20096xi32, #tpu.memory_space<hbm>>
      %dma_wait3A_82 = arith.constant 0 : i32
      %dma_wait3A_83 = tpu.memref_slice %arg3[%add3A, %dma_wait3A_82] : memref<32x20096xi32, #tpu.memory_space<hbm>> -> memref<1x20096xi32, #tpu.memory_space<hbm>>
      %dma_wait3A_84 = tpu.memref_squeeze %dma_wait3A_83 : memref<1x20096xi32, #tpu.memory_space<hbm>> -> memref<20096xi32, #tpu.memory_space<hbm>>
      tpu.wait_dma2 semaphore(%run_scoped3A : memref<!tpu.dma_semaphore, #tpu.memory_space<semaphore_mem>>) src(%dma_wait3A_84 : memref<20096xi32, #tpu.memory_space<hbm>>) dst(%arg7 : memref<20096xi32, #tpu.memory_space<vmem>>)
      tpu.yield
    }) : () -> ()
    "tpu.region"() ({
      %run_scoped3A = tpu.sem_alloc : memref<!tpu.dma_semaphore, #tpu.memory_space<semaphore_mem>>
      %dma_start3A_73 = arith.constant 0 : i32
      %dma_start3A_74 = arith.constant 0 : i32
      %dma_start3A_75 = tpu.memref_slice %arg4[%arg1, %dma_start3A_73, %dma_start3A_74] : memref<16x157x128xi32, #tpu.memory_space<hbm>> -> memref<1x157x128xi32, #tpu.memory_space<hbm>>
      %dma_start3A_76 = tpu.memref_squeeze %dma_start3A_75 : memref<1x157x128xi32, #tpu.memory_space<hbm>> -> memref<157x128xi32, #tpu.memory_space<hbm>>
      %dma_start3A_77 = arith.constant 0 : i32
      %dma_start3A_78 = arith.constant 0 : i32
      %dma_start3A_79 = tpu.memref_slice %arg4[%arg1, %dma_start3A_77, %dma_start3A_78] : memref<16x157x128xi32, #tpu.memory_space<hbm>> -> memref<1x157x128xi32, #tpu.memory_space<hbm>>
      %dma_start3A_80 = tpu.memref_squeeze %dma_start3A_79 : memref<1x157x128xi32, #tpu.memory_space<hbm>> -> memref<157x128xi32, #tpu.memory_space<hbm>>
      tpu.enqueue_dma source(%dma_start3A_80 : memref<157x128xi32, #tpu.memory_space<hbm>>) target(%arg8 : memref<157x128xi32, #tpu.memory_space<vmem>>) target_semaphore(%run_scoped3A : memref<!tpu.dma_semaphore, #tpu.memory_space<semaphore_mem>>)
      %dma_wait3A_81 = arith.constant 0 : i32
      %dma_wait3A_82 = arith.constant 0 : i32
      %dma_wait3A_83 = tpu.memref_slice %arg4[%arg1, %dma_wait3A_81, %dma_wait3A_82] : memref<16x157x128xi32, #tpu.memory_space<hbm>> -> memref<1x157x128xi32, #tpu.memory_space<hbm>>
      %dma_wait3A_84 = tpu.memref_squeeze %dma_wait3A_83 : memref<1x157x128xi32, #tpu.memory_space<hbm>> -> memref<157x128xi32, #tpu.memory_space<hbm>>
      %dma_wait3A_85 = arith.constant 0 : i32
      %dma_wait3A_86 = arith.constant 0 : i32
      %dma_wait3A_87 = tpu.memref_slice %arg4[%arg1, %dma_wait3A_85, %dma_wait3A_86] : memref<16x157x128xi32, #tpu.memory_space<hbm>> -> memref<1x157x128xi32, #tpu.memory_space<hbm>>
      %dma_wait3A_88 = tpu.memref_squeeze %dma_wait3A_87 : memref<1x157x128xi32, #tpu.memory_space<hbm>> -> memref<157x128xi32, #tpu.memory_space<hbm>>
      tpu.wait_dma2 semaphore(%run_scoped3A : memref<!tpu.dma_semaphore, #tpu.memory_space<semaphore_mem>>) src(%dma_wait3A_88 : memref<157x128xi32, #tpu.memory_space<hbm>>) dst(%arg8 : memref<157x128xi32, #tpu.memory_space<vmem>>)
      tpu.yield
    }) : () -> ()
    "tpu.region"() ({
      %run_scoped3A = tpu.sem_alloc : memref<!tpu.dma_semaphore, #tpu.memory_space<semaphore_mem>>
      %dma_start3A_73 = arith.constant 0 : i32
      %dma_start3A_74 = tpu.memref_slice %arg10[%mul3A_0, %dma_start3A_73] : memref<10016x72xf32, #tpu.memory_space<vmem_shared>> -> memref<626x72xf32, #tpu.memory_space<vmem_shared>>
      %dma_start3A_75 = arith.constant 0 : i32
      %dma_start3A_76 = tpu.memref_slice %arg5[%mul3A_0, %dma_start3A_75] : memref<10016x72xf32, #tpu.memory_space<hbm>> -> memref<626x72xf32, #tpu.memory_space<hbm>>
      tpu.enqueue_dma source(%dma_start3A_76 : memref<626x72xf32, #tpu.memory_space<hbm>>) target(%dma_start3A_74 : memref<626x72xf32, #tpu.memory_space<vmem_shared>>) target_semaphore(%run_scoped3A : memref<!tpu.dma_semaphore, #tpu.memory_space<semaphore_mem>>)
      %dma_wait3A_77 = arith.constant 0 : i32
      %dma_wait3A_78 = tpu.memref_slice %arg10[%mul3A_0, %dma_wait3A_77] : memref<10016x72xf32, #tpu.memory_space<vmem_shared>> -> memref<626x72xf32, #tpu.memory_space<vmem_shared>>
      %dma_wait3A_79 = arith.constant 0 : i32
      %dma_wait3A_80 = tpu.memref_slice %arg5[%mul3A_0, %dma_wait3A_79] : memref<10016x72xf32, #tpu.memory_space<hbm>> -> memref<626x72xf32, #tpu.memory_space<hbm>>
      tpu.wait_dma2 semaphore(%run_scoped3A : memref<!tpu.dma_semaphore, #tpu.memory_space<semaphore_mem>>) src(%dma_wait3A_80 : memref<626x72xf32, #tpu.memory_space<hbm>>) dst(%dma_wait3A_78 : memref<626x72xf32, #tpu.memory_space<vmem_shared>>)
      tpu.yield
    }) : () -> ()
    %barrier3A = arith.constant 0 : index
    tpu.barrier barrier_id(%barrier3A)
    %dma_start3A = arith.constant 0 : i32
    %dma_start3A_3 = arith.constant 0 : i32
    %dma_start3A_4 = arith.constant 0 : i32
    %dma_start3A_5 = tpu.memref_slice %arg9[%dma_start3A, %dma_start3A_3, %dma_start3A_4] : memref<2x128x72xf32, #tpu.memory_space<vmem>> -> memref<1x128x72xf32, #tpu.memory_space<vmem>>
    %dma_start3A_6 = tpu.memref_squeeze %dma_start3A_5 : memref<1x128x72xf32, #tpu.memory_space<vmem>> -> memref<128x72xf32, #tpu.memory_space<vmem>>
    %dma_start3A_7 = arith.constant 0 : i32
    %dma_start3A_8 = tpu.memref_slice %arg7[%dma_start3A_7] : memref<20096xi32, #tpu.memory_space<vmem>> -> memref<128xi32, #tpu.memory_space<vmem>>
    %dma_start3A_9 = arith.constant 0 : i32
    %dma_start3A_10 = arith.constant 0 : i32
    %dma_start3A_11 = tpu.memref_slice %arg2[%dma_start3A_9, %dma_start3A_10] : memref<20000x72xf32, #tpu.memory_space<hbm>> -> memref<20000x72xf32, #tpu.memory_space<hbm>>
    tpu.enqueue_indirect_dma source(%dma_start3A_11 : memref<20000x72xf32, #tpu.memory_space<hbm>>) target(%dma_start3A_6 : memref<128x72xf32, #tpu.memory_space<vmem>>) offsets(%dma_start3A_8 : memref<128xi32, #tpu.memory_space<vmem>>) semaphore(%arg11 : memref<!tpu.dma_semaphore, #tpu.memory_space<semaphore_mem>>)
    %dma_start3A_12 = arith.constant 1 : i32
    %dma_start3A_13 = arith.constant 0 : i32
    %dma_start3A_14 = arith.constant 0 : i32
    %dma_start3A_15 = tpu.memref_slice %arg9[%dma_start3A_12, %dma_start3A_13, %dma_start3A_14] : memref<2x128x72xf32, #tpu.memory_space<vmem>> -> memref<1x128x72xf32, #tpu.memory_space<vmem>>
    %dma_start3A_16 = tpu.memref_squeeze %dma_start3A_15 : memref<1x128x72xf32, #tpu.memory_space<vmem>> -> memref<128x72xf32, #tpu.memory_space<vmem>>
    %dma_start3A_17 = arith.constant 128 : i32
    %dma_start3A_18 = tpu.memref_slice %arg7[%dma_start3A_17] : memref<20096xi32, #tpu.memory_space<vmem>> -> memref<128xi32, #tpu.memory_space<vmem>>
    %dma_start3A_19 = arith.constant 0 : i32
    %dma_start3A_20 = arith.constant 0 : i32
    %dma_start3A_21 = tpu.memref_slice %arg2[%dma_start3A_19, %dma_start3A_20] : memref<20000x72xf32, #tpu.memory_space<hbm>> -> memref<20000x72xf32, #tpu.memory_space<hbm>>
    tpu.enqueue_indirect_dma source(%dma_start3A_21 : memref<20000x72xf32, #tpu.memory_space<hbm>>) target(%dma_start3A_16 : memref<128x72xf32, #tpu.memory_space<vmem>>) offsets(%dma_start3A_18 : memref<128xi32, #tpu.memory_space<vmem>>) semaphore(%arg12 : memref<!tpu.dma_semaphore, #tpu.memory_space<semaphore_mem>>)
    %scan3A = arith.constant 0 : i32
    %scan3A_22 = arith.constant 0 : i32
    %scan3A_23 = arith.constant 78 : i32
    %scan3A_24 = arith.addi %scan3A_22, %scan3A_23 : i32
    %scan3A_25 = arith.constant 1 : i32
    scf.for %scan3A_73 = %scan3A_22 to %scan3A_24 step %scan3A_25  : i32 {
      %mul3A_74 = arith.constant 2 : i32
      %mul3A_75 = arith.muli %scan3A_73, %mul3A_74 : i32
      %add3A_76 = arith.constant 0 : i32
      %add3A_77 = arith.addi %mul3A_75, %add3A_76 : i32
      %mul3A_78 = arith.constant 128 : i32
      %mul3A_79 = arith.muli %add3A_77, %mul3A_78 : i32
      %dma_wait3A_80 = arith.constant 0 : i32
      %dma_wait3A_81 = arith.constant 0 : i32
      %dma_wait3A_82 = arith.constant 0 : i32
      %dma_wait3A_83 = tpu.memref_slice %arg9[%dma_wait3A_80, %dma_wait3A_81, %dma_wait3A_82] : memref<2x128x72xf32, #tpu.memory_space<vmem>> -> memref<1x128x72xf32, #tpu.memory_space<vmem>>
      %dma_wait3A_84 = tpu.memref_squeeze %dma_wait3A_83 : memref<1x128x72xf32, #tpu.memory_space<vmem>> -> memref<128x72xf32, #tpu.memory_space<vmem>>
      %dma_wait3A_85 = tpu.memref_slice %arg7[%mul3A_79] : memref<20096xi32, #tpu.memory_space<vmem>> -> memref<128xi32, #tpu.memory_space<vmem>>
      %dma_wait3A_86 = arith.constant 0 : i32
      %dma_wait3A_87 = arith.constant 0 : i32
      %dma_wait3A_88 = tpu.memref_slice %arg2[%dma_wait3A_86, %dma_wait3A_87] : memref<20000x72xf32, #tpu.memory_space<hbm>> -> memref<20000x72xf32, #tpu.memory_space<hbm>>
      tpu.wait_indirect_dma semaphore(%arg11 : memref<!tpu.dma_semaphore, #tpu.memory_space<semaphore_mem>>) src(%dma_wait3A_88 : memref<20000x72xf32, #tpu.memory_space<hbm>>) dst(%dma_wait3A_84 : memref<128x72xf32, #tpu.memory_space<vmem>>)
      %dma_start3A_89 = arith.constant 0 : i32
      %dma_start3A_90 = arith.constant 0 : i32
      %dma_start3A_91 = arith.constant 0 : i32
      %dma_start3A_92 = tpu.memref_slice %arg9[%dma_start3A_89, %dma_start3A_90, %dma_start3A_91] : memref<2x128x72xf32, #tpu.memory_space<vmem>> -> memref<1x128x72xf32, #tpu.memory_space<vmem>>
      %dma_start3A_93 = tpu.memref_squeeze %dma_start3A_92 : memref<1x128x72xf32, #tpu.memory_space<vmem>> -> memref<128x72xf32, #tpu.memory_space<vmem>>
      %dma_start3A_94 = arith.constant 0 : i32
      %dma_start3A_95 = tpu.memref_slice %arg8[%add3A_77, %dma_start3A_94] : memref<157x128xi32, #tpu.memory_space<vmem>> -> memref<1x128xi32, #tpu.memory_space<vmem>>
      %dma_start3A_96 = tpu.memref_squeeze %dma_start3A_95 : memref<1x128xi32, #tpu.memory_space<vmem>> -> memref<128xi32, #tpu.memory_space<vmem>>
      %dma_start3A_97 = arith.constant 0 : i32
      %dma_start3A_98 = arith.constant 0 : i32
      %dma_start3A_99 = tpu.memref_slice %arg10[%dma_start3A_97, %dma_start3A_98] : memref<10016x72xf32, #tpu.memory_space<vmem_shared>> -> memref<10016x72xf32, #tpu.memory_space<vmem_shared>>
      tpu.enqueue_indirect_dma source(%dma_start3A_93 : memref<128x72xf32, #tpu.memory_space<vmem>>) target(%dma_start3A_99 : memref<10016x72xf32, #tpu.memory_space<vmem_shared>>) offsets(%dma_start3A_96 : memref<128xi32, #tpu.memory_space<vmem>>) semaphore(%arg13 : memref<!tpu.dma_semaphore, #tpu.memory_space<semaphore_mem>>) {add = true}
      %add3A_100 = arith.constant 2 : i32
      %add3A_101 = arith.addi %add3A_77, %add3A_100 : i32
      %lt3A = arith.constant 157 : i32
      %lt3A_102 = arith.cmpi slt, %add3A_101, %lt3A : i32
      %convert_element_type3A = arith.extui %lt3A_102 : i1 to i32
      %cond3A = arith.constant 0 : i32
      %cond3A_103 = arith.cmpi ne, %convert_element_type3A, %cond3A : i32
      scf.if %cond3A_103 {
        %dma_wait3A_137 = arith.constant 0 : i32
        %dma_wait3A_138 = arith.constant 0 : i32
        %dma_wait3A_139 = arith.constant 0 : i32
        %dma_wait3A_140 = tpu.memref_slice %arg9[%dma_wait3A_137, %dma_wait3A_138, %dma_wait3A_139] : memref<2x128x72xf32, #tpu.memory_space<vmem>> -> memref<1x128x72xf32, #tpu.memory_space<vmem>>
        %dma_wait3A_141 = tpu.memref_squeeze %dma_wait3A_140 : memref<1x128x72xf32, #tpu.memory_space<vmem>> -> memref<128x72xf32, #tpu.memory_space<vmem>>
        %dma_wait3A_142 = arith.constant 0 : i32
        %dma_wait3A_143 = tpu.memref_slice %arg8[%add3A_77, %dma_wait3A_142] : memref<157x128xi32, #tpu.memory_space<vmem>> -> memref<1x128xi32, #tpu.memory_space<vmem>>
        %dma_wait3A_144 = tpu.memref_squeeze %dma_wait3A_143 : memref<1x128xi32, #tpu.memory_space<vmem>> -> memref<128xi32, #tpu.memory_space<vmem>>
        %dma_wait3A_145 = arith.constant 0 : i32
        %dma_wait3A_146 = arith.constant 0 : i32
        %dma_wait3A_147 = tpu.memref_slice %arg10[%dma_wait3A_145, %dma_wait3A_146] : memref<10016x72xf32, #tpu.memory_space<vmem_shared>> -> memref<10016x72xf32, #tpu.memory_space<vmem_shared>>
        tpu.wait_indirect_dma semaphore(%arg13 : memref<!tpu.dma_semaphore, #tpu.memory_space<semaphore_mem>>) src(%dma_wait3A_141 : memref<128x72xf32, #tpu.memory_space<vmem>>) dst(%dma_wait3A_147 : memref<10016x72xf32, #tpu.memory_space<vmem_shared>>)
        %mul3A_148 = arith.constant 128 : i32
        %mul3A_149 = arith.muli %add3A_101, %mul3A_148 : i32
        %dma_start3A_150 = arith.constant 0 : i32
        %dma_start3A_151 = arith.constant 0 : i32
        %dma_start3A_152 = arith.constant 0 : i32
        %dma_start3A_153 = tpu.memref_slice %arg9[%dma_start3A_150, %dma_start3A_151, %dma_start3A_152] : memref<2x128x72xf32, #tpu.memory_space<vmem>> -> memref<1x128x72xf32, #tpu.memory_space<vmem>>
        %dma_start3A_154 = tpu.memref_squeeze %dma_start3A_153 : memref<1x128x72xf32, #tpu.memory_space<vmem>> -> memref<128x72xf32, #tpu.memory_space<vmem>>
        %dma_start3A_155 = tpu.memref_slice %arg7[%mul3A_149] : memref<20096xi32, #tpu.memory_space<vmem>> -> memref<128xi32, #tpu.memory_space<vmem>>
        %dma_start3A_156 = arith.constant 0 : i32
        %dma_start3A_157 = arith.constant 0 : i32
        %dma_start3A_158 = tpu.memref_slice %arg2[%dma_start3A_156, %dma_start3A_157] : memref<20000x72xf32, #tpu.memory_space<hbm>> -> memref<20000x72xf32, #tpu.memory_space<hbm>>
        tpu.enqueue_indirect_dma source(%dma_start3A_158 : memref<20000x72xf32, #tpu.memory_space<hbm>>) target(%dma_start3A_154 : memref<128x72xf32, #tpu.memory_space<vmem>>) offsets(%dma_start3A_155 : memref<128xi32, #tpu.memory_space<vmem>>) semaphore(%arg11 : memref<!tpu.dma_semaphore, #tpu.memory_space<semaphore_mem>>)
      } else {
      }
      %mul3A_104 = arith.constant 2 : i32
      %mul3A_105 = arith.muli %scan3A_73, %mul3A_104 : i32
      %add3A_106 = arith.constant 1 : i32
      %add3A_107 = arith.addi %mul3A_105, %add3A_106 : i32
      %mul3A_108 = arith.constant 128 : i32
      %mul3A_109 = arith.muli %add3A_107, %mul3A_108 : i32
      %dma_wait3A_110 = arith.constant 1 : i32
      %dma_wait3A_111 = arith.constant 0 : i32
      %dma_wait3A_112 = arith.constant 0 : i32
      %dma_wait3A_113 = tpu.memref_slice %arg9[%dma_wait3A_110, %dma_wait3A_111, %dma_wait3A_112] : memref<2x128x72xf32, #tpu.memory_space<vmem>> -> memref<1x128x72xf32, #tpu.memory_space<vmem>>
      %dma_wait3A_114 = tpu.memref_squeeze %dma_wait3A_113 : memref<1x128x72xf32, #tpu.memory_space<vmem>> -> memref<128x72xf32, #tpu.memory_space<vmem>>
      %dma_wait3A_115 = tpu.memref_slice %arg7[%mul3A_109] : memref<20096xi32, #tpu.memory_space<vmem>> -> memref<128xi32, #tpu.memory_space<vmem>>
      %dma_wait3A_116 = arith.constant 0 : i32
      %dma_wait3A_117 = arith.constant 0 : i32
      %dma_wait3A_118 = tpu.memref_slice %arg2[%dma_wait3A_116, %dma_wait3A_117] : memref<20000x72xf32, #tpu.memory_space<hbm>> -> memref<20000x72xf32, #tpu.memory_space<hbm>>
      tpu.wait_indirect_dma semaphore(%arg12 : memref<!tpu.dma_semaphore, #tpu.memory_space<semaphore_mem>>) src(%dma_wait3A_118 : memref<20000x72xf32, #tpu.memory_space<hbm>>) dst(%dma_wait3A_114 : memref<128x72xf32, #tpu.memory_space<vmem>>)
      %dma_start3A_119 = arith.constant 1 : i32
      %dma_start3A_120 = arith.constant 0 : i32
      %dma_start3A_121 = arith.constant 0 : i32
      %dma_start3A_122 = tpu.memref_slice %arg9[%dma_start3A_119, %dma_start3A_120, %dma_start3A_121] : memref<2x128x72xf32, #tpu.memory_space<vmem>> -> memref<1x128x72xf32, #tpu.memory_space<vmem>>
      %dma_start3A_123 = tpu.memref_squeeze %dma_start3A_122 : memref<1x128x72xf32, #tpu.memory_space<vmem>> -> memref<128x72xf32, #tpu.memory_space<vmem>>
      %dma_start3A_124 = arith.constant 0 : i32
      %dma_start3A_125 = tpu.memref_slice %arg8[%add3A_107, %dma_start3A_124] : memref<157x128xi32, #tpu.memory_space<vmem>> -> memref<1x128xi32, #tpu.memory_space<vmem>>
      %dma_start3A_126 = tpu.memref_squeeze %dma_start3A_125 : memref<1x128xi32, #tpu.memory_space<vmem>> -> memref<128xi32, #tpu.memory_space<vmem>>
      %dma_start3A_127 = arith.constant 0 : i32
      %dma_start3A_128 = arith.constant 0 : i32
      %dma_start3A_129 = tpu.memref_slice %arg10[%dma_start3A_127, %dma_start3A_128] : memref<10016x72xf32, #tpu.memory_space<vmem_shared>> -> memref<10016x72xf32, #tpu.memory_space<vmem_shared>>
      tpu.enqueue_indirect_dma source(%dma_start3A_123 : memref<128x72xf32, #tpu.memory_space<vmem>>) target(%dma_start3A_129 : memref<10016x72xf32, #tpu.memory_space<vmem_shared>>) offsets(%dma_start3A_126 : memref<128xi32, #tpu.memory_space<vmem>>) semaphore(%arg14 : memref<!tpu.dma_semaphore, #tpu.memory_space<semaphore_mem>>) {add = true}
      %add3A_130 = arith.constant 2 : i32
      %add3A_131 = arith.addi %add3A_107, %add3A_130 : i32
      %lt3A_132 = arith.constant 157 : i32
      %lt3A_133 = arith.cmpi slt, %add3A_131, %lt3A_132 : i32
      %convert_element_type3A_134 = arith.extui %lt3A_133 : i1 to i32
      %cond3A_135 = arith.constant 0 : i32
      %cond3A_136 = arith.cmpi ne, %convert_element_type3A_134, %cond3A_135 : i32
      scf.if %cond3A_136 {
        %dma_wait3A_137 = arith.constant 1 : i32
        %dma_wait3A_138 = arith.constant 0 : i32
        %dma_wait3A_139 = arith.constant 0 : i32
        %dma_wait3A_140 = tpu.memref_slice %arg9[%dma_wait3A_137, %dma_wait3A_138, %dma_wait3A_139] : memref<2x128x72xf32, #tpu.memory_space<vmem>> -> memref<1x128x72xf32, #tpu.memory_space<vmem>>
        %dma_wait3A_141 = tpu.memref_squeeze %dma_wait3A_140 : memref<1x128x72xf32, #tpu.memory_space<vmem>> -> memref<128x72xf32, #tpu.memory_space<vmem>>
        %dma_wait3A_142 = arith.constant 0 : i32
        %dma_wait3A_143 = tpu.memref_slice %arg8[%add3A_107, %dma_wait3A_142] : memref<157x128xi32, #tpu.memory_space<vmem>> -> memref<1x128xi32, #tpu.memory_space<vmem>>
        %dma_wait3A_144 = tpu.memref_squeeze %dma_wait3A_143 : memref<1x128xi32, #tpu.memory_space<vmem>> -> memref<128xi32, #tpu.memory_space<vmem>>
        %dma_wait3A_145 = arith.constant 0 : i32
        %dma_wait3A_146 = arith.constant 0 : i32
        %dma_wait3A_147 = tpu.memref_slice %arg10[%dma_wait3A_145, %dma_wait3A_146] : memref<10016x72xf32, #tpu.memory_space<vmem_shared>> -> memref<10016x72xf32, #tpu.memory_space<vmem_shared>>
        tpu.wait_indirect_dma semaphore(%arg14 : memref<!tpu.dma_semaphore, #tpu.memory_space<semaphore_mem>>) src(%dma_wait3A_141 : memref<128x72xf32, #tpu.memory_space<vmem>>) dst(%dma_wait3A_147 : memref<10016x72xf32, #tpu.memory_space<vmem_shared>>)
        %mul3A_148 = arith.constant 128 : i32
        %mul3A_149 = arith.muli %add3A_131, %mul3A_148 : i32
        %dma_start3A_150 = arith.constant 1 : i32
        %dma_start3A_151 = arith.constant 0 : i32
        %dma_start3A_152 = arith.constant 0 : i32
        %dma_start3A_153 = tpu.memref_slice %arg9[%dma_start3A_150, %dma_start3A_151, %dma_start3A_152] : memref<2x128x72xf32, #tpu.memory_space<vmem>> -> memref<1x128x72xf32, #tpu.memory_space<vmem>>
        %dma_start3A_154 = tpu.memref_squeeze %dma_start3A_153 : memref<1x128x72xf32, #tpu.memory_space<vmem>> -> memref<128x72xf32, #tpu.memory_space<vmem>>
        %dma_start3A_155 = tpu.memref_slice %arg7[%mul3A_149] : memref<20096xi32, #tpu.memory_space<vmem>> -> memref<128xi32, #tpu.memory_space<vmem>>
        %dma_start3A_156 = arith.constant 0 : i32
        %dma_start3A_157 = arith.constant 0 : i32
        %dma_start3A_158 = tpu.memref_slice %arg2[%dma_start3A_156, %dma_start3A_157] : memref<20000x72xf32, #tpu.memory_space<hbm>> -> memref<20000x72xf32, #tpu.memory_space<hbm>>
        tpu.enqueue_indirect_dma source(%dma_start3A_158 : memref<20000x72xf32, #tpu.memory_space<hbm>>) target(%dma_start3A_154 : memref<128x72xf32, #tpu.memory_space<vmem>>) offsets(%dma_start3A_155 : memref<128xi32, #tpu.memory_space<vmem>>) semaphore(%arg12 : memref<!tpu.dma_semaphore, #tpu.memory_space<semaphore_mem>>)
      } else {
      }
    }
    %scan3A_26 = arith.constant 78 : i32
    %dma_wait3A = arith.constant 0 : i32
    %dma_wait3A_27 = arith.constant 0 : i32
    %dma_wait3A_28 = arith.constant 0 : i32
    %dma_wait3A_29 = tpu.memref_slice %arg9[%dma_wait3A, %dma_wait3A_27, %dma_wait3A_28] : memref<2x128x72xf32, #tpu.memory_space<vmem>> -> memref<1x128x72xf32, #tpu.memory_space<vmem>>
    %dma_wait3A_30 = tpu.memref_squeeze %dma_wait3A_29 : memref<1x128x72xf32, #tpu.memory_space<vmem>> -> memref<128x72xf32, #tpu.memory_space<vmem>>
    %dma_wait3A_31 = arith.constant 19968 : i32
    %dma_wait3A_32 = tpu.memref_slice %arg7[%dma_wait3A_31] : memref<20096xi32, #tpu.memory_space<vmem>> -> memref<128xi32, #tpu.memory_space<vmem>>
    %dma_wait3A_33 = arith.constant 0 : i32
    %dma_wait3A_34 = arith.constant 0 : i32
    %dma_wait3A_35 = tpu.memref_slice %arg2[%dma_wait3A_33, %dma_wait3A_34] : memref<20000x72xf32, #tpu.memory_space<hbm>> -> memref<20000x72xf32, #tpu.memory_space<hbm>>
    tpu.wait_indirect_dma semaphore(%arg11 : memref<!tpu.dma_semaphore, #tpu.memory_space<semaphore_mem>>) src(%dma_wait3A_35 : memref<20000x72xf32, #tpu.memory_space<hbm>>) dst(%dma_wait3A_30 : memref<128x72xf32, #tpu.memory_space<vmem>>)
    %dma_start3A_36 = arith.constant 0 : i32
    %dma_start3A_37 = arith.constant 156 : i32
    %dma_start3A_38 = arith.constant 0 : i32
    %dma_start3A_39 = arith.constant 0 : i32
    %dma_start3A_40 = tpu.memref_slice %arg9[%dma_start3A_36, %dma_start3A_38, %dma_start3A_39] : memref<2x128x72xf32, #tpu.memory_space<vmem>> -> memref<1x128x72xf32, #tpu.memory_space<vmem>>
    %dma_start3A_41 = tpu.memref_squeeze %dma_start3A_40 : memref<1x128x72xf32, #tpu.memory_space<vmem>> -> memref<128x72xf32, #tpu.memory_space<vmem>>
    %dma_start3A_42 = arith.constant 0 : i32
    %dma_start3A_43 = tpu.memref_slice %arg8[%dma_start3A_37, %dma_start3A_42] : memref<157x128xi32, #tpu.memory_space<vmem>> -> memref<1x128xi32, #tpu.memory_space<vmem>>
    %dma_start3A_44 = tpu.memref_squeeze %dma_start3A_43 : memref<1x128xi32, #tpu.memory_space<vmem>> -> memref<128xi32, #tpu.memory_space<vmem>>
    %dma_start3A_45 = arith.constant 0 : i32
    %dma_start3A_46 = arith.constant 0 : i32
    %dma_start3A_47 = tpu.memref_slice %arg10[%dma_start3A_45, %dma_start3A_46] : memref<10016x72xf32, #tpu.memory_space<vmem_shared>> -> memref<10016x72xf32, #tpu.memory_space<vmem_shared>>
    tpu.enqueue_indirect_dma source(%dma_start3A_41 : memref<128x72xf32, #tpu.memory_space<vmem>>) target(%dma_start3A_47 : memref<10016x72xf32, #tpu.memory_space<vmem_shared>>) offsets(%dma_start3A_44 : memref<128xi32, #tpu.memory_space<vmem>>) semaphore(%arg13 : memref<!tpu.dma_semaphore, #tpu.memory_space<semaphore_mem>>) {add = true}
    %dma_wait3A_48 = arith.constant 1 : i32
    %dma_wait3A_49 = arith.constant 155 : i32
    %dma_wait3A_50 = arith.constant 0 : i32
    %dma_wait3A_51 = arith.constant 0 : i32
    %dma_wait3A_52 = tpu.memref_slice %arg9[%dma_wait3A_48, %dma_wait3A_50, %dma_wait3A_51] : memref<2x128x72xf32, #tpu.memory_space<vmem>> -> memref<1x128x72xf32, #tpu.memory_space<vmem>>
    %dma_wait3A_53 = tpu.memref_squeeze %dma_wait3A_52 : memref<1x128x72xf32, #tpu.memory_space<vmem>> -> memref<128x72xf32, #tpu.memory_space<vmem>>
    %dma_wait3A_54 = arith.constant 0 : i32
    %dma_wait3A_55 = tpu.memref_slice %arg8[%dma_wait3A_49, %dma_wait3A_54] : memref<157x128xi32, #tpu.memory_space<vmem>> -> memref<1x128xi32, #tpu.memory_space<vmem>>
    %dma_wait3A_56 = tpu.memref_squeeze %dma_wait3A_55 : memref<1x128xi32, #tpu.memory_space<vmem>> -> memref<128xi32, #tpu.memory_space<vmem>>
    %dma_wait3A_57 = arith.constant 0 : i32
    %dma_wait3A_58 = arith.constant 0 : i32
    %dma_wait3A_59 = tpu.memref_slice %arg10[%dma_wait3A_57, %dma_wait3A_58] : memref<10016x72xf32, #tpu.memory_space<vmem_shared>> -> memref<10016x72xf32, #tpu.memory_space<vmem_shared>>
    tpu.wait_indirect_dma semaphore(%arg14 : memref<!tpu.dma_semaphore, #tpu.memory_space<semaphore_mem>>) src(%dma_wait3A_53 : memref<128x72xf32, #tpu.memory_space<vmem>>) dst(%dma_wait3A_59 : memref<10016x72xf32, #tpu.memory_space<vmem_shared>>)
    %dma_wait3A_60 = arith.constant 0 : i32
    %dma_wait3A_61 = arith.constant 156 : i32
    %dma_wait3A_62 = arith.constant 0 : i32
    %dma_wait3A_63 = arith.constant 0 : i32
    %dma_wait3A_64 = tpu.memref_slice %arg9[%dma_wait3A_60, %dma_wait3A_62, %dma_wait3A_63] : memref<2x128x72xf32, #tpu.memory_space<vmem>> -> memref<1x128x72xf32, #tpu.memory_space<vmem>>
    %dma_wait3A_65 = tpu.memref_squeeze %dma_wait3A_64 : memref<1x128x72xf32, #tpu.memory_space<vmem>> -> memref<128x72xf32, #tpu.memory_space<vmem>>
    %dma_wait3A_66 = arith.constant 0 : i32
    %dma_wait3A_67 = tpu.memref_slice %arg8[%dma_wait3A_61, %dma_wait3A_66] : memref<157x128xi32, #tpu.memory_space<vmem>> -> memref<1x128xi32, #tpu.memory_space<vmem>>
    %dma_wait3A_68 = tpu.memref_squeeze %dma_wait3A_67 : memref<1x128xi32, #tpu.memory_space<vmem>> -> memref<128xi32, #tpu.memory_space<vmem>>
    %dma_wait3A_69 = arith.constant 0 : i32
    %dma_wait3A_70 = arith.constant 0 : i32
    %dma_wait3A_71 = tpu.memref_slice %arg10[%dma_wait3A_69, %dma_wait3A_70] : memref<10016x72xf32, #tpu.memory_space<vmem_shared>> -> memref<10016x72xf32, #tpu.memory_space<vmem_shared>>
    tpu.wait_indirect_dma semaphore(%arg13 : memref<!tpu.dma_semaphore, #tpu.memory_space<semaphore_mem>>) src(%dma_wait3A_65 : memref<128x72xf32, #tpu.memory_space<vmem>>) dst(%dma_wait3A_71 : memref<10016x72xf32, #tpu.memory_space<vmem_shared>>)
    %barrier3A_72 = arith.constant 0 : index
    tpu.barrier barrier_id(%barrier3A_72)
    "tpu.region"() ({
      %run_scoped3A = tpu.sem_alloc : memref<!tpu.dma_semaphore, #tpu.memory_space<semaphore_mem>>
      %dma_start3A_73 = arith.constant 0 : i32
      %dma_start3A_74 = tpu.memref_slice %arg6[%arg0, %mul3A_0, %dma_start3A_73] : memref<2x10016x72xf32, #tpu.memory_space<hbm>> -> memref<1x626x72xf32, #tpu.memory_space<hbm>>
      %dma_start3A_75 = tpu.memref_squeeze %dma_start3A_74 : memref<1x626x72xf32, #tpu.memory_space<hbm>> -> memref<626x72xf32, #tpu.memory_space<hbm>>
      %dma_start3A_76 = arith.constant 0 : i32
      %dma_start3A_77 = tpu.memref_slice %arg10[%mul3A_0, %dma_start3A_76] : memref<10016x72xf32, #tpu.memory_space<vmem_shared>> -> memref<626x72xf32, #tpu.memory_space<vmem_shared>>
      tpu.enqueue_dma source(%dma_start3A_77 : memref<626x72xf32, #tpu.memory_space<vmem_shared>>) target(%dma_start3A_75 : memref<626x72xf32, #tpu.memory_space<hbm>>) target_semaphore(%run_scoped3A : memref<!tpu.dma_semaphore, #tpu.memory_space<semaphore_mem>>)
      %dma_wait3A_78 = arith.constant 0 : i32
      %dma_wait3A_79 = tpu.memref_slice %arg6[%arg0, %mul3A_0, %dma_wait3A_78] : memref<2x10016x72xf32, #tpu.memory_space<hbm>> -> memref<1x626x72xf32, #tpu.memory_space<hbm>>
      %dma_wait3A_80 = tpu.memref_squeeze %dma_wait3A_79 : memref<1x626x72xf32, #tpu.memory_space<hbm>> -> memref<626x72xf32, #tpu.memory_space<hbm>>
      %dma_wait3A_81 = arith.constant 0 : i32
      %dma_wait3A_82 = tpu.memref_slice %arg10[%mul3A_0, %dma_wait3A_81] : memref<10016x72xf32, #tpu.memory_space<vmem_shared>> -> memref<626x72xf32, #tpu.memory_space<vmem_shared>>
      tpu.wait_dma2 semaphore(%run_scoped3A : memref<!tpu.dma_semaphore, #tpu.memory_space<semaphore_mem>>) src(%dma_wait3A_82 : memref<626x72xf32, #tpu.memory_space<vmem_shared>>) dst(%dma_wait3A_80 : memref<626x72xf32, #tpu.memory_space<hbm>>)
      tpu.yield
    }) : () -> ()
    return
  }
}

#map = affine_map<(d0, d1) -> (0, 0)>
#map1 = affine_map<(d0, d1) -> (0, 0, 0)>
module attributes {stable_mosaic.version = 14 : i64} {
  func.func @sc_agg(%arg0: i32, %arg1: i32, %arg2: memref<20000x88xf32, #tpu.memory_space<hbm>>, %arg3: memref<20000x88xf32, #tpu.memory_space<hbm>>, %arg4: memref<32x20096xi32, #tpu.memory_space<hbm>>, %arg5: memref<16x157x128xi32, #tpu.memory_space<hbm>>, %arg6: memref<10016x88xf32, #tpu.memory_space<hbm>>, %arg7: memref<2x10016x88xf32, #tpu.memory_space<hbm>>, %arg8: memref<2x10016x88xf32, #tpu.memory_space<hbm>>, %arg9: memref<20096xi32, #tpu.memory_space<vmem>>, %arg10: memref<157x128xi32, #tpu.memory_space<vmem>>, %arg11: memref<2x128x88xf32, #tpu.memory_space<vmem>>, %arg12: memref<10016x88xf32, #tpu.memory_space<vmem_shared>>, %arg13: memref<!tpu.dma_semaphore, #tpu.memory_space<semaphore_mem>>, %arg14: memref<!tpu.dma_semaphore, #tpu.memory_space<semaphore_mem>>, %arg15: memref<!tpu.dma_semaphore, #tpu.memory_space<semaphore_mem>>, %arg16: memref<!tpu.dma_semaphore, #tpu.memory_space<semaphore_mem>>) attributes {dimension_semantics = [#tpu.dimension_semantics<core_parallel>, #tpu.dimension_semantics<subcore_parallel>], iteration_bounds = array<i64: 2, 16>, scalar_prefetch = 0 : i64, scratch_operands = 8 : i64, tpu.core_type = #tpu.core_type<sc_vector_subcore>, window_params = [{transform_indices = #map}, {transform_indices = #map}, {transform_indices = #map}, {transform_indices = #map1}, {transform_indices = #map}, {transform_indices = #map1}, {transform_indices = #map1}]} {
    %mul3A = arith.constant 626 : i32
    %mul3A_0 = arith.muli %arg1, %mul3A : i32
    %mul3A_1 = arith.constant 16 : i32
    %mul3A_2 = arith.muli %arg0, %mul3A_1 : i32
    %add3A = arith.addi %mul3A_2, %arg1 : i32
    "tpu.region"() ({
      %run_scoped3A = tpu.sem_alloc : memref<!tpu.dma_semaphore, #tpu.memory_space<semaphore_mem>>
      %dma_start3A_148 = arith.constant 0 : i32
      %dma_start3A_149 = tpu.memref_slice %arg4[%add3A, %dma_start3A_148] : memref<32x20096xi32, #tpu.memory_space<hbm>> -> memref<1x20096xi32, #tpu.memory_space<hbm>>
      %dma_start3A_150 = tpu.memref_squeeze %dma_start3A_149 : memref<1x20096xi32, #tpu.memory_space<hbm>> -> memref<20096xi32, #tpu.memory_space<hbm>>
      %dma_start3A_151 = arith.constant 0 : i32
      %dma_start3A_152 = tpu.memref_slice %arg4[%add3A, %dma_start3A_151] : memref<32x20096xi32, #tpu.memory_space<hbm>> -> memref<1x20096xi32, #tpu.memory_space<hbm>>
      %dma_start3A_153 = tpu.memref_squeeze %dma_start3A_152 : memref<1x20096xi32, #tpu.memory_space<hbm>> -> memref<20096xi32, #tpu.memory_space<hbm>>
      tpu.enqueue_dma source(%dma_start3A_153 : memref<20096xi32, #tpu.memory_space<hbm>>) target(%arg9 : memref<20096xi32, #tpu.memory_space<vmem>>) target_semaphore(%run_scoped3A : memref<!tpu.dma_semaphore, #tpu.memory_space<semaphore_mem>>)
      %dma_wait3A_154 = arith.constant 0 : i32
      %dma_wait3A_155 = tpu.memref_slice %arg4[%add3A, %dma_wait3A_154] : memref<32x20096xi32, #tpu.memory_space<hbm>> -> memref<1x20096xi32, #tpu.memory_space<hbm>>
      %dma_wait3A_156 = tpu.memref_squeeze %dma_wait3A_155 : memref<1x20096xi32, #tpu.memory_space<hbm>> -> memref<20096xi32, #tpu.memory_space<hbm>>
      %dma_wait3A_157 = arith.constant 0 : i32
      %dma_wait3A_158 = tpu.memref_slice %arg4[%add3A, %dma_wait3A_157] : memref<32x20096xi32, #tpu.memory_space<hbm>> -> memref<1x20096xi32, #tpu.memory_space<hbm>>
      %dma_wait3A_159 = tpu.memref_squeeze %dma_wait3A_158 : memref<1x20096xi32, #tpu.memory_space<hbm>> -> memref<20096xi32, #tpu.memory_space<hbm>>
      tpu.wait_dma2 semaphore(%run_scoped3A : memref<!tpu.dma_semaphore, #tpu.memory_space<semaphore_mem>>) src(%dma_wait3A_159 : memref<20096xi32, #tpu.memory_space<hbm>>) dst(%arg9 : memref<20096xi32, #tpu.memory_space<vmem>>)
      tpu.yield
    }) : () -> ()
    "tpu.region"() ({
      %run_scoped3A = tpu.sem_alloc : memref<!tpu.dma_semaphore, #tpu.memory_space<semaphore_mem>>
      %dma_start3A_148 = arith.constant 0 : i32
      %dma_start3A_149 = arith.constant 0 : i32
      %dma_start3A_150 = tpu.memref_slice %arg5[%arg1, %dma_start3A_148, %dma_start3A_149] : memref<16x157x128xi32, #tpu.memory_space<hbm>> -> memref<1x157x128xi32, #tpu.memory_space<hbm>>
      %dma_start3A_151 = tpu.memref_squeeze %dma_start3A_150 : memref<1x157x128xi32, #tpu.memory_space<hbm>> -> memref<157x128xi32, #tpu.memory_space<hbm>>
      %dma_start3A_152 = arith.constant 0 : i32
      %dma_start3A_153 = arith.constant 0 : i32
      %dma_start3A_154 = tpu.memref_slice %arg5[%arg1, %dma_start3A_152, %dma_start3A_153] : memref<16x157x128xi32, #tpu.memory_space<hbm>> -> memref<1x157x128xi32, #tpu.memory_space<hbm>>
      %dma_start3A_155 = tpu.memref_squeeze %dma_start3A_154 : memref<1x157x128xi32, #tpu.memory_space<hbm>> -> memref<157x128xi32, #tpu.memory_space<hbm>>
      tpu.enqueue_dma source(%dma_start3A_155 : memref<157x128xi32, #tpu.memory_space<hbm>>) target(%arg10 : memref<157x128xi32, #tpu.memory_space<vmem>>) target_semaphore(%run_scoped3A : memref<!tpu.dma_semaphore, #tpu.memory_space<semaphore_mem>>)
      %dma_wait3A_156 = arith.constant 0 : i32
      %dma_wait3A_157 = arith.constant 0 : i32
      %dma_wait3A_158 = tpu.memref_slice %arg5[%arg1, %dma_wait3A_156, %dma_wait3A_157] : memref<16x157x128xi32, #tpu.memory_space<hbm>> -> memref<1x157x128xi32, #tpu.memory_space<hbm>>
      %dma_wait3A_159 = tpu.memref_squeeze %dma_wait3A_158 : memref<1x157x128xi32, #tpu.memory_space<hbm>> -> memref<157x128xi32, #tpu.memory_space<hbm>>
      %dma_wait3A_160 = arith.constant 0 : i32
      %dma_wait3A_161 = arith.constant 0 : i32
      %dma_wait3A_162 = tpu.memref_slice %arg5[%arg1, %dma_wait3A_160, %dma_wait3A_161] : memref<16x157x128xi32, #tpu.memory_space<hbm>> -> memref<1x157x128xi32, #tpu.memory_space<hbm>>
      %dma_wait3A_163 = tpu.memref_squeeze %dma_wait3A_162 : memref<1x157x128xi32, #tpu.memory_space<hbm>> -> memref<157x128xi32, #tpu.memory_space<hbm>>
      tpu.wait_dma2 semaphore(%run_scoped3A : memref<!tpu.dma_semaphore, #tpu.memory_space<semaphore_mem>>) src(%dma_wait3A_163 : memref<157x128xi32, #tpu.memory_space<hbm>>) dst(%arg10 : memref<157x128xi32, #tpu.memory_space<vmem>>)
      tpu.yield
    }) : () -> ()
    "tpu.region"() ({
      %run_scoped3A = tpu.sem_alloc : memref<!tpu.dma_semaphore, #tpu.memory_space<semaphore_mem>>
      %dma_start3A_148 = arith.constant 0 : i32
      %dma_start3A_149 = tpu.memref_slice %arg12[%mul3A_0, %dma_start3A_148] : memref<10016x88xf32, #tpu.memory_space<vmem_shared>> -> memref<626x88xf32, #tpu.memory_space<vmem_shared>>
      %dma_start3A_150 = arith.constant 0 : i32
      %dma_start3A_151 = tpu.memref_slice %arg6[%mul3A_0, %dma_start3A_150] : memref<10016x88xf32, #tpu.memory_space<hbm>> -> memref<626x88xf32, #tpu.memory_space<hbm>>
      tpu.enqueue_dma source(%dma_start3A_151 : memref<626x88xf32, #tpu.memory_space<hbm>>) target(%dma_start3A_149 : memref<626x88xf32, #tpu.memory_space<vmem_shared>>) target_semaphore(%run_scoped3A : memref<!tpu.dma_semaphore, #tpu.memory_space<semaphore_mem>>)
      %dma_wait3A_152 = arith.constant 0 : i32
      %dma_wait3A_153 = tpu.memref_slice %arg12[%mul3A_0, %dma_wait3A_152] : memref<10016x88xf32, #tpu.memory_space<vmem_shared>> -> memref<626x88xf32, #tpu.memory_space<vmem_shared>>
      %dma_wait3A_154 = arith.constant 0 : i32
      %dma_wait3A_155 = tpu.memref_slice %arg6[%mul3A_0, %dma_wait3A_154] : memref<10016x88xf32, #tpu.memory_space<hbm>> -> memref<626x88xf32, #tpu.memory_space<hbm>>
      tpu.wait_dma2 semaphore(%run_scoped3A : memref<!tpu.dma_semaphore, #tpu.memory_space<semaphore_mem>>) src(%dma_wait3A_155 : memref<626x88xf32, #tpu.memory_space<hbm>>) dst(%dma_wait3A_153 : memref<626x88xf32, #tpu.memory_space<vmem_shared>>)
      tpu.yield
    }) : () -> ()
    %barrier3A = arith.constant 0 : index
    tpu.barrier barrier_id(%barrier3A)
    %dma_start3A = arith.constant 0 : i32
    %dma_start3A_3 = arith.constant 0 : i32
    %dma_start3A_4 = arith.constant 0 : i32
    %dma_start3A_5 = tpu.memref_slice %arg11[%dma_start3A, %dma_start3A_3, %dma_start3A_4] : memref<2x128x88xf32, #tpu.memory_space<vmem>> -> memref<1x128x88xf32, #tpu.memory_space<vmem>>
    %dma_start3A_6 = tpu.memref_squeeze %dma_start3A_5 : memref<1x128x88xf32, #tpu.memory_space<vmem>> -> memref<128x88xf32, #tpu.memory_space<vmem>>
    %dma_start3A_7 = arith.constant 0 : i32
    %dma_start3A_8 = tpu.memref_slice %arg9[%dma_start3A_7] : memref<20096xi32, #tpu.memory_space<vmem>> -> memref<128xi32, #tpu.memory_space<vmem>>
    %dma_start3A_9 = arith.constant 0 : i32
    %dma_start3A_10 = arith.constant 0 : i32
    %dma_start3A_11 = tpu.memref_slice %arg2[%dma_start3A_9, %dma_start3A_10] : memref<20000x88xf32, #tpu.memory_space<hbm>> -> memref<20000x88xf32, #tpu.memory_space<hbm>>
    tpu.enqueue_indirect_dma source(%dma_start3A_11 : memref<20000x88xf32, #tpu.memory_space<hbm>>) target(%dma_start3A_6 : memref<128x88xf32, #tpu.memory_space<vmem>>) offsets(%dma_start3A_8 : memref<128xi32, #tpu.memory_space<vmem>>) semaphore(%arg13 : memref<!tpu.dma_semaphore, #tpu.memory_space<semaphore_mem>>)
    %dma_start3A_12 = arith.constant 1 : i32
    %dma_start3A_13 = arith.constant 0 : i32
    %dma_start3A_14 = arith.constant 0 : i32
    %dma_start3A_15 = tpu.memref_slice %arg11[%dma_start3A_12, %dma_start3A_13, %dma_start3A_14] : memref<2x128x88xf32, #tpu.memory_space<vmem>> -> memref<1x128x88xf32, #tpu.memory_space<vmem>>
    %dma_start3A_16 = tpu.memref_squeeze %dma_start3A_15 : memref<1x128x88xf32, #tpu.memory_space<vmem>> -> memref<128x88xf32, #tpu.memory_space<vmem>>
    %dma_start3A_17 = arith.constant 128 : i32
    %dma_start3A_18 = tpu.memref_slice %arg9[%dma_start3A_17] : memref<20096xi32, #tpu.memory_space<vmem>> -> memref<128xi32, #tpu.memory_space<vmem>>
    %dma_start3A_19 = arith.constant 0 : i32
    %dma_start3A_20 = arith.constant 0 : i32
    %dma_start3A_21 = tpu.memref_slice %arg2[%dma_start3A_19, %dma_start3A_20] : memref<20000x88xf32, #tpu.memory_space<hbm>> -> memref<20000x88xf32, #tpu.memory_space<hbm>>
    tpu.enqueue_indirect_dma source(%dma_start3A_21 : memref<20000x88xf32, #tpu.memory_space<hbm>>) target(%dma_start3A_16 : memref<128x88xf32, #tpu.memory_space<vmem>>) offsets(%dma_start3A_18 : memref<128xi32, #tpu.memory_space<vmem>>) semaphore(%arg14 : memref<!tpu.dma_semaphore, #tpu.memory_space<semaphore_mem>>)
    %scan3A = arith.constant 0 : i32
    %scan3A_22 = arith.constant 0 : i32
    %scan3A_23 = arith.constant 78 : i32
    %scan3A_24 = arith.addi %scan3A_22, %scan3A_23 : i32
    %scan3A_25 = arith.constant 1 : i32
    scf.for %scan3A_148 = %scan3A_22 to %scan3A_24 step %scan3A_25  : i32 {
      %mul3A_149 = arith.constant 2 : i32
      %mul3A_150 = arith.muli %scan3A_148, %mul3A_149 : i32
      %add3A_151 = arith.constant 0 : i32
      %add3A_152 = arith.addi %mul3A_150, %add3A_151 : i32
      %mul3A_153 = arith.constant 128 : i32
      %mul3A_154 = arith.muli %add3A_152, %mul3A_153 : i32
      %dma_wait3A_155 = arith.constant 0 : i32
      %dma_wait3A_156 = arith.constant 0 : i32
      %dma_wait3A_157 = arith.constant 0 : i32
      %dma_wait3A_158 = tpu.memref_slice %arg11[%dma_wait3A_155, %dma_wait3A_156, %dma_wait3A_157] : memref<2x128x88xf32, #tpu.memory_space<vmem>> -> memref<1x128x88xf32, #tpu.memory_space<vmem>>
      %dma_wait3A_159 = tpu.memref_squeeze %dma_wait3A_158 : memref<1x128x88xf32, #tpu.memory_space<vmem>> -> memref<128x88xf32, #tpu.memory_space<vmem>>
      %dma_wait3A_160 = tpu.memref_slice %arg9[%mul3A_154] : memref<20096xi32, #tpu.memory_space<vmem>> -> memref<128xi32, #tpu.memory_space<vmem>>
      %dma_wait3A_161 = arith.constant 0 : i32
      %dma_wait3A_162 = arith.constant 0 : i32
      %dma_wait3A_163 = tpu.memref_slice %arg2[%dma_wait3A_161, %dma_wait3A_162] : memref<20000x88xf32, #tpu.memory_space<hbm>> -> memref<20000x88xf32, #tpu.memory_space<hbm>>
      tpu.wait_indirect_dma semaphore(%arg13 : memref<!tpu.dma_semaphore, #tpu.memory_space<semaphore_mem>>) src(%dma_wait3A_163 : memref<20000x88xf32, #tpu.memory_space<hbm>>) dst(%dma_wait3A_159 : memref<128x88xf32, #tpu.memory_space<vmem>>)
      %dma_start3A_164 = arith.constant 0 : i32
      %dma_start3A_165 = arith.constant 0 : i32
      %dma_start3A_166 = arith.constant 0 : i32
      %dma_start3A_167 = tpu.memref_slice %arg11[%dma_start3A_164, %dma_start3A_165, %dma_start3A_166] : memref<2x128x88xf32, #tpu.memory_space<vmem>> -> memref<1x128x88xf32, #tpu.memory_space<vmem>>
      %dma_start3A_168 = tpu.memref_squeeze %dma_start3A_167 : memref<1x128x88xf32, #tpu.memory_space<vmem>> -> memref<128x88xf32, #tpu.memory_space<vmem>>
      %dma_start3A_169 = arith.constant 0 : i32
      %dma_start3A_170 = tpu.memref_slice %arg10[%add3A_152, %dma_start3A_169] : memref<157x128xi32, #tpu.memory_space<vmem>> -> memref<1x128xi32, #tpu.memory_space<vmem>>
      %dma_start3A_171 = tpu.memref_squeeze %dma_start3A_170 : memref<1x128xi32, #tpu.memory_space<vmem>> -> memref<128xi32, #tpu.memory_space<vmem>>
      %dma_start3A_172 = arith.constant 0 : i32
      %dma_start3A_173 = arith.constant 0 : i32
      %dma_start3A_174 = tpu.memref_slice %arg12[%dma_start3A_172, %dma_start3A_173] : memref<10016x88xf32, #tpu.memory_space<vmem_shared>> -> memref<10016x88xf32, #tpu.memory_space<vmem_shared>>
      tpu.enqueue_indirect_dma source(%dma_start3A_168 : memref<128x88xf32, #tpu.memory_space<vmem>>) target(%dma_start3A_174 : memref<10016x88xf32, #tpu.memory_space<vmem_shared>>) offsets(%dma_start3A_171 : memref<128xi32, #tpu.memory_space<vmem>>) semaphore(%arg15 : memref<!tpu.dma_semaphore, #tpu.memory_space<semaphore_mem>>) {add = true}
      %add3A_175 = arith.constant 2 : i32
      %add3A_176 = arith.addi %add3A_152, %add3A_175 : i32
      %lt3A = arith.constant 157 : i32
      %lt3A_177 = arith.cmpi slt, %add3A_176, %lt3A : i32
      %convert_element_type3A = arith.extui %lt3A_177 : i1 to i32
      %cond3A = arith.constant 0 : i32
      %cond3A_178 = arith.cmpi ne, %convert_element_type3A, %cond3A : i32
      scf.if %cond3A_178 {
        %dma_wait3A_212 = arith.constant 0 : i32
        %dma_wait3A_213 = arith.constant 0 : i32
        %dma_wait3A_214 = arith.constant 0 : i32
        %dma_wait3A_215 = tpu.memref_slice %arg11[%dma_wait3A_212, %dma_wait3A_213, %dma_wait3A_214] : memref<2x128x88xf32, #tpu.memory_space<vmem>> -> memref<1x128x88xf32, #tpu.memory_space<vmem>>
        %dma_wait3A_216 = tpu.memref_squeeze %dma_wait3A_215 : memref<1x128x88xf32, #tpu.memory_space<vmem>> -> memref<128x88xf32, #tpu.memory_space<vmem>>
        %dma_wait3A_217 = arith.constant 0 : i32
        %dma_wait3A_218 = tpu.memref_slice %arg10[%add3A_152, %dma_wait3A_217] : memref<157x128xi32, #tpu.memory_space<vmem>> -> memref<1x128xi32, #tpu.memory_space<vmem>>
        %dma_wait3A_219 = tpu.memref_squeeze %dma_wait3A_218 : memref<1x128xi32, #tpu.memory_space<vmem>> -> memref<128xi32, #tpu.memory_space<vmem>>
        %dma_wait3A_220 = arith.constant 0 : i32
        %dma_wait3A_221 = arith.constant 0 : i32
        %dma_wait3A_222 = tpu.memref_slice %arg12[%dma_wait3A_220, %dma_wait3A_221] : memref<10016x88xf32, #tpu.memory_space<vmem_shared>> -> memref<10016x88xf32, #tpu.memory_space<vmem_shared>>
        tpu.wait_indirect_dma semaphore(%arg15 : memref<!tpu.dma_semaphore, #tpu.memory_space<semaphore_mem>>) src(%dma_wait3A_216 : memref<128x88xf32, #tpu.memory_space<vmem>>) dst(%dma_wait3A_222 : memref<10016x88xf32, #tpu.memory_space<vmem_shared>>)
        %mul3A_223 = arith.constant 128 : i32
        %mul3A_224 = arith.muli %add3A_176, %mul3A_223 : i32
        %dma_start3A_225 = arith.constant 0 : i32
        %dma_start3A_226 = arith.constant 0 : i32
        %dma_start3A_227 = arith.constant 0 : i32
        %dma_start3A_228 = tpu.memref_slice %arg11[%dma_start3A_225, %dma_start3A_226, %dma_start3A_227] : memref<2x128x88xf32, #tpu.memory_space<vmem>> -> memref<1x128x88xf32, #tpu.memory_space<vmem>>
        %dma_start3A_229 = tpu.memref_squeeze %dma_start3A_228 : memref<1x128x88xf32, #tpu.memory_space<vmem>> -> memref<128x88xf32, #tpu.memory_space<vmem>>
        %dma_start3A_230 = tpu.memref_slice %arg9[%mul3A_224] : memref<20096xi32, #tpu.memory_space<vmem>> -> memref<128xi32, #tpu.memory_space<vmem>>
        %dma_start3A_231 = arith.constant 0 : i32
        %dma_start3A_232 = arith.constant 0 : i32
        %dma_start3A_233 = tpu.memref_slice %arg2[%dma_start3A_231, %dma_start3A_232] : memref<20000x88xf32, #tpu.memory_space<hbm>> -> memref<20000x88xf32, #tpu.memory_space<hbm>>
        tpu.enqueue_indirect_dma source(%dma_start3A_233 : memref<20000x88xf32, #tpu.memory_space<hbm>>) target(%dma_start3A_229 : memref<128x88xf32, #tpu.memory_space<vmem>>) offsets(%dma_start3A_230 : memref<128xi32, #tpu.memory_space<vmem>>) semaphore(%arg13 : memref<!tpu.dma_semaphore, #tpu.memory_space<semaphore_mem>>)
      } else {
      }
      %mul3A_179 = arith.constant 2 : i32
      %mul3A_180 = arith.muli %scan3A_148, %mul3A_179 : i32
      %add3A_181 = arith.constant 1 : i32
      %add3A_182 = arith.addi %mul3A_180, %add3A_181 : i32
      %mul3A_183 = arith.constant 128 : i32
      %mul3A_184 = arith.muli %add3A_182, %mul3A_183 : i32
      %dma_wait3A_185 = arith.constant 1 : i32
      %dma_wait3A_186 = arith.constant 0 : i32
      %dma_wait3A_187 = arith.constant 0 : i32
      %dma_wait3A_188 = tpu.memref_slice %arg11[%dma_wait3A_185, %dma_wait3A_186, %dma_wait3A_187] : memref<2x128x88xf32, #tpu.memory_space<vmem>> -> memref<1x128x88xf32, #tpu.memory_space<vmem>>
      %dma_wait3A_189 = tpu.memref_squeeze %dma_wait3A_188 : memref<1x128x88xf32, #tpu.memory_space<vmem>> -> memref<128x88xf32, #tpu.memory_space<vmem>>
      %dma_wait3A_190 = tpu.memref_slice %arg9[%mul3A_184] : memref<20096xi32, #tpu.memory_space<vmem>> -> memref<128xi32, #tpu.memory_space<vmem>>
      %dma_wait3A_191 = arith.constant 0 : i32
      %dma_wait3A_192 = arith.constant 0 : i32
      %dma_wait3A_193 = tpu.memref_slice %arg2[%dma_wait3A_191, %dma_wait3A_192] : memref<20000x88xf32, #tpu.memory_space<hbm>> -> memref<20000x88xf32, #tpu.memory_space<hbm>>
      tpu.wait_indirect_dma semaphore(%arg14 : memref<!tpu.dma_semaphore, #tpu.memory_space<semaphore_mem>>) src(%dma_wait3A_193 : memref<20000x88xf32, #tpu.memory_space<hbm>>) dst(%dma_wait3A_189 : memref<128x88xf32, #tpu.memory_space<vmem>>)
      %dma_start3A_194 = arith.constant 1 : i32
      %dma_start3A_195 = arith.constant 0 : i32
      %dma_start3A_196 = arith.constant 0 : i32
      %dma_start3A_197 = tpu.memref_slice %arg11[%dma_start3A_194, %dma_start3A_195, %dma_start3A_196] : memref<2x128x88xf32, #tpu.memory_space<vmem>> -> memref<1x128x88xf32, #tpu.memory_space<vmem>>
      %dma_start3A_198 = tpu.memref_squeeze %dma_start3A_197 : memref<1x128x88xf32, #tpu.memory_space<vmem>> -> memref<128x88xf32, #tpu.memory_space<vmem>>
      %dma_start3A_199 = arith.constant 0 : i32
      %dma_start3A_200 = tpu.memref_slice %arg10[%add3A_182, %dma_start3A_199] : memref<157x128xi32, #tpu.memory_space<vmem>> -> memref<1x128xi32, #tpu.memory_space<vmem>>
      %dma_start3A_201 = tpu.memref_squeeze %dma_start3A_200 : memref<1x128xi32, #tpu.memory_space<vmem>> -> memref<128xi32, #tpu.memory_space<vmem>>
      %dma_start3A_202 = arith.constant 0 : i32
      %dma_start3A_203 = arith.constant 0 : i32
      %dma_start3A_204 = tpu.memref_slice %arg12[%dma_start3A_202, %dma_start3A_203] : memref<10016x88xf32, #tpu.memory_space<vmem_shared>> -> memref<10016x88xf32, #tpu.memory_space<vmem_shared>>
      tpu.enqueue_indirect_dma source(%dma_start3A_198 : memref<128x88xf32, #tpu.memory_space<vmem>>) target(%dma_start3A_204 : memref<10016x88xf32, #tpu.memory_space<vmem_shared>>) offsets(%dma_start3A_201 : memref<128xi32, #tpu.memory_space<vmem>>) semaphore(%arg16 : memref<!tpu.dma_semaphore, #tpu.memory_space<semaphore_mem>>) {add = true}
      %add3A_205 = arith.constant 2 : i32
      %add3A_206 = arith.addi %add3A_182, %add3A_205 : i32
      %lt3A_207 = arith.constant 157 : i32
      %lt3A_208 = arith.cmpi slt, %add3A_206, %lt3A_207 : i32
      %convert_element_type3A_209 = arith.extui %lt3A_208 : i1 to i32
      %cond3A_210 = arith.constant 0 : i32
      %cond3A_211 = arith.cmpi ne, %convert_element_type3A_209, %cond3A_210 : i32
      scf.if %cond3A_211 {
        %dma_wait3A_212 = arith.constant 1 : i32
        %dma_wait3A_213 = arith.constant 0 : i32
        %dma_wait3A_214 = arith.constant 0 : i32
        %dma_wait3A_215 = tpu.memref_slice %arg11[%dma_wait3A_212, %dma_wait3A_213, %dma_wait3A_214] : memref<2x128x88xf32, #tpu.memory_space<vmem>> -> memref<1x128x88xf32, #tpu.memory_space<vmem>>
        %dma_wait3A_216 = tpu.memref_squeeze %dma_wait3A_215 : memref<1x128x88xf32, #tpu.memory_space<vmem>> -> memref<128x88xf32, #tpu.memory_space<vmem>>
        %dma_wait3A_217 = arith.constant 0 : i32
        %dma_wait3A_218 = tpu.memref_slice %arg10[%add3A_182, %dma_wait3A_217] : memref<157x128xi32, #tpu.memory_space<vmem>> -> memref<1x128xi32, #tpu.memory_space<vmem>>
        %dma_wait3A_219 = tpu.memref_squeeze %dma_wait3A_218 : memref<1x128xi32, #tpu.memory_space<vmem>> -> memref<128xi32, #tpu.memory_space<vmem>>
        %dma_wait3A_220 = arith.constant 0 : i32
        %dma_wait3A_221 = arith.constant 0 : i32
        %dma_wait3A_222 = tpu.memref_slice %arg12[%dma_wait3A_220, %dma_wait3A_221] : memref<10016x88xf32, #tpu.memory_space<vmem_shared>> -> memref<10016x88xf32, #tpu.memory_space<vmem_shared>>
        tpu.wait_indirect_dma semaphore(%arg16 : memref<!tpu.dma_semaphore, #tpu.memory_space<semaphore_mem>>) src(%dma_wait3A_216 : memref<128x88xf32, #tpu.memory_space<vmem>>) dst(%dma_wait3A_222 : memref<10016x88xf32, #tpu.memory_space<vmem_shared>>)
        %mul3A_223 = arith.constant 128 : i32
        %mul3A_224 = arith.muli %add3A_206, %mul3A_223 : i32
        %dma_start3A_225 = arith.constant 1 : i32
        %dma_start3A_226 = arith.constant 0 : i32
        %dma_start3A_227 = arith.constant 0 : i32
        %dma_start3A_228 = tpu.memref_slice %arg11[%dma_start3A_225, %dma_start3A_226, %dma_start3A_227] : memref<2x128x88xf32, #tpu.memory_space<vmem>> -> memref<1x128x88xf32, #tpu.memory_space<vmem>>
        %dma_start3A_229 = tpu.memref_squeeze %dma_start3A_228 : memref<1x128x88xf32, #tpu.memory_space<vmem>> -> memref<128x88xf32, #tpu.memory_space<vmem>>
        %dma_start3A_230 = tpu.memref_slice %arg9[%mul3A_224] : memref<20096xi32, #tpu.memory_space<vmem>> -> memref<128xi32, #tpu.memory_space<vmem>>
        %dma_start3A_231 = arith.constant 0 : i32
        %dma_start3A_232 = arith.constant 0 : i32
        %dma_start3A_233 = tpu.memref_slice %arg2[%dma_start3A_231, %dma_start3A_232] : memref<20000x88xf32, #tpu.memory_space<hbm>> -> memref<20000x88xf32, #tpu.memory_space<hbm>>
        tpu.enqueue_indirect_dma source(%dma_start3A_233 : memref<20000x88xf32, #tpu.memory_space<hbm>>) target(%dma_start3A_229 : memref<128x88xf32, #tpu.memory_space<vmem>>) offsets(%dma_start3A_230 : memref<128xi32, #tpu.memory_space<vmem>>) semaphore(%arg14 : memref<!tpu.dma_semaphore, #tpu.memory_space<semaphore_mem>>)
      } else {
      }
    }
    %scan3A_26 = arith.constant 78 : i32
    %dma_wait3A = arith.constant 0 : i32
    %dma_wait3A_27 = arith.constant 0 : i32
    %dma_wait3A_28 = arith.constant 0 : i32
    %dma_wait3A_29 = tpu.memref_slice %arg11[%dma_wait3A, %dma_wait3A_27, %dma_wait3A_28] : memref<2x128x88xf32, #tpu.memory_space<vmem>> -> memref<1x128x88xf32, #tpu.memory_space<vmem>>
    %dma_wait3A_30 = tpu.memref_squeeze %dma_wait3A_29 : memref<1x128x88xf32, #tpu.memory_space<vmem>> -> memref<128x88xf32, #tpu.memory_space<vmem>>
    %dma_wait3A_31 = arith.constant 19968 : i32
    %dma_wait3A_32 = tpu.memref_slice %arg9[%dma_wait3A_31] : memref<20096xi32, #tpu.memory_space<vmem>> -> memref<128xi32, #tpu.memory_space<vmem>>
    %dma_wait3A_33 = arith.constant 0 : i32
    %dma_wait3A_34 = arith.constant 0 : i32
    %dma_wait3A_35 = tpu.memref_slice %arg2[%dma_wait3A_33, %dma_wait3A_34] : memref<20000x88xf32, #tpu.memory_space<hbm>> -> memref<20000x88xf32, #tpu.memory_space<hbm>>
    tpu.wait_indirect_dma semaphore(%arg13 : memref<!tpu.dma_semaphore, #tpu.memory_space<semaphore_mem>>) src(%dma_wait3A_35 : memref<20000x88xf32, #tpu.memory_space<hbm>>) dst(%dma_wait3A_30 : memref<128x88xf32, #tpu.memory_space<vmem>>)
    %dma_start3A_36 = arith.constant 0 : i32
    %dma_start3A_37 = arith.constant 156 : i32
    %dma_start3A_38 = arith.constant 0 : i32
    %dma_start3A_39 = arith.constant 0 : i32
    %dma_start3A_40 = tpu.memref_slice %arg11[%dma_start3A_36, %dma_start3A_38, %dma_start3A_39] : memref<2x128x88xf32, #tpu.memory_space<vmem>> -> memref<1x128x88xf32, #tpu.memory_space<vmem>>
    %dma_start3A_41 = tpu.memref_squeeze %dma_start3A_40 : memref<1x128x88xf32, #tpu.memory_space<vmem>> -> memref<128x88xf32, #tpu.memory_space<vmem>>
    %dma_start3A_42 = arith.constant 0 : i32
    %dma_start3A_43 = tpu.memref_slice %arg10[%dma_start3A_37, %dma_start3A_42] : memref<157x128xi32, #tpu.memory_space<vmem>> -> memref<1x128xi32, #tpu.memory_space<vmem>>
    %dma_start3A_44 = tpu.memref_squeeze %dma_start3A_43 : memref<1x128xi32, #tpu.memory_space<vmem>> -> memref<128xi32, #tpu.memory_space<vmem>>
    %dma_start3A_45 = arith.constant 0 : i32
    %dma_start3A_46 = arith.constant 0 : i32
    %dma_start3A_47 = tpu.memref_slice %arg12[%dma_start3A_45, %dma_start3A_46] : memref<10016x88xf32, #tpu.memory_space<vmem_shared>> -> memref<10016x88xf32, #tpu.memory_space<vmem_shared>>
    tpu.enqueue_indirect_dma source(%dma_start3A_41 : memref<128x88xf32, #tpu.memory_space<vmem>>) target(%dma_start3A_47 : memref<10016x88xf32, #tpu.memory_space<vmem_shared>>) offsets(%dma_start3A_44 : memref<128xi32, #tpu.memory_space<vmem>>) semaphore(%arg15 : memref<!tpu.dma_semaphore, #tpu.memory_space<semaphore_mem>>) {add = true}
    %dma_wait3A_48 = arith.constant 1 : i32
    %dma_wait3A_49 = arith.constant 155 : i32
    %dma_wait3A_50 = arith.constant 0 : i32
    %dma_wait3A_51 = arith.constant 0 : i32
    %dma_wait3A_52 = tpu.memref_slice %arg11[%dma_wait3A_48, %dma_wait3A_50, %dma_wait3A_51] : memref<2x128x88xf32, #tpu.memory_space<vmem>> -> memref<1x128x88xf32, #tpu.memory_space<vmem>>
    %dma_wait3A_53 = tpu.memref_squeeze %dma_wait3A_52 : memref<1x128x88xf32, #tpu.memory_space<vmem>> -> memref<128x88xf32, #tpu.memory_space<vmem>>
    %dma_wait3A_54 = arith.constant 0 : i32
    %dma_wait3A_55 = tpu.memref_slice %arg10[%dma_wait3A_49, %dma_wait3A_54] : memref<157x128xi32, #tpu.memory_space<vmem>> -> memref<1x128xi32, #tpu.memory_space<vmem>>
    %dma_wait3A_56 = tpu.memref_squeeze %dma_wait3A_55 : memref<1x128xi32, #tpu.memory_space<vmem>> -> memref<128xi32, #tpu.memory_space<vmem>>
    %dma_wait3A_57 = arith.constant 0 : i32
    %dma_wait3A_58 = arith.constant 0 : i32
    %dma_wait3A_59 = tpu.memref_slice %arg12[%dma_wait3A_57, %dma_wait3A_58] : memref<10016x88xf32, #tpu.memory_space<vmem_shared>> -> memref<10016x88xf32, #tpu.memory_space<vmem_shared>>
    tpu.wait_indirect_dma semaphore(%arg16 : memref<!tpu.dma_semaphore, #tpu.memory_space<semaphore_mem>>) src(%dma_wait3A_53 : memref<128x88xf32, #tpu.memory_space<vmem>>) dst(%dma_wait3A_59 : memref<10016x88xf32, #tpu.memory_space<vmem_shared>>)
    %dma_wait3A_60 = arith.constant 0 : i32
    %dma_wait3A_61 = arith.constant 156 : i32
    %dma_wait3A_62 = arith.constant 0 : i32
    %dma_wait3A_63 = arith.constant 0 : i32
    %dma_wait3A_64 = tpu.memref_slice %arg11[%dma_wait3A_60, %dma_wait3A_62, %dma_wait3A_63] : memref<2x128x88xf32, #tpu.memory_space<vmem>> -> memref<1x128x88xf32, #tpu.memory_space<vmem>>
    %dma_wait3A_65 = tpu.memref_squeeze %dma_wait3A_64 : memref<1x128x88xf32, #tpu.memory_space<vmem>> -> memref<128x88xf32, #tpu.memory_space<vmem>>
    %dma_wait3A_66 = arith.constant 0 : i32
    %dma_wait3A_67 = tpu.memref_slice %arg10[%dma_wait3A_61, %dma_wait3A_66] : memref<157x128xi32, #tpu.memory_space<vmem>> -> memref<1x128xi32, #tpu.memory_space<vmem>>
    %dma_wait3A_68 = tpu.memref_squeeze %dma_wait3A_67 : memref<1x128xi32, #tpu.memory_space<vmem>> -> memref<128xi32, #tpu.memory_space<vmem>>
    %dma_wait3A_69 = arith.constant 0 : i32
    %dma_wait3A_70 = arith.constant 0 : i32
    %dma_wait3A_71 = tpu.memref_slice %arg12[%dma_wait3A_69, %dma_wait3A_70] : memref<10016x88xf32, #tpu.memory_space<vmem_shared>> -> memref<10016x88xf32, #tpu.memory_space<vmem_shared>>
    tpu.wait_indirect_dma semaphore(%arg15 : memref<!tpu.dma_semaphore, #tpu.memory_space<semaphore_mem>>) src(%dma_wait3A_65 : memref<128x88xf32, #tpu.memory_space<vmem>>) dst(%dma_wait3A_71 : memref<10016x88xf32, #tpu.memory_space<vmem_shared>>)
    %barrier3A_72 = arith.constant 0 : index
    tpu.barrier barrier_id(%barrier3A_72)
    "tpu.region"() ({
      %run_scoped3A = tpu.sem_alloc : memref<!tpu.dma_semaphore, #tpu.memory_space<semaphore_mem>>
      %dma_start3A_148 = arith.constant 0 : i32
      %dma_start3A_149 = tpu.memref_slice %arg7[%arg0, %mul3A_0, %dma_start3A_148] : memref<2x10016x88xf32, #tpu.memory_space<hbm>> -> memref<1x626x88xf32, #tpu.memory_space<hbm>>
      %dma_start3A_150 = tpu.memref_squeeze %dma_start3A_149 : memref<1x626x88xf32, #tpu.memory_space<hbm>> -> memref<626x88xf32, #tpu.memory_space<hbm>>
      %dma_start3A_151 = arith.constant 0 : i32
      %dma_start3A_152 = tpu.memref_slice %arg12[%mul3A_0, %dma_start3A_151] : memref<10016x88xf32, #tpu.memory_space<vmem_shared>> -> memref<626x88xf32, #tpu.memory_space<vmem_shared>>
      tpu.enqueue_dma source(%dma_start3A_152 : memref<626x88xf32, #tpu.memory_space<vmem_shared>>) target(%dma_start3A_150 : memref<626x88xf32, #tpu.memory_space<hbm>>) target_semaphore(%run_scoped3A : memref<!tpu.dma_semaphore, #tpu.memory_space<semaphore_mem>>)
      %dma_wait3A_153 = arith.constant 0 : i32
      %dma_wait3A_154 = tpu.memref_slice %arg7[%arg0, %mul3A_0, %dma_wait3A_153] : memref<2x10016x88xf32, #tpu.memory_space<hbm>> -> memref<1x626x88xf32, #tpu.memory_space<hbm>>
      %dma_wait3A_155 = tpu.memref_squeeze %dma_wait3A_154 : memref<1x626x88xf32, #tpu.memory_space<hbm>> -> memref<626x88xf32, #tpu.memory_space<hbm>>
      %dma_wait3A_156 = arith.constant 0 : i32
      %dma_wait3A_157 = tpu.memref_slice %arg12[%mul3A_0, %dma_wait3A_156] : memref<10016x88xf32, #tpu.memory_space<vmem_shared>> -> memref<626x88xf32, #tpu.memory_space<vmem_shared>>
      tpu.wait_dma2 semaphore(%run_scoped3A : memref<!tpu.dma_semaphore, #tpu.memory_space<semaphore_mem>>) src(%dma_wait3A_157 : memref<626x88xf32, #tpu.memory_space<vmem_shared>>) dst(%dma_wait3A_155 : memref<626x88xf32, #tpu.memory_space<hbm>>)
      tpu.yield
    }) : () -> ()
    %barrier3A_73 = arith.constant 0 : index
    tpu.barrier barrier_id(%barrier3A_73)
    "tpu.region"() ({
      %run_scoped3A = tpu.sem_alloc : memref<!tpu.dma_semaphore, #tpu.memory_space<semaphore_mem>>
      %dma_start3A_148 = arith.constant 0 : i32
      %dma_start3A_149 = tpu.memref_slice %arg12[%mul3A_0, %dma_start3A_148] : memref<10016x88xf32, #tpu.memory_space<vmem_shared>> -> memref<626x88xf32, #tpu.memory_space<vmem_shared>>
      %dma_start3A_150 = arith.constant 0 : i32
      %dma_start3A_151 = tpu.memref_slice %arg6[%mul3A_0, %dma_start3A_150] : memref<10016x88xf32, #tpu.memory_space<hbm>> -> memref<626x88xf32, #tpu.memory_space<hbm>>
      tpu.enqueue_dma source(%dma_start3A_151 : memref<626x88xf32, #tpu.memory_space<hbm>>) target(%dma_start3A_149 : memref<626x88xf32, #tpu.memory_space<vmem_shared>>) target_semaphore(%run_scoped3A : memref<!tpu.dma_semaphore, #tpu.memory_space<semaphore_mem>>)
      %dma_wait3A_152 = arith.constant 0 : i32
      %dma_wait3A_153 = tpu.memref_slice %arg12[%mul3A_0, %dma_wait3A_152] : memref<10016x88xf32, #tpu.memory_space<vmem_shared>> -> memref<626x88xf32, #tpu.memory_space<vmem_shared>>
      %dma_wait3A_154 = arith.constant 0 : i32
      %dma_wait3A_155 = tpu.memref_slice %arg6[%mul3A_0, %dma_wait3A_154] : memref<10016x88xf32, #tpu.memory_space<hbm>> -> memref<626x88xf32, #tpu.memory_space<hbm>>
      tpu.wait_dma2 semaphore(%run_scoped3A : memref<!tpu.dma_semaphore, #tpu.memory_space<semaphore_mem>>) src(%dma_wait3A_155 : memref<626x88xf32, #tpu.memory_space<hbm>>) dst(%dma_wait3A_153 : memref<626x88xf32, #tpu.memory_space<vmem_shared>>)
      tpu.yield
    }) : () -> ()
    %barrier3A_74 = arith.constant 0 : index
    tpu.barrier barrier_id(%barrier3A_74)
    %dma_start3A_75 = arith.constant 0 : i32
    %dma_start3A_76 = arith.constant 0 : i32
    %dma_start3A_77 = arith.constant 0 : i32
    %dma_start3A_78 = tpu.memref_slice %arg11[%dma_start3A_75, %dma_start3A_76, %dma_start3A_77] : memref<2x128x88xf32, #tpu.memory_space<vmem>> -> memref<1x128x88xf32, #tpu.memory_space<vmem>>
    %dma_start3A_79 = tpu.memref_squeeze %dma_start3A_78 : memref<1x128x88xf32, #tpu.memory_space<vmem>> -> memref<128x88xf32, #tpu.memory_space<vmem>>
    %dma_start3A_80 = arith.constant 0 : i32
    %dma_start3A_81 = tpu.memref_slice %arg9[%dma_start3A_80] : memref<20096xi32, #tpu.memory_space<vmem>> -> memref<128xi32, #tpu.memory_space<vmem>>
    %dma_start3A_82 = arith.constant 0 : i32
    %dma_start3A_83 = arith.constant 0 : i32
    %dma_start3A_84 = tpu.memref_slice %arg3[%dma_start3A_82, %dma_start3A_83] : memref<20000x88xf32, #tpu.memory_space<hbm>> -> memref<20000x88xf32, #tpu.memory_space<hbm>>
    tpu.enqueue_indirect_dma source(%dma_start3A_84 : memref<20000x88xf32, #tpu.memory_space<hbm>>) target(%dma_start3A_79 : memref<128x88xf32, #tpu.memory_space<vmem>>) offsets(%dma_start3A_81 : memref<128xi32, #tpu.memory_space<vmem>>) semaphore(%arg13 : memref<!tpu.dma_semaphore, #tpu.memory_space<semaphore_mem>>)
    %dma_start3A_85 = arith.constant 1 : i32
    %dma_start3A_86 = arith.constant 0 : i32
    %dma_start3A_87 = arith.constant 0 : i32
    %dma_start3A_88 = tpu.memref_slice %arg11[%dma_start3A_85, %dma_start3A_86, %dma_start3A_87] : memref<2x128x88xf32, #tpu.memory_space<vmem>> -> memref<1x128x88xf32, #tpu.memory_space<vmem>>
    %dma_start3A_89 = tpu.memref_squeeze %dma_start3A_88 : memref<1x128x88xf32, #tpu.memory_space<vmem>> -> memref<128x88xf32, #tpu.memory_space<vmem>>
    %dma_start3A_90 = arith.constant 128 : i32
    %dma_start3A_91 = tpu.memref_slice %arg9[%dma_start3A_90] : memref<20096xi32, #tpu.memory_space<vmem>> -> memref<128xi32, #tpu.memory_space<vmem>>
    %dma_start3A_92 = arith.constant 0 : i32
    %dma_start3A_93 = arith.constant 0 : i32
    %dma_start3A_94 = tpu.memref_slice %arg3[%dma_start3A_92, %dma_start3A_93] : memref<20000x88xf32, #tpu.memory_space<hbm>> -> memref<20000x88xf32, #tpu.memory_space<hbm>>
    tpu.enqueue_indirect_dma source(%dma_start3A_94 : memref<20000x88xf32, #tpu.memory_space<hbm>>) target(%dma_start3A_89 : memref<128x88xf32, #tpu.memory_space<vmem>>) offsets(%dma_start3A_91 : memref<128xi32, #tpu.memory_space<vmem>>) semaphore(%arg14 : memref<!tpu.dma_semaphore, #tpu.memory_space<semaphore_mem>>)
    %scan3A_95 = arith.constant 0 : i32
    %scan3A_96 = arith.constant 0 : i32
    %scan3A_97 = arith.constant 78 : i32
    %scan3A_98 = arith.addi %scan3A_96, %scan3A_97 : i32
    %scan3A_99 = arith.constant 1 : i32
    scf.for %scan3A_148 = %scan3A_96 to %scan3A_98 step %scan3A_99  : i32 {
      %mul3A_149 = arith.constant 2 : i32
      %mul3A_150 = arith.muli %scan3A_148, %mul3A_149 : i32
      %add3A_151 = arith.constant 0 : i32
      %add3A_152 = arith.addi %mul3A_150, %add3A_151 : i32
      %mul3A_153 = arith.constant 128 : i32
      %mul3A_154 = arith.muli %add3A_152, %mul3A_153 : i32
      %dma_wait3A_155 = arith.constant 0 : i32
      %dma_wait3A_156 = arith.constant 0 : i32
      %dma_wait3A_157 = arith.constant 0 : i32
      %dma_wait3A_158 = tpu.memref_slice %arg11[%dma_wait3A_155, %dma_wait3A_156, %dma_wait3A_157] : memref<2x128x88xf32, #tpu.memory_space<vmem>> -> memref<1x128x88xf32, #tpu.memory_space<vmem>>
      %dma_wait3A_159 = tpu.memref_squeeze %dma_wait3A_158 : memref<1x128x88xf32, #tpu.memory_space<vmem>> -> memref<128x88xf32, #tpu.memory_space<vmem>>
      %dma_wait3A_160 = tpu.memref_slice %arg9[%mul3A_154] : memref<20096xi32, #tpu.memory_space<vmem>> -> memref<128xi32, #tpu.memory_space<vmem>>
      %dma_wait3A_161 = arith.constant 0 : i32
      %dma_wait3A_162 = arith.constant 0 : i32
      %dma_wait3A_163 = tpu.memref_slice %arg3[%dma_wait3A_161, %dma_wait3A_162] : memref<20000x88xf32, #tpu.memory_space<hbm>> -> memref<20000x88xf32, #tpu.memory_space<hbm>>
      tpu.wait_indirect_dma semaphore(%arg13 : memref<!tpu.dma_semaphore, #tpu.memory_space<semaphore_mem>>) src(%dma_wait3A_163 : memref<20000x88xf32, #tpu.memory_space<hbm>>) dst(%dma_wait3A_159 : memref<128x88xf32, #tpu.memory_space<vmem>>)
      %dma_start3A_164 = arith.constant 0 : i32
      %dma_start3A_165 = arith.constant 0 : i32
      %dma_start3A_166 = arith.constant 0 : i32
      %dma_start3A_167 = tpu.memref_slice %arg11[%dma_start3A_164, %dma_start3A_165, %dma_start3A_166] : memref<2x128x88xf32, #tpu.memory_space<vmem>> -> memref<1x128x88xf32, #tpu.memory_space<vmem>>
      %dma_start3A_168 = tpu.memref_squeeze %dma_start3A_167 : memref<1x128x88xf32, #tpu.memory_space<vmem>> -> memref<128x88xf32, #tpu.memory_space<vmem>>
      %dma_start3A_169 = arith.constant 0 : i32
      %dma_start3A_170 = tpu.memref_slice %arg10[%add3A_152, %dma_start3A_169] : memref<157x128xi32, #tpu.memory_space<vmem>> -> memref<1x128xi32, #tpu.memory_space<vmem>>
      %dma_start3A_171 = tpu.memref_squeeze %dma_start3A_170 : memref<1x128xi32, #tpu.memory_space<vmem>> -> memref<128xi32, #tpu.memory_space<vmem>>
      %dma_start3A_172 = arith.constant 0 : i32
      %dma_start3A_173 = arith.constant 0 : i32
      %dma_start3A_174 = tpu.memref_slice %arg12[%dma_start3A_172, %dma_start3A_173] : memref<10016x88xf32, #tpu.memory_space<vmem_shared>> -> memref<10016x88xf32, #tpu.memory_space<vmem_shared>>
      tpu.enqueue_indirect_dma source(%dma_start3A_168 : memref<128x88xf32, #tpu.memory_space<vmem>>) target(%dma_start3A_174 : memref<10016x88xf32, #tpu.memory_space<vmem_shared>>) offsets(%dma_start3A_171 : memref<128xi32, #tpu.memory_space<vmem>>) semaphore(%arg15 : memref<!tpu.dma_semaphore, #tpu.memory_space<semaphore_mem>>) {add = true}
      %add3A_175 = arith.constant 2 : i32
      %add3A_176 = arith.addi %add3A_152, %add3A_175 : i32
      %lt3A = arith.constant 157 : i32
      %lt3A_177 = arith.cmpi slt, %add3A_176, %lt3A : i32
      %convert_element_type3A = arith.extui %lt3A_177 : i1 to i32
      %cond3A = arith.constant 0 : i32
      %cond3A_178 = arith.cmpi ne, %convert_element_type3A, %cond3A : i32
      scf.if %cond3A_178 {
        %dma_wait3A_212 = arith.constant 0 : i32
        %dma_wait3A_213 = arith.constant 0 : i32
        %dma_wait3A_214 = arith.constant 0 : i32
        %dma_wait3A_215 = tpu.memref_slice %arg11[%dma_wait3A_212, %dma_wait3A_213, %dma_wait3A_214] : memref<2x128x88xf32, #tpu.memory_space<vmem>> -> memref<1x128x88xf32, #tpu.memory_space<vmem>>
        %dma_wait3A_216 = tpu.memref_squeeze %dma_wait3A_215 : memref<1x128x88xf32, #tpu.memory_space<vmem>> -> memref<128x88xf32, #tpu.memory_space<vmem>>
        %dma_wait3A_217 = arith.constant 0 : i32
        %dma_wait3A_218 = tpu.memref_slice %arg10[%add3A_152, %dma_wait3A_217] : memref<157x128xi32, #tpu.memory_space<vmem>> -> memref<1x128xi32, #tpu.memory_space<vmem>>
        %dma_wait3A_219 = tpu.memref_squeeze %dma_wait3A_218 : memref<1x128xi32, #tpu.memory_space<vmem>> -> memref<128xi32, #tpu.memory_space<vmem>>
        %dma_wait3A_220 = arith.constant 0 : i32
        %dma_wait3A_221 = arith.constant 0 : i32
        %dma_wait3A_222 = tpu.memref_slice %arg12[%dma_wait3A_220, %dma_wait3A_221] : memref<10016x88xf32, #tpu.memory_space<vmem_shared>> -> memref<10016x88xf32, #tpu.memory_space<vmem_shared>>
        tpu.wait_indirect_dma semaphore(%arg15 : memref<!tpu.dma_semaphore, #tpu.memory_space<semaphore_mem>>) src(%dma_wait3A_216 : memref<128x88xf32, #tpu.memory_space<vmem>>) dst(%dma_wait3A_222 : memref<10016x88xf32, #tpu.memory_space<vmem_shared>>)
        %mul3A_223 = arith.constant 128 : i32
        %mul3A_224 = arith.muli %add3A_176, %mul3A_223 : i32
        %dma_start3A_225 = arith.constant 0 : i32
        %dma_start3A_226 = arith.constant 0 : i32
        %dma_start3A_227 = arith.constant 0 : i32
        %dma_start3A_228 = tpu.memref_slice %arg11[%dma_start3A_225, %dma_start3A_226, %dma_start3A_227] : memref<2x128x88xf32, #tpu.memory_space<vmem>> -> memref<1x128x88xf32, #tpu.memory_space<vmem>>
        %dma_start3A_229 = tpu.memref_squeeze %dma_start3A_228 : memref<1x128x88xf32, #tpu.memory_space<vmem>> -> memref<128x88xf32, #tpu.memory_space<vmem>>
        %dma_start3A_230 = tpu.memref_slice %arg9[%mul3A_224] : memref<20096xi32, #tpu.memory_space<vmem>> -> memref<128xi32, #tpu.memory_space<vmem>>
        %dma_start3A_231 = arith.constant 0 : i32
        %dma_start3A_232 = arith.constant 0 : i32
        %dma_start3A_233 = tpu.memref_slice %arg3[%dma_start3A_231, %dma_start3A_232] : memref<20000x88xf32, #tpu.memory_space<hbm>> -> memref<20000x88xf32, #tpu.memory_space<hbm>>
        tpu.enqueue_indirect_dma source(%dma_start3A_233 : memref<20000x88xf32, #tpu.memory_space<hbm>>) target(%dma_start3A_229 : memref<128x88xf32, #tpu.memory_space<vmem>>) offsets(%dma_start3A_230 : memref<128xi32, #tpu.memory_space<vmem>>) semaphore(%arg13 : memref<!tpu.dma_semaphore, #tpu.memory_space<semaphore_mem>>)
      } else {
      }
      %mul3A_179 = arith.constant 2 : i32
      %mul3A_180 = arith.muli %scan3A_148, %mul3A_179 : i32
      %add3A_181 = arith.constant 1 : i32
      %add3A_182 = arith.addi %mul3A_180, %add3A_181 : i32
      %mul3A_183 = arith.constant 128 : i32
      %mul3A_184 = arith.muli %add3A_182, %mul3A_183 : i32
      %dma_wait3A_185 = arith.constant 1 : i32
      %dma_wait3A_186 = arith.constant 0 : i32
      %dma_wait3A_187 = arith.constant 0 : i32
      %dma_wait3A_188 = tpu.memref_slice %arg11[%dma_wait3A_185, %dma_wait3A_186, %dma_wait3A_187] : memref<2x128x88xf32, #tpu.memory_space<vmem>> -> memref<1x128x88xf32, #tpu.memory_space<vmem>>
      %dma_wait3A_189 = tpu.memref_squeeze %dma_wait3A_188 : memref<1x128x88xf32, #tpu.memory_space<vmem>> -> memref<128x88xf32, #tpu.memory_space<vmem>>
      %dma_wait3A_190 = tpu.memref_slice %arg9[%mul3A_184] : memref<20096xi32, #tpu.memory_space<vmem>> -> memref<128xi32, #tpu.memory_space<vmem>>
      %dma_wait3A_191 = arith.constant 0 : i32
      %dma_wait3A_192 = arith.constant 0 : i32
      %dma_wait3A_193 = tpu.memref_slice %arg3[%dma_wait3A_191, %dma_wait3A_192] : memref<20000x88xf32, #tpu.memory_space<hbm>> -> memref<20000x88xf32, #tpu.memory_space<hbm>>
      tpu.wait_indirect_dma semaphore(%arg14 : memref<!tpu.dma_semaphore, #tpu.memory_space<semaphore_mem>>) src(%dma_wait3A_193 : memref<20000x88xf32, #tpu.memory_space<hbm>>) dst(%dma_wait3A_189 : memref<128x88xf32, #tpu.memory_space<vmem>>)
      %dma_start3A_194 = arith.constant 1 : i32
      %dma_start3A_195 = arith.constant 0 : i32
      %dma_start3A_196 = arith.constant 0 : i32
      %dma_start3A_197 = tpu.memref_slice %arg11[%dma_start3A_194, %dma_start3A_195, %dma_start3A_196] : memref<2x128x88xf32, #tpu.memory_space<vmem>> -> memref<1x128x88xf32, #tpu.memory_space<vmem>>
      %dma_start3A_198 = tpu.memref_squeeze %dma_start3A_197 : memref<1x128x88xf32, #tpu.memory_space<vmem>> -> memref<128x88xf32, #tpu.memory_space<vmem>>
      %dma_start3A_199 = arith.constant 0 : i32
      %dma_start3A_200 = tpu.memref_slice %arg10[%add3A_182, %dma_start3A_199] : memref<157x128xi32, #tpu.memory_space<vmem>> -> memref<1x128xi32, #tpu.memory_space<vmem>>
      %dma_start3A_201 = tpu.memref_squeeze %dma_start3A_200 : memref<1x128xi32, #tpu.memory_space<vmem>> -> memref<128xi32, #tpu.memory_space<vmem>>
      %dma_start3A_202 = arith.constant 0 : i32
      %dma_start3A_203 = arith.constant 0 : i32
      %dma_start3A_204 = tpu.memref_slice %arg12[%dma_start3A_202, %dma_start3A_203] : memref<10016x88xf32, #tpu.memory_space<vmem_shared>> -> memref<10016x88xf32, #tpu.memory_space<vmem_shared>>
      tpu.enqueue_indirect_dma source(%dma_start3A_198 : memref<128x88xf32, #tpu.memory_space<vmem>>) target(%dma_start3A_204 : memref<10016x88xf32, #tpu.memory_space<vmem_shared>>) offsets(%dma_start3A_201 : memref<128xi32, #tpu.memory_space<vmem>>) semaphore(%arg16 : memref<!tpu.dma_semaphore, #tpu.memory_space<semaphore_mem>>) {add = true}
      %add3A_205 = arith.constant 2 : i32
      %add3A_206 = arith.addi %add3A_182, %add3A_205 : i32
      %lt3A_207 = arith.constant 157 : i32
      %lt3A_208 = arith.cmpi slt, %add3A_206, %lt3A_207 : i32
      %convert_element_type3A_209 = arith.extui %lt3A_208 : i1 to i32
      %cond3A_210 = arith.constant 0 : i32
      %cond3A_211 = arith.cmpi ne, %convert_element_type3A_209, %cond3A_210 : i32
      scf.if %cond3A_211 {
        %dma_wait3A_212 = arith.constant 1 : i32
        %dma_wait3A_213 = arith.constant 0 : i32
        %dma_wait3A_214 = arith.constant 0 : i32
        %dma_wait3A_215 = tpu.memref_slice %arg11[%dma_wait3A_212, %dma_wait3A_213, %dma_wait3A_214] : memref<2x128x88xf32, #tpu.memory_space<vmem>> -> memref<1x128x88xf32, #tpu.memory_space<vmem>>
        %dma_wait3A_216 = tpu.memref_squeeze %dma_wait3A_215 : memref<1x128x88xf32, #tpu.memory_space<vmem>> -> memref<128x88xf32, #tpu.memory_space<vmem>>
        %dma_wait3A_217 = arith.constant 0 : i32
        %dma_wait3A_218 = tpu.memref_slice %arg10[%add3A_182, %dma_wait3A_217] : memref<157x128xi32, #tpu.memory_space<vmem>> -> memref<1x128xi32, #tpu.memory_space<vmem>>
        %dma_wait3A_219 = tpu.memref_squeeze %dma_wait3A_218 : memref<1x128xi32, #tpu.memory_space<vmem>> -> memref<128xi32, #tpu.memory_space<vmem>>
        %dma_wait3A_220 = arith.constant 0 : i32
        %dma_wait3A_221 = arith.constant 0 : i32
        %dma_wait3A_222 = tpu.memref_slice %arg12[%dma_wait3A_220, %dma_wait3A_221] : memref<10016x88xf32, #tpu.memory_space<vmem_shared>> -> memref<10016x88xf32, #tpu.memory_space<vmem_shared>>
        tpu.wait_indirect_dma semaphore(%arg16 : memref<!tpu.dma_semaphore, #tpu.memory_space<semaphore_mem>>) src(%dma_wait3A_216 : memref<128x88xf32, #tpu.memory_space<vmem>>) dst(%dma_wait3A_222 : memref<10016x88xf32, #tpu.memory_space<vmem_shared>>)
        %mul3A_223 = arith.constant 128 : i32
        %mul3A_224 = arith.muli %add3A_206, %mul3A_223 : i32
        %dma_start3A_225 = arith.constant 1 : i32
        %dma_start3A_226 = arith.constant 0 : i32
        %dma_start3A_227 = arith.constant 0 : i32
        %dma_start3A_228 = tpu.memref_slice %arg11[%dma_start3A_225, %dma_start3A_226, %dma_start3A_227] : memref<2x128x88xf32, #tpu.memory_space<vmem>> -> memref<1x128x88xf32, #tpu.memory_space<vmem>>
        %dma_start3A_229 = tpu.memref_squeeze %dma_start3A_228 : memref<1x128x88xf32, #tpu.memory_space<vmem>> -> memref<128x88xf32, #tpu.memory_space<vmem>>
        %dma_start3A_230 = tpu.memref_slice %arg9[%mul3A_224] : memref<20096xi32, #tpu.memory_space<vmem>> -> memref<128xi32, #tpu.memory_space<vmem>>
        %dma_start3A_231 = arith.constant 0 : i32
        %dma_start3A_232 = arith.constant 0 : i32
        %dma_start3A_233 = tpu.memref_slice %arg3[%dma_start3A_231, %dma_start3A_232] : memref<20000x88xf32, #tpu.memory_space<hbm>> -> memref<20000x88xf32, #tpu.memory_space<hbm>>
        tpu.enqueue_indirect_dma source(%dma_start3A_233 : memref<20000x88xf32, #tpu.memory_space<hbm>>) target(%dma_start3A_229 : memref<128x88xf32, #tpu.memory_space<vmem>>) offsets(%dma_start3A_230 : memref<128xi32, #tpu.memory_space<vmem>>) semaphore(%arg14 : memref<!tpu.dma_semaphore, #tpu.memory_space<semaphore_mem>>)
      } else {
      }
    }
    %scan3A_100 = arith.constant 78 : i32
    %dma_wait3A_101 = arith.constant 0 : i32
    %dma_wait3A_102 = arith.constant 0 : i32
    %dma_wait3A_103 = arith.constant 0 : i32
    %dma_wait3A_104 = tpu.memref_slice %arg11[%dma_wait3A_101, %dma_wait3A_102, %dma_wait3A_103] : memref<2x128x88xf32, #tpu.memory_space<vmem>> -> memref<1x128x88xf32, #tpu.memory_space<vmem>>
    %dma_wait3A_105 = tpu.memref_squeeze %dma_wait3A_104 : memref<1x128x88xf32, #tpu.memory_space<vmem>> -> memref<128x88xf32, #tpu.memory_space<vmem>>
    %dma_wait3A_106 = arith.constant 19968 : i32
    %dma_wait3A_107 = tpu.memref_slice %arg9[%dma_wait3A_106] : memref<20096xi32, #tpu.memory_space<vmem>> -> memref<128xi32, #tpu.memory_space<vmem>>
    %dma_wait3A_108 = arith.constant 0 : i32
    %dma_wait3A_109 = arith.constant 0 : i32
    %dma_wait3A_110 = tpu.memref_slice %arg3[%dma_wait3A_108, %dma_wait3A_109] : memref<20000x88xf32, #tpu.memory_space<hbm>> -> memref<20000x88xf32, #tpu.memory_space<hbm>>
    tpu.wait_indirect_dma semaphore(%arg13 : memref<!tpu.dma_semaphore, #tpu.memory_space<semaphore_mem>>) src(%dma_wait3A_110 : memref<20000x88xf32, #tpu.memory_space<hbm>>) dst(%dma_wait3A_105 : memref<128x88xf32, #tpu.memory_space<vmem>>)
    %dma_start3A_111 = arith.constant 0 : i32
    %dma_start3A_112 = arith.constant 156 : i32
    %dma_start3A_113 = arith.constant 0 : i32
    %dma_start3A_114 = arith.constant 0 : i32
    %dma_start3A_115 = tpu.memref_slice %arg11[%dma_start3A_111, %dma_start3A_113, %dma_start3A_114] : memref<2x128x88xf32, #tpu.memory_space<vmem>> -> memref<1x128x88xf32, #tpu.memory_space<vmem>>
    %dma_start3A_116 = tpu.memref_squeeze %dma_start3A_115 : memref<1x128x88xf32, #tpu.memory_space<vmem>> -> memref<128x88xf32, #tpu.memory_space<vmem>>
    %dma_start3A_117 = arith.constant 0 : i32
    %dma_start3A_118 = tpu.memref_slice %arg10[%dma_start3A_112, %dma_start3A_117] : memref<157x128xi32, #tpu.memory_space<vmem>> -> memref<1x128xi32, #tpu.memory_space<vmem>>
    %dma_start3A_119 = tpu.memref_squeeze %dma_start3A_118 : memref<1x128xi32, #tpu.memory_space<vmem>> -> memref<128xi32, #tpu.memory_space<vmem>>
    %dma_start3A_120 = arith.constant 0 : i32
    %dma_start3A_121 = arith.constant 0 : i32
    %dma_start3A_122 = tpu.memref_slice %arg12[%dma_start3A_120, %dma_start3A_121] : memref<10016x88xf32, #tpu.memory_space<vmem_shared>> -> memref<10016x88xf32, #tpu.memory_space<vmem_shared>>
    tpu.enqueue_indirect_dma source(%dma_start3A_116 : memref<128x88xf32, #tpu.memory_space<vmem>>) target(%dma_start3A_122 : memref<10016x88xf32, #tpu.memory_space<vmem_shared>>) offsets(%dma_start3A_119 : memref<128xi32, #tpu.memory_space<vmem>>) semaphore(%arg15 : memref<!tpu.dma_semaphore, #tpu.memory_space<semaphore_mem>>) {add = true}
    %dma_wait3A_123 = arith.constant 1 : i32
    %dma_wait3A_124 = arith.constant 155 : i32
    %dma_wait3A_125 = arith.constant 0 : i32
    %dma_wait3A_126 = arith.constant 0 : i32
    %dma_wait3A_127 = tpu.memref_slice %arg11[%dma_wait3A_123, %dma_wait3A_125, %dma_wait3A_126] : memref<2x128x88xf32, #tpu.memory_space<vmem>> -> memref<1x128x88xf32, #tpu.memory_space<vmem>>
    %dma_wait3A_128 = tpu.memref_squeeze %dma_wait3A_127 : memref<1x128x88xf32, #tpu.memory_space<vmem>> -> memref<128x88xf32, #tpu.memory_space<vmem>>
    %dma_wait3A_129 = arith.constant 0 : i32
    %dma_wait3A_130 = tpu.memref_slice %arg10[%dma_wait3A_124, %dma_wait3A_129] : memref<157x128xi32, #tpu.memory_space<vmem>> -> memref<1x128xi32, #tpu.memory_space<vmem>>
    %dma_wait3A_131 = tpu.memref_squeeze %dma_wait3A_130 : memref<1x128xi32, #tpu.memory_space<vmem>> -> memref<128xi32, #tpu.memory_space<vmem>>
    %dma_wait3A_132 = arith.constant 0 : i32
    %dma_wait3A_133 = arith.constant 0 : i32
    %dma_wait3A_134 = tpu.memref_slice %arg12[%dma_wait3A_132, %dma_wait3A_133] : memref<10016x88xf32, #tpu.memory_space<vmem_shared>> -> memref<10016x88xf32, #tpu.memory_space<vmem_shared>>
    tpu.wait_indirect_dma semaphore(%arg16 : memref<!tpu.dma_semaphore, #tpu.memory_space<semaphore_mem>>) src(%dma_wait3A_128 : memref<128x88xf32, #tpu.memory_space<vmem>>) dst(%dma_wait3A_134 : memref<10016x88xf32, #tpu.memory_space<vmem_shared>>)
    %dma_wait3A_135 = arith.constant 0 : i32
    %dma_wait3A_136 = arith.constant 156 : i32
    %dma_wait3A_137 = arith.constant 0 : i32
    %dma_wait3A_138 = arith.constant 0 : i32
    %dma_wait3A_139 = tpu.memref_slice %arg11[%dma_wait3A_135, %dma_wait3A_137, %dma_wait3A_138] : memref<2x128x88xf32, #tpu.memory_space<vmem>> -> memref<1x128x88xf32, #tpu.memory_space<vmem>>
    %dma_wait3A_140 = tpu.memref_squeeze %dma_wait3A_139 : memref<1x128x88xf32, #tpu.memory_space<vmem>> -> memref<128x88xf32, #tpu.memory_space<vmem>>
    %dma_wait3A_141 = arith.constant 0 : i32
    %dma_wait3A_142 = tpu.memref_slice %arg10[%dma_wait3A_136, %dma_wait3A_141] : memref<157x128xi32, #tpu.memory_space<vmem>> -> memref<1x128xi32, #tpu.memory_space<vmem>>
    %dma_wait3A_143 = tpu.memref_squeeze %dma_wait3A_142 : memref<1x128xi32, #tpu.memory_space<vmem>> -> memref<128xi32, #tpu.memory_space<vmem>>
    %dma_wait3A_144 = arith.constant 0 : i32
    %dma_wait3A_145 = arith.constant 0 : i32
    %dma_wait3A_146 = tpu.memref_slice %arg12[%dma_wait3A_144, %dma_wait3A_145] : memref<10016x88xf32, #tpu.memory_space<vmem_shared>> -> memref<10016x88xf32, #tpu.memory_space<vmem_shared>>
    tpu.wait_indirect_dma semaphore(%arg15 : memref<!tpu.dma_semaphore, #tpu.memory_space<semaphore_mem>>) src(%dma_wait3A_140 : memref<128x88xf32, #tpu.memory_space<vmem>>) dst(%dma_wait3A_146 : memref<10016x88xf32, #tpu.memory_space<vmem_shared>>)
    %barrier3A_147 = arith.constant 0 : index
    tpu.barrier barrier_id(%barrier3A_147)
    "tpu.region"() ({
      %run_scoped3A = tpu.sem_alloc : memref<!tpu.dma_semaphore, #tpu.memory_space<semaphore_mem>>
      %dma_start3A_148 = arith.constant 0 : i32
      %dma_start3A_149 = tpu.memref_slice %arg8[%arg0, %mul3A_0, %dma_start3A_148] : memref<2x10016x88xf32, #tpu.memory_space<hbm>> -> memref<1x626x88xf32, #tpu.memory_space<hbm>>
      %dma_start3A_150 = tpu.memref_squeeze %dma_start3A_149 : memref<1x626x88xf32, #tpu.memory_space<hbm>> -> memref<626x88xf32, #tpu.memory_space<hbm>>
      %dma_start3A_151 = arith.constant 0 : i32
      %dma_start3A_152 = tpu.memref_slice %arg12[%mul3A_0, %dma_start3A_151] : memref<10016x88xf32, #tpu.memory_space<vmem_shared>> -> memref<626x88xf32, #tpu.memory_space<vmem_shared>>
      tpu.enqueue_dma source(%dma_start3A_152 : memref<626x88xf32, #tpu.memory_space<vmem_shared>>) target(%dma_start3A_150 : memref<626x88xf32, #tpu.memory_space<hbm>>) target_semaphore(%run_scoped3A : memref<!tpu.dma_semaphore, #tpu.memory_space<semaphore_mem>>)
      %dma_wait3A_153 = arith.constant 0 : i32
      %dma_wait3A_154 = tpu.memref_slice %arg8[%arg0, %mul3A_0, %dma_wait3A_153] : memref<2x10016x88xf32, #tpu.memory_space<hbm>> -> memref<1x626x88xf32, #tpu.memory_space<hbm>>
      %dma_wait3A_155 = tpu.memref_squeeze %dma_wait3A_154 : memref<1x626x88xf32, #tpu.memory_space<hbm>> -> memref<626x88xf32, #tpu.memory_space<hbm>>
      %dma_wait3A_156 = arith.constant 0 : i32
      %dma_wait3A_157 = tpu.memref_slice %arg12[%mul3A_0, %dma_wait3A_156] : memref<10016x88xf32, #tpu.memory_space<vmem_shared>> -> memref<626x88xf32, #tpu.memory_space<vmem_shared>>
      tpu.wait_dma2 semaphore(%run_scoped3A : memref<!tpu.dma_semaphore, #tpu.memory_space<semaphore_mem>>) src(%dma_wait3A_157 : memref<626x88xf32, #tpu.memory_space<vmem_shared>>) dst(%dma_wait3A_155 : memref<626x88xf32, #tpu.memory_space<hbm>>)
      tpu.yield
    }) : () -> ()
    return
  }
}

module attributes {stable_mosaic.version = 14 : i64} {
  func.func @_tc1_body(%arg0: i32, %arg1: memref<1000x128xf32, #tpu.memory_space<vmem>>, %arg2: memref<2x1000x72xf32, #tpu.memory_space<vmem>>, %arg3: memref<128x672xf32, #tpu.memory_space<vmem>>, %arg4: memref<128x672xf32, #tpu.memory_space<vmem>>, %arg5: memref<1x672xf32, #tpu.memory_space<vmem>>, %arg6: memref<672x336xf32, #tpu.memory_space<vmem>>, %arg7: memref<672x336xf32, #tpu.memory_space<vmem>>, %arg8: memref<1x336xf32, #tpu.memory_space<vmem>>, %arg9: memref<2x1000x88xf32, #tpu.memory_space<vmem>>, %arg10: memref<2x1000x88xf32, #tpu.memory_space<vmem>>, %arg11: memref<1000x336xf32, #tpu.memory_space<vmem>>) attributes {dimension_semantics = [#tpu.dimension_semantics<arbitrary>], iteration_bounds = array<i64: 10>, scalar_prefetch = 0 : i64, scratch_operands = 0 : i64, tpu.core_type = #tpu.core_type<tc>, window_params = [{transform_indices = @transform_0, window_bounds = array<i64: 1000, 128>}, {transform_indices = @transform_1, window_bounds = array<i64: 2, 1000, 72>}, {pipeline_mode = #tpu.pipeline_mode<synchronous>, transform_indices = @transform_2, window_bounds = array<i64: 128, 672>}, {pipeline_mode = #tpu.pipeline_mode<synchronous>, transform_indices = @transform_3, window_bounds = array<i64: 128, 672>}, {pipeline_mode = #tpu.pipeline_mode<synchronous>, transform_indices = @transform_4, window_bounds = array<i64: 1, 672>}, {pipeline_mode = #tpu.pipeline_mode<synchronous>, transform_indices = @transform_5, window_bounds = array<i64: 672, 336>}, {pipeline_mode = #tpu.pipeline_mode<synchronous>, transform_indices = @transform_6, window_bounds = array<i64: 672, 336>}, {pipeline_mode = #tpu.pipeline_mode<synchronous>, transform_indices = @transform_7, window_bounds = array<i64: 1, 336>}, {transform_indices = @transform_8, window_bounds = array<i64: 2, 1000, 88>}, {transform_indices = @transform_9, window_bounds = array<i64: 2, 1000, 88>}, {transform_indices = @transform_10, window_bounds = array<i64: 1000, 336>}]} {
    %get3A = arith.constant 0 : index
    %get3A_0 = arith.constant 0 : index
    %get3A_1 = arith.constant 0 : index
    %get3A_2 = vector.load %arg2[%get3A, %get3A_0, %get3A_1] : memref<2x1000x72xf32, #tpu.memory_space<vmem>>, vector<2x1000x72xf32>
    %slice3A = vector.extract_strided_slice %get3A_2 {offsets = [0, 0, 64], sizes = [1, 1000, 1], strides = [1, 1, 1]} : vector<2x1000x72xf32> to vector<1x1000x1xf32>
    %squeeze3A = vector.shape_cast %slice3A : vector<1x1000x1xf32> to vector<1000x1xf32>
    %max3A = arith.constant 1.000000e+00 : f32
    %max3A_3 = vector.broadcast %max3A : f32 to vector<1000x1xf32>
    %max3A_4 = arith.maximumf %squeeze3A, %max3A_3 : vector<1000x1xf32>
    %div3A = arith.constant 1.000000e+00 : f32
    %div3A_5 = vector.broadcast %div3A : f32 to vector<1000x1xf32>
    %div3A_6 = arith.divf %div3A_5, %max3A_4 : vector<1000x1xf32>
    %slice3A_7 = vector.extract_strided_slice %get3A_2 {offsets = [0, 0, 0], sizes = [1, 1000, 64], strides = [1, 1, 1]} : vector<2x1000x72xf32> to vector<1x1000x64xf32>
    %squeeze3A_8 = vector.shape_cast %slice3A_7 : vector<1x1000x64xf32> to vector<1000x64xf32>
    %slice3A_9 = vector.extract_strided_slice %get3A_2 {offsets = [1, 0, 0], sizes = [1, 1000, 64], strides = [1, 1, 1]} : vector<2x1000x72xf32> to vector<1x1000x64xf32>
    %squeeze3A_10 = vector.shape_cast %slice3A_9 : vector<1x1000x64xf32> to vector<1000x64xf32>
    %concatenate3A = tpu.concatenate %squeeze3A_8, %squeeze3A_10 in 1 : vector<1000x64xf32>, vector<1000x64xf32> -> vector<1000x128xf32>
    %mul3A = vector.broadcast %div3A_6 : vector<1000x1xf32> to vector<1000x128xf32>
    %mul3A_11 = arith.mulf %concatenate3A, %mul3A : vector<1000x128xf32>
    %get3A_12 = arith.constant 0 : index
    %get3A_13 = arith.constant 0 : index
    %get3A_14 = vector.load %arg3[%get3A_12, %get3A_13] : memref<128x672xf32, #tpu.memory_space<vmem>>, vector<128x672xf32>
    %dot_general3A = arith.constant dense<0.000000e+00> : vector<1000x672xf32>
    %dot_general3A_15 = tpu.matmul %mul3A_11, %get3A_14, %dot_general3A {dimension_numbers = #tpu.dot_dimension_numbers<[1], [0], [0], [1], [0, 0, 1, 1], [], []>, transpose_lhs_hint = false} : vector<1000x128xf32>, vector<128x672xf32>, vector<1000x672xf32> -> vector<1000x672xf32>
    %get3A_16 = arith.constant 0 : index
    %get3A_17 = arith.constant 0 : index
    %get3A_18 = vector.load %arg1[%get3A_16, %get3A_17] : memref<1000x128xf32, #tpu.memory_space<vmem>>, vector<1000x128xf32>
    %get3A_19 = arith.constant 0 : index
    %get3A_20 = arith.constant 0 : index
    %get3A_21 = vector.load %arg4[%get3A_19, %get3A_20] : memref<128x672xf32, #tpu.memory_space<vmem>>, vector<128x672xf32>
    %dot_general3A_22 = arith.constant dense<0.000000e+00> : vector<1000x672xf32>
    %dot_general3A_23 = tpu.matmul %get3A_18, %get3A_21, %dot_general3A_22 {dimension_numbers = #tpu.dot_dimension_numbers<[1], [0], [0], [1], [0, 0, 1, 1], [], []>, transpose_lhs_hint = false} : vector<1000x128xf32>, vector<128x672xf32>, vector<1000x672xf32> -> vector<1000x672xf32>
    %add3A = arith.addf %dot_general3A_15, %dot_general3A_23 : vector<1000x672xf32>
    %get3A_24 = arith.constant 0 : index
    %get3A_25 = arith.constant 0 : index
    %get3A_26 = vector.load %arg5[%get3A_24, %get3A_25] : memref<1x672xf32, #tpu.memory_space<vmem>>, vector<1x672xf32>
    %add3A_27 = vector.broadcast %get3A_26 : vector<1x672xf32> to vector<1000x672xf32>
    %add3A_28 = arith.addf %add3A, %add3A_27 : vector<1000x672xf32>
    %max3A_29 = arith.constant 0.000000e+00 : f32
    %max3A_30 = vector.broadcast %max3A_29 : f32 to vector<1000x672xf32>
    %max3A_31 = arith.maximumf %add3A_28, %max3A_30 : vector<1000x672xf32>
    %get3A_32 = arith.constant 0 : index
    %get3A_33 = arith.constant 0 : index
    %get3A_34 = vector.load %arg6[%get3A_32, %get3A_33] : memref<672x336xf32, #tpu.memory_space<vmem>>, vector<672x336xf32>
    %dot_general3A_35 = arith.constant dense<0.000000e+00> : vector<1000x336xf32>
    %dot_general3A_36 = tpu.matmul %max3A_31, %get3A_34, %dot_general3A_35 {dimension_numbers = #tpu.dot_dimension_numbers<[1], [0], [0], [1], [0, 0, 1, 1], [], []>, transpose_lhs_hint = false} : vector<1000x672xf32>, vector<672x336xf32>, vector<1000x336xf32> -> vector<1000x336xf32>
    %broadcast_in_dim3A = arith.constant 0.000000e+00 : f32
    %broadcast_in_dim3A_37 = vector.broadcast %broadcast_in_dim3A : f32 to vector<1000x4xf32>
    %slice3A_38 = vector.extract_strided_slice %dot_general3A_36 {offsets = [0, 0], sizes = [1000, 84], strides = [1, 1]} : vector<1000x336xf32> to vector<1000x84xf32>
    %concatenate3A_39 = tpu.concatenate %slice3A_38, %broadcast_in_dim3A_37 in 1 : vector<1000x84xf32>, vector<1000x4xf32> -> vector<1000x88xf32>
    %swap3A = arith.constant 0 : index
    %swap3A_40 = arith.constant 0 : index
    %swap3A_41 = arith.constant 0 : index
    %swap3A_42 = vector.load %arg9[%swap3A, %swap3A_40, %swap3A_41] : memref<2x1000x88xf32, #tpu.memory_space<vmem>>, vector<1x1000x88xf32>
    %swap3A_43 = vector.shape_cast %swap3A_42 : vector<1x1000x88xf32> to vector<1000x88xf32>
    %swap3A_44 = vector.shape_cast %concatenate3A_39 : vector<1000x88xf32> to vector<1x1000x88xf32>
    tpu.vector_store %arg9[%swap3A, %swap3A_40, %swap3A_41], %swap3A_44 {strides = array<i32>} : memref<2x1000x88xf32, #tpu.memory_space<vmem>>, vector<1x1000x88xf32>,
    %slice3A_45 = vector.extract_strided_slice %dot_general3A_36 {offsets = [0, 168], sizes = [1000, 84], strides = [1, 1]} : vector<1000x336xf32> to vector<1000x84xf32>
    %concatenate3A_46 = tpu.concatenate %slice3A_45, %broadcast_in_dim3A_37 in 1 : vector<1000x84xf32>, vector<1000x4xf32> -> vector<1000x88xf32>
    %swap3A_47 = arith.constant 1 : index
    %swap3A_48 = arith.constant 0 : index
    %swap3A_49 = arith.constant 0 : index
    %swap3A_50 = vector.load %arg9[%swap3A_47, %swap3A_48, %swap3A_49] : memref<2x1000x88xf32, #tpu.memory_space<vmem>>, vector<1x1000x88xf32>
    %swap3A_51 = vector.shape_cast %swap3A_50 : vector<1x1000x88xf32> to vector<1000x88xf32>
    %swap3A_52 = vector.shape_cast %concatenate3A_46 : vector<1000x88xf32> to vector<1x1000x88xf32>
    tpu.vector_store %arg9[%swap3A_47, %swap3A_48, %swap3A_49], %swap3A_52 {strides = array<i32>} : memref<2x1000x88xf32, #tpu.memory_space<vmem>>, vector<1x1000x88xf32>,
    %slice3A_53 = vector.extract_strided_slice %dot_general3A_36 {offsets = [0, 84], sizes = [1000, 84], strides = [1, 1]} : vector<1000x336xf32> to vector<1000x84xf32>
    %concatenate3A_54 = tpu.concatenate %slice3A_53, %broadcast_in_dim3A_37 in 1 : vector<1000x84xf32>, vector<1000x4xf32> -> vector<1000x88xf32>
    %swap3A_55 = arith.constant 0 : index
    %swap3A_56 = arith.constant 0 : index
    %swap3A_57 = arith.constant 0 : index
    %swap3A_58 = vector.load %arg10[%swap3A_55, %swap3A_56, %swap3A_57] : memref<2x1000x88xf32, #tpu.memory_space<vmem>>, vector<1x1000x88xf32>
    %swap3A_59 = vector.shape_cast %swap3A_58 : vector<1x1000x88xf32> to vector<1000x88xf32>
    %swap3A_60 = vector.shape_cast %concatenate3A_54 : vector<1000x88xf32> to vector<1x1000x88xf32>
    tpu.vector_store %arg10[%swap3A_55, %swap3A_56, %swap3A_57], %swap3A_60 {strides = array<i32>} : memref<2x1000x88xf32, #tpu.memory_space<vmem>>, vector<1x1000x88xf32>,
    %slice3A_61 = vector.extract_strided_slice %dot_general3A_36 {offsets = [0, 252], sizes = [1000, 84], strides = [1, 1]} : vector<1000x336xf32> to vector<1000x84xf32>
    %concatenate3A_62 = tpu.concatenate %slice3A_61, %broadcast_in_dim3A_37 in 1 : vector<1000x84xf32>, vector<1000x4xf32> -> vector<1000x88xf32>
    %swap3A_63 = arith.constant 1 : index
    %swap3A_64 = arith.constant 0 : index
    %swap3A_65 = arith.constant 0 : index
    %swap3A_66 = vector.load %arg10[%swap3A_63, %swap3A_64, %swap3A_65] : memref<2x1000x88xf32, #tpu.memory_space<vmem>>, vector<1x1000x88xf32>
    %swap3A_67 = vector.shape_cast %swap3A_66 : vector<1x1000x88xf32> to vector<1000x88xf32>
    %swap3A_68 = vector.shape_cast %concatenate3A_62 : vector<1000x88xf32> to vector<1x1000x88xf32>
    tpu.vector_store %arg10[%swap3A_63, %swap3A_64, %swap3A_65], %swap3A_68 {strides = array<i32>} : memref<2x1000x88xf32, #tpu.memory_space<vmem>>, vector<1x1000x88xf32>,
    %get3A_69 = arith.constant 0 : index
    %get3A_70 = arith.constant 0 : index
    %get3A_71 = vector.load %arg7[%get3A_69, %get3A_70] : memref<672x336xf32, #tpu.memory_space<vmem>>, vector<672x336xf32>
    %dot_general3A_72 = arith.constant dense<0.000000e+00> : vector<1000x336xf32>
    %dot_general3A_73 = tpu.matmul %max3A_31, %get3A_71, %dot_general3A_72 {dimension_numbers = #tpu.dot_dimension_numbers<[1], [0], [0], [1], [0, 0, 1, 1], [], []>, transpose_lhs_hint = false} : vector<1000x672xf32>, vector<672x336xf32>, vector<1000x336xf32> -> vector<1000x336xf32>
    %get3A_74 = arith.constant 0 : index
    %get3A_75 = arith.constant 0 : index
    %get3A_76 = vector.load %arg8[%get3A_74, %get3A_75] : memref<1x336xf32, #tpu.memory_space<vmem>>, vector<1x336xf32>
    %add3A_77 = vector.broadcast %get3A_76 : vector<1x336xf32> to vector<1000x336xf32>
    %add3A_78 = arith.addf %dot_general3A_73, %add3A_77 : vector<1000x336xf32>
    %swap3A_79 = arith.constant 0 : index
    %swap3A_80 = arith.constant 0 : index
    %swap3A_81 = vector.load %arg11[%swap3A_79, %swap3A_80] : memref<1000x336xf32, #tpu.memory_space<vmem>>, vector<1000x336xf32>
    tpu.vector_store %arg11[%swap3A_79, %swap3A_80], %add3A_78 {strides = array<i32>} : memref<1000x336xf32, #tpu.memory_space<vmem>>, vector<1000x336xf32>,
    return
  }
  func.func @transform_0(%arg0: i32) -> (i32, i32) {
    %c0_i32 = arith.constant 0 : i32
    %c0_i32_0 = arith.constant 0 : i32
    return %arg0, %c0_i32 : i32, i32
  }
  func.func @transform_1(%arg0: i32) -> (i32, i32, i32) {
    %c0_i32 = arith.constant 0 : i32
    %c0_i32_0 = arith.constant 0 : i32
    %c0_i32_1 = arith.constant 0 : i32
    return %c0_i32, %arg0, %c0_i32_0 : i32, i32, i32
  }
  func.func @transform_2(%arg0: i32) -> (i32, i32) {
    %c0_i32 = arith.constant 0 : i32
    %c0_i32_0 = arith.constant 0 : i32
    %c0_i32_1 = arith.constant 0 : i32
    return %c0_i32, %c0_i32_0 : i32, i32
  }
  func.func @transform_3(%arg0: i32) -> (i32, i32) {
    %c0_i32 = arith.constant 0 : i32
    %c0_i32_0 = arith.constant 0 : i32
    %c0_i32_1 = arith.constant 0 : i32
    return %c0_i32, %c0_i32_0 : i32, i32
  }
  func.func @transform_4(%arg0: i32) -> (i32, i32) {
    %c0_i32 = arith.constant 0 : i32
    %c0_i32_0 = arith.constant 0 : i32
    %c0_i32_1 = arith.constant 0 : i32
    return %c0_i32, %c0_i32_0 : i32, i32
  }
  func.func @transform_5(%arg0: i32) -> (i32, i32) {
    %c0_i32 = arith.constant 0 : i32
    %c0_i32_0 = arith.constant 0 : i32
    %c0_i32_1 = arith.constant 0 : i32
    return %c0_i32, %c0_i32_0 : i32, i32
  }
  func.func @transform_6(%arg0: i32) -> (i32, i32) {
    %c0_i32 = arith.constant 0 : i32
    %c0_i32_0 = arith.constant 0 : i32
    %c0_i32_1 = arith.constant 0 : i32
    return %c0_i32, %c0_i32_0 : i32, i32
  }
  func.func @transform_7(%arg0: i32) -> (i32, i32) {
    %c0_i32 = arith.constant 0 : i32
    %c0_i32_0 = arith.constant 0 : i32
    %c0_i32_1 = arith.constant 0 : i32
    return %c0_i32, %c0_i32_0 : i32, i32
  }
  func.func @transform_8(%arg0: i32) -> (i32, i32, i32) {
    %c0_i32 = arith.constant 0 : i32
    %c0_i32_0 = arith.constant 0 : i32
    %c0_i32_1 = arith.constant 0 : i32
    return %c0_i32, %arg0, %c0_i32_0 : i32, i32, i32
  }
  func.func @transform_9(%arg0: i32) -> (i32, i32, i32) {
    %c0_i32 = arith.constant 0 : i32
    %c0_i32_0 = arith.constant 0 : i32
    %c0_i32_1 = arith.constant 0 : i32
    return %c0_i32, %arg0, %c0_i32_0 : i32, i32, i32
  }
  func.func @transform_10(%arg0: i32) -> (i32, i32) {
    %c0_i32 = arith.constant 0 : i32
    %c0_i32_0 = arith.constant 0 : i32
    return %arg0, %c0_i32 : i32, i32
  }
}

module attributes {stable_mosaic.version = 14 : i64} {
  func.func @_tc2_body(%arg0: i32, %arg1: memref<2x1000x88xf32, #tpu.memory_space<vmem>>, %arg2: memref<2x1000x88xf32, #tpu.memory_space<vmem>>, %arg3: memref<2x1000x72xf32, #tpu.memory_space<vmem>>, %arg4: memref<1000x336xf32, #tpu.memory_space<vmem>>, %arg5: memref<336x42xf32, #tpu.memory_space<vmem>>, %arg6: memref<336x42xf32, #tpu.memory_space<vmem>>, %arg7: memref<336x42xf32, #tpu.memory_space<vmem>>, %arg8: memref<336x42xf32, #tpu.memory_space<vmem>>, %arg9: memref<1x42xf32, #tpu.memory_space<vmem>>, %arg10: memref<1x42xf32, #tpu.memory_space<vmem>>, %arg11: memref<2x1000x48xf32, #tpu.memory_space<vmem>>, %arg12: memref<1000x42xf32, #tpu.memory_space<vmem>>, %arg13: memref<1000x42xf32, #tpu.memory_space<vmem>>) attributes {dimension_semantics = [#tpu.dimension_semantics<arbitrary>], iteration_bounds = array<i64: 10>, scalar_prefetch = 0 : i64, scratch_operands = 0 : i64, tpu.core_type = #tpu.core_type<tc>, window_params = [{transform_indices = @transform_0, window_bounds = array<i64: 2, 1000, 88>}, {transform_indices = @transform_1, window_bounds = array<i64: 2, 1000, 88>}, {transform_indices = @transform_2, window_bounds = array<i64: 2, 1000, 72>}, {transform_indices = @transform_3, window_bounds = array<i64: 1000, 336>}, {pipeline_mode = #tpu.pipeline_mode<synchronous>, transform_indices = @transform_4, window_bounds = array<i64: 336, 42>}, {pipeline_mode = #tpu.pipeline_mode<synchronous>, transform_indices = @transform_5, window_bounds = array<i64: 336, 42>}, {pipeline_mode = #tpu.pipeline_mode<synchronous>, transform_indices = @transform_6, window_bounds = array<i64: 336, 42>}, {pipeline_mode = #tpu.pipeline_mode<synchronous>, transform_indices = @transform_7, window_bounds = array<i64: 336, 42>}, {pipeline_mode = #tpu.pipeline_mode<synchronous>, transform_indices = @transform_8, window_bounds = array<i64: 1, 42>}, {pipeline_mode = #tpu.pipeline_mode<synchronous>, transform_indices = @transform_9, window_bounds = array<i64: 1, 42>}, {transform_indices = @transform_10, window_bounds = array<i64: 2, 1000, 48>}, {transform_indices = @transform_11, window_bounds = array<i64: 1000, 42>}, {transform_indices = @transform_12, window_bounds = array<i64: 1000, 42>}]} {
    %get3A = arith.constant 0 : index
    %get3A_0 = arith.constant 0 : index
    %get3A_1 = arith.constant 0 : index
    %get3A_2 = vector.load %arg1[%get3A, %get3A_0, %get3A_1] : memref<2x1000x88xf32, #tpu.memory_space<vmem>>, vector<2x1000x88xf32>
    %get3A_3 = arith.constant 0 : index
    %get3A_4 = arith.constant 0 : index
    %get3A_5 = arith.constant 0 : index
    %get3A_6 = vector.load %arg2[%get3A_3, %get3A_4, %get3A_5] : memref<2x1000x88xf32, #tpu.memory_space<vmem>>, vector<2x1000x88xf32>
    %get3A_7 = arith.constant 0 : index
    %get3A_8 = arith.constant 0 : index
    %get3A_9 = arith.constant 64 : index
    %get3A_10 = vector.load %arg3[%get3A_7, %get3A_8, %get3A_9] : memref<2x1000x72xf32, #tpu.memory_space<vmem>>, vector<1x1000x1xf32>
    %get3A_11 = vector.shape_cast %get3A_10 : vector<1x1000x1xf32> to vector<1000x1xf32>
    %max3A = arith.constant 1.000000e+00 : f32
    %max3A_12 = vector.broadcast %max3A : f32 to vector<1000x1xf32>
    %max3A_13 = arith.maximumf %get3A_11, %max3A_12 : vector<1000x1xf32>
    %div3A = arith.constant 1.000000e+00 : f32
    %div3A_14 = vector.broadcast %div3A : f32 to vector<1000x1xf32>
    %div3A_15 = arith.divf %div3A_14, %max3A_13 : vector<1000x1xf32>
    %slice3A = vector.extract_strided_slice %get3A_2 {offsets = [0, 0, 0], sizes = [1, 1000, 84], strides = [1, 1, 1]} : vector<2x1000x88xf32> to vector<1x1000x84xf32>
    %squeeze3A = vector.shape_cast %slice3A : vector<1x1000x84xf32> to vector<1000x84xf32>
    %slice3A_16 = vector.extract_strided_slice %get3A_6 {offsets = [0, 0, 0], sizes = [1, 1000, 84], strides = [1, 1, 1]} : vector<2x1000x88xf32> to vector<1x1000x84xf32>
    %squeeze3A_17 = vector.shape_cast %slice3A_16 : vector<1x1000x84xf32> to vector<1000x84xf32>
    %slice3A_18 = vector.extract_strided_slice %get3A_2 {offsets = [1, 0, 0], sizes = [1, 1000, 84], strides = [1, 1, 1]} : vector<2x1000x88xf32> to vector<1x1000x84xf32>
    %squeeze3A_19 = vector.shape_cast %slice3A_18 : vector<1x1000x84xf32> to vector<1000x84xf32>
    %slice3A_20 = vector.extract_strided_slice %get3A_6 {offsets = [1, 0, 0], sizes = [1, 1000, 84], strides = [1, 1, 1]} : vector<2x1000x88xf32> to vector<1x1000x84xf32>
    %squeeze3A_21 = vector.shape_cast %slice3A_20 : vector<1x1000x84xf32> to vector<1000x84xf32>
    %concatenate3A = tpu.concatenate %squeeze3A, %squeeze3A_17, %squeeze3A_19, %squeeze3A_21 in 1 : vector<1000x84xf32>, vector<1000x84xf32>, vector<1000x84xf32>, vector<1000x84xf32> -> vector<1000x336xf32>
    %mul3A = vector.broadcast %div3A_15 : vector<1000x1xf32> to vector<1000x336xf32>
    %mul3A_22 = arith.mulf %concatenate3A, %mul3A : vector<1000x336xf32>
    %get3A_23 = arith.constant 0 : index
    %get3A_24 = arith.constant 0 : index
    %get3A_25 = vector.load %arg4[%get3A_23, %get3A_24] : memref<1000x336xf32, #tpu.memory_space<vmem>>, vector<1000x336xf32>
    %add3A = arith.addf %mul3A_22, %get3A_25 : vector<1000x336xf32>
    %max3A_26 = arith.constant 0.000000e+00 : f32
    %max3A_27 = vector.broadcast %max3A_26 : f32 to vector<1000x336xf32>
    %max3A_28 = arith.maximumf %add3A, %max3A_27 : vector<1000x336xf32>
    %get3A_29 = arith.constant 0 : index
    %get3A_30 = arith.constant 0 : index
    %get3A_31 = vector.load %arg5[%get3A_29, %get3A_30] : memref<336x42xf32, #tpu.memory_space<vmem>>, vector<336x42xf32>
    %dot_general3A = arith.constant dense<0.000000e+00> : vector<1000x42xf32>
    %dot_general3A_32 = tpu.matmul %max3A_28, %get3A_31, %dot_general3A {dimension_numbers = #tpu.dot_dimension_numbers<[1], [0], [0], [1], [0, 0, 1, 1], [], []>, transpose_lhs_hint = false} : vector<1000x336xf32>, vector<336x42xf32>, vector<1000x42xf32> -> vector<1000x42xf32>
    %get3A_33 = arith.constant 0 : index
    %get3A_34 = arith.constant 0 : index
    %get3A_35 = vector.load %arg6[%get3A_33, %get3A_34] : memref<336x42xf32, #tpu.memory_space<vmem>>, vector<336x42xf32>
    %dot_general3A_36 = arith.constant dense<0.000000e+00> : vector<1000x42xf32>
    %dot_general3A_37 = tpu.matmul %max3A_28, %get3A_35, %dot_general3A_36 {dimension_numbers = #tpu.dot_dimension_numbers<[1], [0], [0], [1], [0, 0, 1, 1], [], []>, transpose_lhs_hint = false} : vector<1000x336xf32>, vector<336x42xf32>, vector<1000x42xf32> -> vector<1000x42xf32>
    %broadcast_in_dim3A = arith.constant 0.000000e+00 : f32
    %broadcast_in_dim3A_38 = vector.broadcast %broadcast_in_dim3A : f32 to vector<1000x6xf32>
    %concatenate3A_39 = tpu.concatenate %dot_general3A_32, %broadcast_in_dim3A_38 in 1 : vector<1000x42xf32>, vector<1000x6xf32> -> vector<1000x48xf32>
    %swap3A = arith.constant 0 : index
    %swap3A_40 = arith.constant 0 : index
    %swap3A_41 = arith.constant 0 : index
    %swap3A_42 = vector.load %arg11[%swap3A, %swap3A_40, %swap3A_41] : memref<2x1000x48xf32, #tpu.memory_space<vmem>>, vector<1x1000x48xf32>
    %swap3A_43 = vector.shape_cast %swap3A_42 : vector<1x1000x48xf32> to vector<1000x48xf32>
    %swap3A_44 = vector.shape_cast %concatenate3A_39 : vector<1000x48xf32> to vector<1x1000x48xf32>
    tpu.vector_store %arg11[%swap3A, %swap3A_40, %swap3A_41], %swap3A_44 {strides = array<i32>} : memref<2x1000x48xf32, #tpu.memory_space<vmem>>, vector<1x1000x48xf32>,
    %concatenate3A_45 = tpu.concatenate %dot_general3A_37, %broadcast_in_dim3A_38 in 1 : vector<1000x42xf32>, vector<1000x6xf32> -> vector<1000x48xf32>
    %swap3A_46 = arith.constant 1 : index
    %swap3A_47 = arith.constant 0 : index
    %swap3A_48 = arith.constant 0 : index
    %swap3A_49 = vector.load %arg11[%swap3A_46, %swap3A_47, %swap3A_48] : memref<2x1000x48xf32, #tpu.memory_space<vmem>>, vector<1x1000x48xf32>
    %swap3A_50 = vector.shape_cast %swap3A_49 : vector<1x1000x48xf32> to vector<1000x48xf32>
    %swap3A_51 = vector.shape_cast %concatenate3A_45 : vector<1000x48xf32> to vector<1x1000x48xf32>
    tpu.vector_store %arg11[%swap3A_46, %swap3A_47, %swap3A_48], %swap3A_51 {strides = array<i32>} : memref<2x1000x48xf32, #tpu.memory_space<vmem>>, vector<1x1000x48xf32>,
    %get3A_52 = arith.constant 0 : index
    %get3A_53 = arith.constant 0 : index
    %get3A_54 = vector.load %arg7[%get3A_52, %get3A_53] : memref<336x42xf32, #tpu.memory_space<vmem>>, vector<336x42xf32>
    %dot_general3A_55 = arith.constant dense<0.000000e+00> : vector<1000x42xf32>
    %dot_general3A_56 = tpu.matmul %max3A_28, %get3A_54, %dot_general3A_55 {dimension_numbers = #tpu.dot_dimension_numbers<[1], [0], [0], [1], [0, 0, 1, 1], [], []>, transpose_lhs_hint = false} : vector<1000x336xf32>, vector<336x42xf32>, vector<1000x42xf32> -> vector<1000x42xf32>
    %get3A_57 = arith.constant 0 : index
    %get3A_58 = arith.constant 0 : index
    %get3A_59 = vector.load %arg9[%get3A_57, %get3A_58] : memref<1x42xf32, #tpu.memory_space<vmem>>, vector<1x42xf32>
    %add3A_60 = vector.broadcast %get3A_59 : vector<1x42xf32> to vector<1000x42xf32>
    %add3A_61 = arith.addf %dot_general3A_56, %add3A_60 : vector<1000x42xf32>
    %swap3A_62 = arith.constant 0 : index
    %swap3A_63 = arith.constant 0 : index
    %swap3A_64 = vector.load %arg12[%swap3A_62, %swap3A_63] : memref<1000x42xf32, #tpu.memory_space<vmem>>, vector<1000x42xf32>
    tpu.vector_store %arg12[%swap3A_62, %swap3A_63], %add3A_61 {strides = array<i32>} : memref<1000x42xf32, #tpu.memory_space<vmem>>, vector<1000x42xf32>,
    %get3A_65 = arith.constant 0 : index
    %get3A_66 = arith.constant 0 : index
    %get3A_67 = vector.load %arg8[%get3A_65, %get3A_66] : memref<336x42xf32, #tpu.memory_space<vmem>>, vector<336x42xf32>
    %dot_general3A_68 = arith.constant dense<0.000000e+00> : vector<1000x42xf32>
    %dot_general3A_69 = tpu.matmul %max3A_28, %get3A_67, %dot_general3A_68 {dimension_numbers = #tpu.dot_dimension_numbers<[1], [0], [0], [1], [0, 0, 1, 1], [], []>, transpose_lhs_hint = false} : vector<1000x336xf32>, vector<336x42xf32>, vector<1000x42xf32> -> vector<1000x42xf32>
    %get3A_70 = arith.constant 0 : index
    %get3A_71 = arith.constant 0 : index
    %get3A_72 = vector.load %arg10[%get3A_70, %get3A_71] : memref<1x42xf32, #tpu.memory_space<vmem>>, vector<1x42xf32>
    %add3A_73 = vector.broadcast %get3A_72 : vector<1x42xf32> to vector<1000x42xf32>
    %add3A_74 = arith.addf %dot_general3A_69, %add3A_73 : vector<1000x42xf32>
    %swap3A_75 = arith.constant 0 : index
    %swap3A_76 = arith.constant 0 : index
    %swap3A_77 = vector.load %arg13[%swap3A_75, %swap3A_76] : memref<1000x42xf32, #tpu.memory_space<vmem>>, vector<1000x42xf32>
    tpu.vector_store %arg13[%swap3A_75, %swap3A_76], %add3A_74 {strides = array<i32>} : memref<1000x42xf32, #tpu.memory_space<vmem>>, vector<1000x42xf32>,
    return
  }
  func.func @transform_0(%arg0: i32) -> (i32, i32, i32) {
    %c0_i32 = arith.constant 0 : i32
    %c0_i32_0 = arith.constant 0 : i32
    %c0_i32_1 = arith.constant 0 : i32
    return %c0_i32, %arg0, %c0_i32_0 : i32, i32, i32
  }
  func.func @transform_1(%arg0: i32) -> (i32, i32, i32) {
    %c0_i32 = arith.constant 0 : i32
    %c0_i32_0 = arith.constant 0 : i32
    %c0_i32_1 = arith.constant 0 : i32
    return %c0_i32, %arg0, %c0_i32_0 : i32, i32, i32
  }
  func.func @transform_2(%arg0: i32) -> (i32, i32, i32) {
    %c0_i32 = arith.constant 0 : i32
    %c0_i32_0 = arith.constant 0 : i32
    %c0_i32_1 = arith.constant 0 : i32
    return %c0_i32, %arg0, %c0_i32_0 : i32, i32, i32
  }
  func.func @transform_3(%arg0: i32) -> (i32, i32) {
    %c0_i32 = arith.constant 0 : i32
    %c0_i32_0 = arith.constant 0 : i32
    return %arg0, %c0_i32 : i32, i32
  }
  func.func @transform_4(%arg0: i32) -> (i32, i32) {
    %c0_i32 = arith.constant 0 : i32
    %c0_i32_0 = arith.constant 0 : i32
    %c0_i32_1 = arith.constant 0 : i32
    return %c0_i32, %c0_i32_0 : i32, i32
  }
  func.func @transform_5(%arg0: i32) -> (i32, i32) {
    %c0_i32 = arith.constant 0 : i32
    %c0_i32_0 = arith.constant 0 : i32
    %c0_i32_1 = arith.constant 0 : i32
    return %c0_i32, %c0_i32_0 : i32, i32
  }
  func.func @transform_6(%arg0: i32) -> (i32, i32) {
    %c0_i32 = arith.constant 0 : i32
    %c0_i32_0 = arith.constant 0 : i32
    %c0_i32_1 = arith.constant 0 : i32
    return %c0_i32, %c0_i32_0 : i32, i32
  }
  func.func @transform_7(%arg0: i32) -> (i32, i32) {
    %c0_i32 = arith.constant 0 : i32
    %c0_i32_0 = arith.constant 0 : i32
    %c0_i32_1 = arith.constant 0 : i32
    return %c0_i32, %c0_i32_0 : i32, i32
  }
  func.func @transform_8(%arg0: i32) -> (i32, i32) {
    %c0_i32 = arith.constant 0 : i32
    %c0_i32_0 = arith.constant 0 : i32
    %c0_i32_1 = arith.constant 0 : i32
    return %c0_i32, %c0_i32_0 : i32, i32
  }
  func.func @transform_9(%arg0: i32) -> (i32, i32) {
    %c0_i32 = arith.constant 0 : i32
    %c0_i32_0 = arith.constant 0 : i32
    %c0_i32_1 = arith.constant 0 : i32
    return %c0_i32, %c0_i32_0 : i32, i32
  }
  func.func @transform_10(%arg0: i32) -> (i32, i32, i32) {
    %c0_i32 = arith.constant 0 : i32
    %c0_i32_0 = arith.constant 0 : i32
    %c0_i32_1 = arith.constant 0 : i32
    return %c0_i32, %arg0, %c0_i32_0 : i32, i32, i32
  }
  func.func @transform_11(%arg0: i32) -> (i32, i32) {
    %c0_i32 = arith.constant 0 : i32
    %c0_i32_0 = arith.constant 0 : i32
    return %arg0, %c0_i32 : i32, i32
  }
  func.func @transform_12(%arg0: i32) -> (i32, i32) {
    %c0_i32 = arith.constant 0 : i32
    %c0_i32_0 = arith.constant 0 : i32
    return %arg0, %c0_i32 : i32, i32
  }
}

module attributes {stable_mosaic.version = 14 : i64} {
  func.func @_tc3_body(%arg0: i32, %arg1: memref<2x1000x48xf32, #tpu.memory_space<vmem>>, %arg2: memref<2x1000x72xf32, #tpu.memory_space<vmem>>, %arg3: memref<1000x42xf32, #tpu.memory_space<vmem>>, %arg4: memref<1000x42xf32, #tpu.memory_space<vmem>>, %arg5: memref<1000x42xf32, #tpu.memory_space<vmem>>, %arg6: memref<1000x1xi32, #tpu.memory_space<vmem>>, %arg7: memref<42x21xf32, #tpu.memory_space<vmem>>, %arg8: memref<1x21xf32, #tpu.memory_space<vmem>>, %arg9: memref<42x8xf32, #tpu.memory_space<vmem>>, %arg10: memref<1x8xf32, #tpu.memory_space<vmem>>, %arg11: memref<1000x21xf32, #tpu.memory_space<vmem>>, %arg12: memref<1000x42xf32, #tpu.memory_space<vmem>>, %arg13: memref<16x43xf32, #tpu.memory_space<vmem>>, %arg14: memref<16x8xf32, #tpu.memory_space<vmem>>) attributes {dimension_semantics = [#tpu.dimension_semantics<arbitrary>], iteration_bounds = array<i64: 10>, scalar_prefetch = 0 : i64, scratch_operands = 0 : i64, tpu.core_type = #tpu.core_type<tc>, window_params = [{transform_indices = @transform_0, window_bounds = array<i64: 2, 1000, 48>}, {transform_indices = @transform_1, window_bounds = array<i64: 2, 1000, 72>}, {transform_indices = @transform_2, window_bounds = array<i64: 1000, 42>}, {transform_indices = @transform_3, window_bounds = array<i64: 1000, 42>}, {transform_indices = @transform_4, window_bounds = array<i64: 1000, 42>}, {transform_indices = @transform_5, window_bounds = array<i64: 1000, 1>}, {pipeline_mode = #tpu.pipeline_mode<synchronous>, transform_indices = @transform_6, window_bounds = array<i64: 42, 21>}, {pipeline_mode = #tpu.pipeline_mode<synchronous>, transform_indices = @transform_7, window_bounds = array<i64: 1, 21>}, {pipeline_mode = #tpu.pipeline_mode<synchronous>, transform_indices = @transform_8, window_bounds = array<i64: 42, 8>}, {pipeline_mode = #tpu.pipeline_mode<synchronous>, transform_indices = @transform_9, window_bounds = array<i64: 1, 8>}, {transform_indices = @transform_10, window_bounds = array<i64: 1000, 21>}, {transform_indices = @transform_11, window_bounds = array<i64: 1000, 42>}, {pipeline_mode = #tpu.pipeline_mode<synchronous>, transform_indices = @transform_12, window_bounds = array<i64: 16, 43>}, {pipeline_mode = #tpu.pipeline_mode<synchronous>, transform_indices = @transform_13, window_bounds = array<i64: 16, 8>}]} {
    %get3A = arith.constant 0 : index
    %get3A_0 = arith.constant 0 : index
    %get3A_1 = arith.constant 0 : index
    %get3A_2 = vector.load %arg1[%get3A, %get3A_0, %get3A_1] : memref<2x1000x48xf32, #tpu.memory_space<vmem>>, vector<2x1000x48xf32>
    %get3A_3 = arith.constant 0 : index
    %get3A_4 = arith.constant 0 : index
    %get3A_5 = arith.constant 64 : index
    %get3A_6 = vector.load %arg2[%get3A_3, %get3A_4, %get3A_5] : memref<2x1000x72xf32, #tpu.memory_space<vmem>>, vector<1x1000x1xf32>
    %get3A_7 = vector.shape_cast %get3A_6 : vector<1x1000x1xf32> to vector<1000x1xf32>
    %max3A = arith.constant 1.000000e+00 : f32
    %max3A_8 = vector.broadcast %max3A : f32 to vector<1000x1xf32>
    %max3A_9 = arith.maximumf %get3A_7, %max3A_8 : vector<1000x1xf32>
    %div3A = arith.constant 1.000000e+00 : f32
    %div3A_10 = vector.broadcast %div3A : f32 to vector<1000x1xf32>
    %div3A_11 = arith.divf %div3A_10, %max3A_9 : vector<1000x1xf32>
    %slice3A = vector.extract_strided_slice %get3A_2 {offsets = [0, 0, 0], sizes = [1, 1000, 42], strides = [1, 1, 1]} : vector<2x1000x48xf32> to vector<1x1000x42xf32>
    %squeeze3A = vector.shape_cast %slice3A : vector<1x1000x42xf32> to vector<1000x42xf32>
    %mul3A = vector.broadcast %div3A_11 : vector<1000x1xf32> to vector<1000x42xf32>
    %mul3A_12 = arith.mulf %squeeze3A, %mul3A : vector<1000x42xf32>
    %get3A_13 = arith.constant 0 : index
    %get3A_14 = arith.constant 0 : index
    %get3A_15 = vector.load %arg3[%get3A_13, %get3A_14] : memref<1000x42xf32, #tpu.memory_space<vmem>>, vector<1000x42xf32>
    %add3A = arith.addf %mul3A_12, %get3A_15 : vector<1000x42xf32>
    %slice3A_16 = vector.extract_strided_slice %get3A_2 {offsets = [1, 0, 0], sizes = [1, 1000, 42], strides = [1, 1, 1]} : vector<2x1000x48xf32> to vector<1x1000x42xf32>
    %squeeze3A_17 = vector.shape_cast %slice3A_16 : vector<1x1000x42xf32> to vector<1000x42xf32>
    %mul3A_18 = vector.broadcast %div3A_11 : vector<1000x1xf32> to vector<1000x42xf32>
    %mul3A_19 = arith.mulf %squeeze3A_17, %mul3A_18 : vector<1000x42xf32>
    %get3A_20 = arith.constant 0 : index
    %get3A_21 = arith.constant 0 : index
    %get3A_22 = vector.load %arg4[%get3A_20, %get3A_21] : memref<1000x42xf32, #tpu.memory_space<vmem>>, vector<1000x42xf32>
    %add3A_23 = arith.addf %mul3A_19, %get3A_22 : vector<1000x42xf32>
    %min3A = arith.constant 1.000000e+01 : f32
    %min3A_24 = vector.broadcast %min3A : f32 to vector<1000x42xf32>
    %min3A_25 = arith.minimumf %add3A_23, %min3A_24 : vector<1000x42xf32>
    %get3A_26 = arith.constant 0 : index
    %get3A_27 = arith.constant 0 : index
    %get3A_28 = vector.load %arg5[%get3A_26, %get3A_27] : memref<1000x42xf32, #tpu.memory_space<vmem>>, vector<1000x42xf32>
    %exp3A = math.exp %min3A_25 : vector<1000x42xf32>
    %mul3A_29 = arith.mulf %get3A_28, %exp3A : vector<1000x42xf32>
    %add3A_30 = arith.addf %add3A, %mul3A_29 : vector<1000x42xf32>
    %swap3A = arith.constant 0 : index
    %swap3A_31 = arith.constant 0 : index
    %swap3A_32 = vector.load %arg12[%swap3A, %swap3A_31] : memref<1000x42xf32, #tpu.memory_space<vmem>>, vector<1000x42xf32>
    tpu.vector_store %arg12[%swap3A, %swap3A_31], %add3A_30 {strides = array<i32>} : memref<1000x42xf32, #tpu.memory_space<vmem>>, vector<1000x42xf32>,
    %get3A_33 = arith.constant 0 : index
    %get3A_34 = arith.constant 0 : index
    %get3A_35 = vector.load %arg7[%get3A_33, %get3A_34] : memref<42x21xf32, #tpu.memory_space<vmem>>, vector<42x21xf32>
    %dot_general3A = arith.constant dense<0.000000e+00> : vector<1000x21xf32>
    %dot_general3A_36 = tpu.matmul %add3A_30, %get3A_35, %dot_general3A {dimension_numbers = #tpu.dot_dimension_numbers<[1], [0], [0], [1], [0, 0, 1, 1], [], []>, transpose_lhs_hint = false} : vector<1000x42xf32>, vector<42x21xf32>, vector<1000x21xf32> -> vector<1000x21xf32>
    %get3A_37 = arith.constant 0 : index
    %get3A_38 = arith.constant 0 : index
    %get3A_39 = vector.load %arg8[%get3A_37, %get3A_38] : memref<1x21xf32, #tpu.memory_space<vmem>>, vector<1x21xf32>
    %add3A_40 = vector.broadcast %get3A_39 : vector<1x21xf32> to vector<1000x21xf32>
    %add3A_41 = arith.addf %dot_general3A_36, %add3A_40 : vector<1000x21xf32>
    %max3A_42 = arith.constant 0.000000e+00 : f32
    %max3A_43 = vector.broadcast %max3A_42 : f32 to vector<1000x21xf32>
    %max3A_44 = arith.maximumf %add3A_41, %max3A_43 : vector<1000x21xf32>
    %reduce_max3A = arith.constant dense<0xFF800000> : vector<1000xf32>
    %reduce_max3A_45 = vector.multi_reduction <maximumf>, %max3A_44, %reduce_max3A [1] : vector<1000x21xf32> to vector<1000xf32>
    %broadcast_in_dim3A = vector.shape_cast %reduce_max3A_45 : vector<1000xf32> to vector<1000x1xf32>
    %sub3A = vector.broadcast %broadcast_in_dim3A : vector<1000x1xf32> to vector<1000x21xf32>
    %sub3A_46 = arith.subf %max3A_44, %sub3A : vector<1000x21xf32>
    %sub3A_47 = vector.broadcast %broadcast_in_dim3A : vector<1000x1xf32> to vector<1000x21xf32>
    %sub3A_48 = arith.subf %max3A_44, %sub3A_47 : vector<1000x21xf32>
    %exp3A_49 = math.exp %sub3A_48 : vector<1000x21xf32>
    %reduce_sum3A = arith.constant dense<0.000000e+00> : vector<1000xf32>
    %reduce_sum3A_50 = vector.multi_reduction <add>, %exp3A_49, %reduce_sum3A [1] : vector<1000x21xf32> to vector<1000xf32>
    %broadcast_in_dim3A_51 = vector.shape_cast %reduce_sum3A_50 : vector<1000xf32> to vector<1000x1xf32>
    %log3A = math.log %broadcast_in_dim3A_51 : vector<1000x1xf32>
    %sub3A_52 = vector.broadcast %log3A : vector<1000x1xf32> to vector<1000x21xf32>
    %sub3A_53 = arith.subf %sub3A_46, %sub3A_52 : vector<1000x21xf32>
    %swap3A_54 = arith.constant 0 : index
    %swap3A_55 = arith.constant 0 : index
    %swap3A_56 = vector.load %arg11[%swap3A_54, %swap3A_55] : memref<1000x21xf32, #tpu.memory_space<vmem>>, vector<1000x21xf32>
    tpu.vector_store %arg11[%swap3A_54, %swap3A_55], %sub3A_53 {strides = array<i32>} : memref<1000x21xf32, #tpu.memory_space<vmem>>, vector<1000x21xf32>,
    %iota3A = tpu.iota {dimensions = array<i32: 1>} : vector<1000x16xi32>
    %get3A_57 = arith.constant 0 : index
    %get3A_58 = arith.constant 0 : index
    %get3A_59 = vector.load %arg6[%get3A_57, %get3A_58] : memref<1000x1xi32, #tpu.memory_space<vmem>>, vector<1000x1xi32>
    %eq3A = vector.broadcast %get3A_59 : vector<1000x1xi32> to vector<1000x16xi32>
    %eq3A_60 = arith.cmpi eq, %eq3A, %iota3A : vector<1000x16xi32>
    %convert_element_type3A = arith.extui %eq3A_60 : vector<1000x16xi1> to vector<1000x16xi32>
    %convert_element_type3A_61 = arith.sitofp %convert_element_type3A : vector<1000x16xi32> to vector<1000x16xf32>
    %broadcast_in_dim3A_62 = arith.constant 1.000000e+00 : f32
    %broadcast_in_dim3A_63 = vector.broadcast %broadcast_in_dim3A_62 : f32 to vector<1000x1xf32>
    %concatenate3A = tpu.concatenate %add3A_30, %broadcast_in_dim3A_63 in 1 : vector<1000x42xf32>, vector<1000x1xf32> -> vector<1000x43xf32>
    %dot_general3A_64 = arith.constant dense<0.000000e+00> : vector<16x43xf32>
    %dot_general3A_65 = tpu.matmul %convert_element_type3A_61, %concatenate3A, %dot_general3A_64 {dimension_numbers = #tpu.dot_dimension_numbers<[0], [0], [1], [1], [0, 1, 1, 1], [], []>, transpose_lhs_hint = false} : vector<1000x16xf32>, vector<1000x43xf32>, vector<16x43xf32> -> vector<16x43xf32>
    %eq3A_66 = arith.constant 0 : i32
    %eq3A_67 = arith.cmpi eq, %arg0, %eq3A_66 : i32
    %convert_element_type3A_68 = arith.extui %eq3A_67 : i1 to i32
    %cond3A = arith.constant 0 : i32
    %cond3A_69 = arith.cmpi ne, %convert_element_type3A_68, %cond3A : i32
    scf.if %cond3A_69 {
      %swap3A_79 = arith.constant 0 : index
      %swap3A_80 = arith.constant 0 : index
      %swap3A_81 = vector.load %arg13[%swap3A_79, %swap3A_80] : memref<16x43xf32, #tpu.memory_space<vmem>>, vector<16x43xf32>
      tpu.vector_store %arg13[%swap3A_79, %swap3A_80], %dot_general3A_65 {strides = array<i32>} : memref<16x43xf32, #tpu.memory_space<vmem>>, vector<16x43xf32>,
    } else {
    }
    %gt3A = arith.constant 0 : i32
    %gt3A_70 = arith.cmpi sgt, %arg0, %gt3A : i32
    %convert_element_type3A_71 = arith.extui %gt3A_70 : i1 to i32
    %cond3A_72 = arith.constant 0 : i32
    %cond3A_73 = arith.cmpi ne, %convert_element_type3A_71, %cond3A_72 : i32
    scf.if %cond3A_73 {
      %get3A_79 = arith.constant 0 : index
      %get3A_80 = arith.constant 0 : index
      %get3A_81 = vector.load %arg13[%get3A_79, %get3A_80] : memref<16x43xf32, #tpu.memory_space<vmem>>, vector<16x43xf32>
      %add3A_82 = arith.addf %get3A_81, %dot_general3A_65 : vector<16x43xf32>
      %swap3A_83 = arith.constant 0 : index
      %swap3A_84 = arith.constant 0 : index
      %swap3A_85 = vector.load %arg13[%swap3A_83, %swap3A_84] : memref<16x43xf32, #tpu.memory_space<vmem>>, vector<16x43xf32>
      tpu.vector_store %arg13[%swap3A_83, %swap3A_84], %add3A_82 {strides = array<i32>} : memref<16x43xf32, #tpu.memory_space<vmem>>, vector<16x43xf32>,
    } else {
    }
    %eq3A_74 = arith.constant 9 : i32
    %eq3A_75 = arith.cmpi eq, %arg0, %eq3A_74 : i32
    %convert_element_type3A_76 = arith.extui %eq3A_75 : i1 to i32
    %cond3A_77 = arith.constant 0 : i32
    %cond3A_78 = arith.cmpi ne, %convert_element_type3A_76, %cond3A_77 : i32
    scf.if %cond3A_78 {
      %get3A_79 = arith.constant 0 : index
      %get3A_80 = arith.constant 0 : index
      %get3A_81 = vector.load %arg13[%get3A_79, %get3A_80] : memref<16x43xf32, #tpu.memory_space<vmem>>, vector<16x43xf32>
      %slice3A_82 = vector.extract_strided_slice %get3A_81 {offsets = [0, 0], sizes = [16, 42], strides = [1, 1]} : vector<16x43xf32> to vector<16x42xf32>
      %slice3A_83 = vector.extract_strided_slice %get3A_81 {offsets = [0, 42], sizes = [16, 1], strides = [1, 1]} : vector<16x43xf32> to vector<16x1xf32>
      %max3A_84 = arith.constant 1.000000e+00 : f32
      %max3A_85 = vector.broadcast %max3A_84 : f32 to vector<16x1xf32>
      %max3A_86 = arith.maximumf %slice3A_83, %max3A_85 : vector<16x1xf32>
      %div3A_87 = vector.broadcast %max3A_86 : vector<16x1xf32> to vector<16x42xf32>
      %div3A_88 = arith.divf %slice3A_82, %div3A_87 : vector<16x42xf32>
      %get3A_89 = arith.constant 0 : index
      %get3A_90 = arith.constant 0 : index
      %get3A_91 = vector.load %arg9[%get3A_89, %get3A_90] : memref<42x8xf32, #tpu.memory_space<vmem>>, vector<42x8xf32>
      %dot_general3A_92 = arith.constant dense<0.000000e+00> : vector<16x8xf32>
      %dot_general3A_93 = tpu.matmul %div3A_88, %get3A_91, %dot_general3A_92 {dimension_numbers = #tpu.dot_dimension_numbers<[1], [0], [0], [1], [0, 0, 1, 1], [], []>, transpose_lhs_hint = false} : vector<16x42xf32>, vector<42x8xf32>, vector<16x8xf32> -> vector<16x8xf32>
      %get3A_94 = arith.constant 0 : index
      %get3A_95 = arith.constant 0 : index
      %get3A_96 = vector.load %arg10[%get3A_94, %get3A_95] : memref<1x8xf32, #tpu.memory_space<vmem>>, vector<1x8xf32>
      %add3A_97 = vector.broadcast %get3A_96 : vector<1x8xf32> to vector<16x8xf32>
      %add3A_98 = arith.addf %dot_general3A_93, %add3A_97 : vector<16x8xf32>
      %reduce_max3A_99 = arith.constant dense<0xFF800000> : vector<16xf32>
      %reduce_max3A_100 = vector.multi_reduction <maximumf>, %add3A_98, %reduce_max3A_99 [1] : vector<16x8xf32> to vector<16xf32>
      %broadcast_in_dim3A_101 = vector.shape_cast %reduce_max3A_100 : vector<16xf32> to vector<16x1xf32>
      %sub3A_102 = vector.broadcast %broadcast_in_dim3A_101 : vector<16x1xf32> to vector<16x8xf32>
      %sub3A_103 = arith.subf %add3A_98, %sub3A_102 : vector<16x8xf32>
      %sub3A_104 = vector.broadcast %broadcast_in_dim3A_101 : vector<16x1xf32> to vector<16x8xf32>
      %sub3A_105 = arith.subf %add3A_98, %sub3A_104 : vector<16x8xf32>
      %exp3A_106 = math.exp %sub3A_105 : vector<16x8xf32>
      %reduce_sum3A_107 = arith.constant dense<0.000000e+00> : vector<16xf32>
      %reduce_sum3A_108 = vector.multi_reduction <add>, %exp3A_106, %reduce_sum3A_107 [1] : vector<16x8xf32> to vector<16xf32>
      %broadcast_in_dim3A_109 = vector.shape_cast %reduce_sum3A_108 : vector<16xf32> to vector<16x1xf32>
      %log3A_110 = math.log %broadcast_in_dim3A_109 : vector<16x1xf32>
      %sub3A_111 = vector.broadcast %log3A_110 : vector<16x1xf32> to vector<16x8xf32>
      %sub3A_112 = arith.subf %sub3A_103, %sub3A_111 : vector<16x8xf32>
      %swap3A_113 = arith.constant 0 : index
      %swap3A_114 = arith.constant 0 : index
      %swap3A_115 = vector.load %arg14[%swap3A_113, %swap3A_114] : memref<16x8xf32, #tpu.memory_space<vmem>>, vector<16x8xf32>
      tpu.vector_store %arg14[%swap3A_113, %swap3A_114], %sub3A_112 {strides = array<i32>} : memref<16x8xf32, #tpu.memory_space<vmem>>, vector<16x8xf32>,
    } else {
    }
    return
  }
  func.func @transform_0(%arg0: i32) -> (i32, i32, i32) {
    %c0_i32 = arith.constant 0 : i32
    %c0_i32_0 = arith.constant 0 : i32
    %c0_i32_1 = arith.constant 0 : i32
    return %c0_i32, %arg0, %c0_i32_0 : i32, i32, i32
  }
  func.func @transform_1(%arg0: i32) -> (i32, i32, i32) {
    %c0_i32 = arith.constant 0 : i32
    %c0_i32_0 = arith.constant 0 : i32
    %c0_i32_1 = arith.constant 0 : i32
    return %c0_i32, %arg0, %c0_i32_0 : i32, i32, i32
  }
  func.func @transform_2(%arg0: i32) -> (i32, i32) {
    %c0_i32 = arith.constant 0 : i32
    %c0_i32_0 = arith.constant 0 : i32
    return %arg0, %c0_i32 : i32, i32
  }
  func.func @transform_3(%arg0: i32) -> (i32, i32) {
    %c0_i32 = arith.constant 0 : i32
    %c0_i32_0 = arith.constant 0 : i32
    return %arg0, %c0_i32 : i32, i32
  }
  func.func @transform_4(%arg0: i32) -> (i32, i32) {
    %c0_i32 = arith.constant 0 : i32
    %c0_i32_0 = arith.constant 0 : i32
    return %arg0, %c0_i32 : i32, i32
  }
  func.func @transform_5(%arg0: i32) -> (i32, i32) {
    %c0_i32 = arith.constant 0 : i32
    %c0_i32_0 = arith.constant 0 : i32
    return %arg0, %c0_i32 : i32, i32
  }
  func.func @transform_6(%arg0: i32) -> (i32, i32) {
    %c0_i32 = arith.constant 0 : i32
    %c0_i32_0 = arith.constant 0 : i32
    %c0_i32_1 = arith.constant 0 : i32
    return %c0_i32, %c0_i32_0 : i32, i32
  }
  func.func @transform_7(%arg0: i32) -> (i32, i32) {
    %c0_i32 = arith.constant 0 : i32
    %c0_i32_0 = arith.constant 0 : i32
    %c0_i32_1 = arith.constant 0 : i32
    return %c0_i32, %c0_i32_0 : i32, i32
  }
  func.func @transform_8(%arg0: i32) -> (i32, i32) {
    %c0_i32 = arith.constant 0 : i32
    %c0_i32_0 = arith.constant 0 : i32
    %c0_i32_1 = arith.constant 0 : i32
    return %c0_i32, %c0_i32_0 : i32, i32
  }
  func.func @transform_9(%arg0: i32) -> (i32, i32) {
    %c0_i32 = arith.constant 0 : i32
    %c0_i32_0 = arith.constant 0 : i32
    %c0_i32_1 = arith.constant 0 : i32
    return %c0_i32, %c0_i32_0 : i32, i32
  }
  func.func @transform_10(%arg0: i32) -> (i32, i32) {
    %c0_i32 = arith.constant 0 : i32
    %c0_i32_0 = arith.constant 0 : i32
    return %arg0, %c0_i32 : i32, i32
  }
  func.func @transform_11(%arg0: i32) -> (i32, i32) {
    %c0_i32 = arith.constant 0 : i32
    %c0_i32_0 = arith.constant 0 : i32
    return %arg0, %c0_i32 : i32, i32
  }
  func.func @transform_12(%arg0: i32) -> (i32, i32) {
    %c0_i32 = arith.constant 0 : i32
    %c0_i32_0 = arith.constant 0 : i32
    %c0_i32_1 = arith.constant 0 : i32
    return %c0_i32, %c0_i32_0 : i32, i32
  }
  func.func @transform_13(%arg0: i32) -> (i32, i32) {
    %c0_i32 = arith.constant 0 : i32
    %c0_i32_0 = arith.constant 0 : i32
    %c0_i32_1 = arith.constant 0 : i32
    return %c0_i32, %c0_i32_0 : i32, i32
  }
}

</mosaic_0001>

<sc_bundles>
// kernel: kernel.11.cloned.1.call-start
scs
__scs_entry_jumppad:
0x0: {  	(pc) =	sbr.rel $0x88, $3  }
0x1: {  	(tag) =	ssettag $0x0;
	lr =	simm.s32 $0x1  }
0x2: {  	[smem:$0x3F8E] =	sst lr;
	_ =	strace $0xD0000000  }
0x3: {  	_ = 	snop  }
0x4: {  	_ = 	snop  }
0x5: {  	_ = 	snop  }
0x6: {  	_ = 	snop  }
0x7: {  	_ = 	snop  }
__scs_overlays_trampoline_lowered:
0x8: {  	[smem:$0x3F9D] =	sst s0  }
0x9: {  	[smem:$0x3F9E] =	sst s1  }
0xa: {  	[smem:$0x3F9F] =	sst s2  }
0xb: {  	[smem:$0x3FA0] =	sst s3  }
0xc: {  	[smem:$0x3FA1] =	sst s4  }
0xd: {  	[smem:$0x3FA2] =	sst s5  }
0xe: {  	[smem:$0x3FA3] =	sst s6  }
0xf: {  	[smem:$0x3FA4] =	sst s7  }
0x10: {  	[smem:$0x3FA5] =	sst s8  }
0x11: {  	[smem:$0x3FA6] =	sst s9;
	s0 =	simm.s32 @!p0 $0x0  }
0x12: {  	s1 =	sld [smem:$0x3F8C];
	s0 =	simm.s32 @p0 $0x1  }
0x13: {  	[smem:$0x3FA7] =	sst s0;
	s0 =	simm.s32 @!p1 $0x0  }
0x14: {  	s2 =	sld [smem:$0x3F8B];
	s0 =	simm.s32 @p1 $0x1  }
0x15: {  	[smem:$0x3FA8] =	sst s0;
	s0 =	simm.s32 @!p2 $0x0  }
0x16: {  	s3 =	sld [smem:$0x3FDB];
	s0 =	simm.s32 @p2 $0x1  }
0x17: {  	s4 =	simm.s32 $0x1BF5;
	[smem:$0x3FAA] =	sst s0  }
0x18: {  	s0 =	sld [smem:$0x3F8D];
	_ =	swait.ge [sflag:s4], $0x0  }
0x19: {  	s7 =	sld [smem:$0x3F8E]  }
0x1a: {  	s8 =	sadd.s32 $0xFFFFE003, lr  }
0x1b: {  	s9 =	sadd.s32 $0xFFFFFEF7, lr;
	s5 =	simm.s32 $0xFFFFFFFF;
	p2 =	slt.u32 s8, $0xFFFFF086  }
0x1c: {  	p1 =	slt.u32 s9, $0xF7A;
	s5 =	simm.s32 @!p2 $0x0  }
0x1d: {  	s5 =	simm.s32 @p1 $0x1;
	p0 =	seq.s32 s7, s2  }
0x1e: {  	s7 =	smul.u32 @!p0 $0xF7A, s2;
	p2 =	seq.s32 @!p0 s5, $0x0  }
0x1f: {  	s9 =	smul.u32 $0xF7A, s1;
	s8 =	simm.s32 @!p0 $0x1BF5;
	p2 =	por !p2, p0  }
0x20: {  	[sflag:s8] =	ssyncset.s32 @!p0 $0xFFFFF086;
	s6 =	sadd.s32 @!p0 s3, s7;
	s7 =	simm.s32 @!p0 $0x108  }
0x21: {  	s3 =	sadd.s32 s3, s9;
	s6 =	sadd.s32 @!p0 $0x88, s6;
	s7 =	simm.s32 @p2 $0x1082  }
0x22: {  	[simem:s7], [sflag:s8] =	dma.local @!p0 [hbm:s6], $0xF7A  }
0x23: {  	s9 =	sor.u32 $0xD0000000, s2;
	s6 =	simm.s32 $0x108;
	_ =	swait.ge @!p0 [sflag:s8], $0x0  }
0x24: {  	s3 =	sadd.s32 $0x88, s3;
	s6 =	simm.s32 @!p1 $0x1082;
	[sflag:s4] =	ssyncset.s32 $0xFFFFF086  }
0x25: {  	[simem:s6], [sflag:s4] =	dma.local [hbm:s3], $0xF7A  }
0x26: {  	[smem:$0x3F8E] =	sst s1;
	(tag) =	ssettag s2;
	_ =	strace s9  }
0x27: {  	s1 =	sld [smem:$0x3F9E]  }
0x28: {  	s2 =	sld [smem:$0x3F9F]  }
0x29: {  	s4 =	sld [smem:$0x3FA1]  }
0x2a: {  	p0 =	seq.s32 s5, $0x0;
	s5 =	sld [smem:$0x3FA2]  }
0x2b: {  	s6 =	sld [smem:$0x3FA3]  }
0x2c: {  	s7 =	sld [smem:$0x3FA4]  }
0x2d: {  	s3 =	simm.s32 $0x108;
	s8 =	sld [smem:$0x3FA5]  }
0x2e: {  	s3 =	simm.s32 @!p0 $0x1082;
	s9 =	sld [smem:$0x3FA6]  }
0x2f: {  	lr =	sadd.s32 s0, s3;
	s0 =	sld [smem:$0x3F9D]  }
0x30: {  	s3 =	sld [smem:$0x3FA0]  }
0x31: {  	[smem:$0x3FA9] =	sst s10  }
0x32: {  	s10 =	sld [smem:$0x3FA7];
	_ =	sdelay $0x3  }
0x33: {  	p0 =	seq.s32 s10, $0x1;
	s10 =	sld [smem:$0x3FA9];
	_ =	sdelay $0x3  }
0x34: {  	[smem:$0x3FA9] =	sst s10  }
0x35: {  	s10 =	sld [smem:$0x3FA8];
	_ =	sdelay $0x3  }
0x36: {  	p1 =	seq.s32 s10, $0x1;
	s10 =	sld [smem:$0x3FA9];
	_ =	sdelay $0x3  }
0x37: {  	[smem:$0x3FA9] =	sst s10  }
0x38: {  	s10 =	sld [smem:$0x3FAA]  }
0x39: {  	_ = 	snop;
	(pc) =	sbr.ind lr, $3  }
0x3a: {  	_ = 	snop  }
0x3b: {  	_ = 	snop  }
0x3c: {  	p2 =	seq.s32 s10, $0x1;
	s10 =	sld [smem:$0x3FA9]  }
0x3d: {  	_ =	shalt  }
0x3e: {  	_ =	shalt  }
0x3f: {  	_ =	shalt  }
0x40: {  	_ =	shalt  }
0x41: {  	_ =	shalt  }
0x42: {  	_ =	shalt  }
0x43: {  	_ =	shalt  }
0x44: {  	_ =	shalt  }
0x45: {  	_ =	shalt  }
0x46: {  	_ =	shalt  }
0x47: {  	_ =	shalt  }
0x48: {  	_ =	shalt  }
0x49: {  	_ =	shalt  }
0x4a: {  	_ =	shalt  }
0x4b: {  	_ =	shalt  }
0x4c: {  	_ =	shalt  }
0x4d: {  	_ =	shalt  }
0x4e: {  	_ =	shalt  }
0x4f: {  	_ =	shalt  }
0x50: {  	_ =	shalt  }
0x51: {  	_ =	shalt  }
0x52: {  	_ =	shalt  }
0x53: {  	_ =	shalt  }
0x54: {  	_ =	shalt  }
0x55: {  	_ =	shalt  }
0x56: {  	_ =	shalt  }
0x57: {  	_ =	shalt  }
0x58: {  	_ =	shalt  }
0x59: {  	_ =	shalt  }
0x5a: {  	_ =	shalt  }
0x5b: {  	_ =	shalt  }
0x5c: {  	_ =	shalt  }
0x5d: {  	_ =	shalt  }
0x5e: {  	_ =	shalt  }
0x5f: {  	_ =	shalt  }
0x60: {  	_ =	shalt  }
0x61: {  	_ =	shalt  }
0x62: {  	_ =	shalt  }
0x63: {  	_ =	shalt  }
0x64: {  	_ =	shalt  }
0x65: {  	_ =	shalt  }
0x66: {  	_ =	shalt  }
0x67: {  	_ =	shalt  }
0x68: {  	_ =	shalt  }
0x69: {  	_ =	shalt  }
0x6a: {  	_ =	shalt  }
0x6b: {  	_ =	shalt  }
0x6c: {  	_ =	shalt  }
0x6d: {  	_ =	shalt  }
0x6e: {  	_ =	shalt  }
0x6f: {  	_ =	shalt  }
0x70: {  	_ =	shalt  }
0x71: {  	_ =	shalt  }
0x72: {  	_ =	shalt  }
0x73: {  	_ =	shalt  }
0x74: {  	_ =	shalt  }
0x75: {  	_ =	shalt  }
0x76: {  	_ =	shalt  }
0x77: {  	_ =	shalt  }
0x78: {  	_ =	shalt  }
0x79: {  	_ =	shalt  }
0x7a: {  	_ =	shalt  }
0x7b: {  	_ =	shalt  }
0x7c: {  	_ =	shalt  }
0x7d: {  	_ =	shalt  }
0x7e: {  	_ =	shalt  }
0x7f: {  	_ =	shalt  }
0x80: {  	_ =	shalt  }
0x81: {  	_ =	shalt  }
0x82: {  	_ =	shalt  }
0x83: {  	_ =	shalt  }
0x84: {  	_ =	shalt  }
0x85: {  	_ =	shalt  }
0x86: {  	_ =	shalt  }
0x87: {  	_ =	shalt  }
.Lfunc_end0:
.L_simem_size_0:
called_computation.1_lowered:
.L_overlay_start_0:
0x88: {  	s2 =	sld [smem:$0x3FD9]  }
0x89: {  	s3 =	sld [smem:$0x3FFE];
	_ =	sdelay $0x1  }
0x8a: {  	s1 =	srdreg.scid  }
0x8b: {  	s0 =	sand.u32 $0x1, s1  }
0x8c: {  	s16 =	sshll.u32 s0, $0xA;
	s2 =	sadd.s32 s3, s2  }
0x8d: {  	s2 =	sadd.s32 s2, s16  }
0x8e: {  	[smem:$0x3FB5] =	sst s2  }
0x8f: {  	_ = 	snop  }
0x90: {  	(tm) =	ssettm $0x1  }
0x91: {  	s17 =	sld [smem:$0x3FFB];
	_ =	sdelay $0x3  }
0x92: {  	_ =	strace s17  }
0x93: {  	s2 =	sld [smem:$0x3FFC];
	_ =	sdelay $0x3  }
0x94: {  	_ =	strace s2  }
0x95: {  	s2 =	sld [smem:$0x3FFD];
	_ =	sdelay $0x3  }
0x96: {  	_ =	strace s2  }
0x97: {  	_ =	strace $0x8FFFFFFF  }
0x98: {  	s18 =	sld [smem:$0x3FDB];
	_ =	sdelay $0x1  }
0x99: {  	s19 =	simm.s32 $_scs_section_size  }
0x9a: {  	s4 =	simm.s32 $_size__tile_overlayer_lowered;
	s5 =	simm.s32 $_tile_overlayer_lowered  }
0x9b: {  	s22 =	simm.s32 $0x1BFF;
	s21 =	sshll.u32 s5, $0x1;
	s2 =	sadd.s32 s19, s18  }
0x9c: {  	s6 =	simm.s32 $0x0;
	s20 =	sshll.u32 s4, $0x1;
	s4 =	sadd.s32 s21, s2  }
0x9d: {  	[timem:s6], [sflag:s22] =	dma.local [hbm:s4], s20  }
0x9e: {  	_ =	swait.ge [sflag:s22], s20  }
0x9f: {  	s3 =	ssub.s32 $0x0, s20;
	[sflag:s22] =	ssyncset.done $0x0  }
0xa0: {  	[sflag:s22] =	ssyncadd.s32 s3;
	_ =	sdelay $0x1  }
0xa1: {  	s23 =	simm.s32 $0x1B8B  }
0xa2: {  	_ =	swait.ge [sflag:s23], $0x1  }
0xa3: {  	[sflag:s23] =	ssyncset.done $0x0  }
0xa4: {  	s25 =	simm.s32 $0x1B8E;
	s24 =	sld [smem:$0x3FFE];
	[sflag:s23] =	ssyncadd.s32 $0xFFFFFFFF  }
0xa5: {  	s26 =	simm.s32 $execute0_lowered;
	[smem:$0x3FD2] =	sst s25  }
0xa6: {  	s4 =	sshll.u32 s26, $0x1;
	_ =	strace $0x80000049;
	[dreg:$0x1] =	wrdreg $0xFFFFFFFF  }
0xa7: {  	s28 =	simm.s32 $_size_execute0_lowered;
	s2 =	sadd.s32 s2, s4;
	[dreg:$0x0] =	wrdreg $0x0  }
0xa8: {  	s4 =	sshll.u32 s28, $0x1;
	[dreg:$0x2] =	wrdreg s2  }
0xa9: {  	[dreg:$0x3] =	wrdreg s4  }
0xaa: {  	[dreg:$0x4] =	wrdreg $0xC0  }
0xab: {  	_ =	task [dreg:s6], $0x5FFFF  }
0xac: {  	[dreg:$0x1] =	wrdreg $0xFFFFFFFF  }
0xad: {  	[dreg:$0x0] =	wrdreg $0x60  }
0xae: {  	[dreg:$0x2] =	wrdreg s24  }
0xaf: {  	[dreg:$0x3] =	wrdreg $0xF5000  }
0xb0: {  	[dreg:$0x4] =	wrdreg $0x9  }
0xb1: {  	_ =	task.clear_ibuf [dreg:s6], $0x5FFFF;
	_ =	strace $0x90000049  }
0xb2: {  	s29 =	simm.s32 $0x9;
	_ =	strace $0x8000004B  }
0xb3: {  	_ =	swait.ge [sflag:s29], $0x1  }
0xb4: {  	[sflag:s29] =	ssyncadd.s32 $0xFFFFFFFF  }
0xb5: {  	_ =	strace $0x9000004B  }
0xb6: {  	_ =	sfence  }
0xb7: {  	s30 =	sld [smem:$0x0];
	_ =	sdelay $0x2  }
0xb8: {  	s31 =	sshll.u32 s1, $0xD;
	s1 =	sshrl.u32 s1, $0x2  }
0xb9: {  	s3 =	sand.u32 $0x4000, s31;
	s1 =	sadd.s32 s1, s30  }
0xba: {  	s0 =	sor.u32 s3, s0;
	s1 =	sshll.u32 s1, $0x11  }
0xbb: {  	s0 =	sor.u32 s1, s0  }
0xbc: {  	s0 =	sadd.s32 $0x8F2B, s0  }
0xbd: {  	[sflag:s0] =	ssyncadd.remote.s32 $0x1  }
0xbe: {  	_ =	sfence.sel $0xFFFF  }
0xbf: {  	[dreg:$0x0] =	wrdreg $0xFFFFFFFF;
	(pc) =	sbr.abs _section_cstart, $3  }
0xc0: {  	[dreg:$0x1] =	wrdreg $0xFFFFFFFF  }
0xc1: {  	_ =	task.clear_ibuf [dreg:s6], $0x2FFFF;
	_ =	strace $0x9FFFFFFF  }
0xc2: {  	(tm) =	ssettm $0x7FFFFFFF  }
0xc3: {  	_ =	shalt  }
tec
execute0_lowered:
.L_overlay_start_1:
0x0: {  	(tag) =	ssettag $0x1  }
0x1: {  	s7 =	rddreg [dreg:$0x0]  }
0x2: {  	s0 =	srdreg.scid;
	s2 =	rddreg [dreg:$0x1]  }
0x3: {  	s3 =	simm.s32 $0x0;
	s16 =	simm.s32 $0x80;
	s17 =	simm.s32 $0x9D00  }
0x4: {  	s18 =	simm.s32 $0xC900;
	s19 =	simm.s32 $0x1;
	s20 =	simm.s32 $0x3  }
0x5: {  	s21 =	simm.s32 $0x2;
	s22 =	simm.s32 $0x4;
	s23 =	simm.s32 $0x9B80  }
0x6: {  	s24 =	simm.s32 $0x4E00;
	s25 =	simm.s32 $0x9C00;
	s26 =	simm.s32 $0x9C80  }
0x7: {  	s28 =	simm.s32 $0x0;
	s6 =	sand.u32 $0x1, s0;
	s0 =	stileid.u32  }
0x8: {  	[smem:$0x7FF] =	sst s3;
	s4 =	sadd.s32 $0xDDE00, s7;
	s9 =	smul.u32 $0x9D0, s0  }
0x9: {  	s5 =	sadd.s32 $0x4D600, s7;
	s1 =	sshll.u32 s6, $0x4;
	s10 =	smul.u32 $0xD730, s0  }
0xa: {  	s11 =	smul.u32 $0xD7300, s6;
	s6 =	ssub.s32 $0x2, s6;
	s14 =	sshll.u32 s0, $0x6  }
0xb: {  	s1 =	sor.u32 s0, s1;
	s13 =	sshrl.u32 s6, $0x1;
	s14 =	sor.u32 $0x1C05, s14  }
0xc: {  	s8 =	smul.u32 $0x9D0, s1;
	s1 =	rddreg [dreg:$0x2];
	_ =	strace $0x8000004A  }
0xd: {  	s9 =	sadd.s32 s9, s7;
	s11 =	sadd.s32 s10, s11;
	s12 =	sshrl.u32 s10, $0x3  }
0xe: {  	s13 =	ssub.s32 s6, s13;
	s15 =	sadd.s32 s10, s2;
	s11 =	sshrl.u32 s11, $0x3  }
0xf: {  	s12 =	sadd.s32 s12, s7;
	s8 =	sadd.s32 s8, s7;
	s11 =	sadd.s32 s11, s7  }
0x10: {  	s7 =	sadd.s32 $0x43800, s9;
	s6 =	sadd.s32 $0x3E00, s8;
	s8 =	sadd.s32 $0x17800, s12  }
0x11: {  	s15 =	sshrl.u32 s15, $0x3;
	s9 =	sadd.s32 $0x1D7200, s11;
	s10 =	sadd.s32 $0x1A1400, s11  }
0x12: {  	s11 =	smax.u32 s13, $0x1;
	s12 =	simm.s32 $0x5;
	s13 =	simm.s32 $0x4E80  }
.LBB2_1:
0x13: {  	[tilespmem:s3], [sflag:$0x5] =	stream.linear.gather [hbm4b:s6+s3], $0x4E80, $0x38;
	[tilespmem:$0x1CC30] =	vst v63  }
0x14: {  	_ =	swait.ge [sflag:s12], $0x4E80  }
0x15: {  	[sflag:s12] =	ssyncset.done $0x0  }
0x16: {  	[sflag:s12] =	ssyncadd.s32 $0xFFFFB180  }
0x17: {  	[tilespmem:s13], [sflag:$0x5] =	stream.linear.gather [hbm4b:s7+s3], $0x4E80, $0x38;
	[tilespmem:$0x1CC30] =	vst v63  }
0x18: {  	_ =	swait.ge [sflag:s12], $0x4E80  }
0x19: {  	[sflag:s12] =	ssyncset.done $0x0  }
0x1a: {  	[sflag:s12] =	ssyncadd.s32 $0xFFFFB180  }
0x1b: {  	[spmem:s15], [sflag:s14] =	dma.local [hbm:s8], $0x1AE6  }
0x1c: {  	_ =	swait.ge [sflag:s12], $0x1AE6  }
0x1d: {  	[sflag:s12] =	ssyncset.done $0x0  }
0x1e: {  	[sflag:s12] =	ssyncadd.s32 $0xFFFFE51A  }
0x1f: {  	[bflag:$0x0] =	sbarrier.arrive $0xFFFF  }
0x20: {  	[tilespmem:s17], [sflag:$0x1] =	stream.indirect.gather [hbm4b:s4+s16], $0x58, s3, s16, $0xb8;
	[tilespmem:$0x1CC30] =	vst v63  }
0x21: {  	_ = 	snop  }
0x22: {  	[tilespmem:s18], [sflag:$0x2] =	stream.indirect.gather [hbm4b:s4+s16], $0x58, s16, s16, $0xb8;
	[tilespmem:$0x1CC30] =	vst v63  }
0x23: {  	_ =	swait.ge [sflag:s19], $0x2C00  }
0x24: {  	[sflag:s19] =	ssyncset.done $0x0  }
0x25: {  	s29 =	simm.s32 $0x4E80;
	[sflag:s19] =	ssyncadd.s32 $0xFFFFD400  }
0x26: {  	[spmem:s2] =	stream.indirect.scatter.add.f32 [tilespmem:s17], [sflag:$0x3], $0x58, s29, s16, $0xb8;
	[tilespmem:$0x1CC30] =	vst v63  }
0x27: {  	_ =	swait.ge [sflag:s20], $0x2C00  }
0x28: {  	[sflag:s20] =	ssyncset.done $0x0  }
0x29: {  	s29 =	simm.s32 $0x100;
	[sflag:s20] =	ssyncadd.s32 $0xFFFFD400  }
0x2a: {  	[tilespmem:s17], [sflag:$0x1] =	stream.indirect.gather [hbm4b:s4+s16], $0x58, s29, s16, $0xb8;
	[tilespmem:$0x1CC30] =	vst v63  }
0x2b: {  	_ =	swait.ge [sflag:s21], $0x2C00  }
0x2c: {  	[sflag:s21] =	ssyncset.done $0x0  }
0x2d: {  	s29 =	simm.s32 $0x4F00;
	[sflag:s21] =	ssyncadd.s32 $0xFFFFD400  }
0x2e: {  	[spmem:s2] =	stream.indirect.scatter.add.f32 [tilespmem:s18], [sflag:$0x4], $0x58, s29, s16, $0xb8;
	[tilespmem:$0x1CC30] =	vst v63  }
0x2f: {  	_ =	swait.ge [sflag:s22], $0x2C00  }
0x30: {  	[sflag:s22] =	ssyncset.done $0x0  }
0x31: {  	s30 =	simm.s32 $0x180;
	s29 =	simm.s32 $0x400;
	[sflag:s22] =	ssyncadd.s32 $0xFFFFD400  }
.LBB2_2:
0x32: {  	[tilespmem:s18], [sflag:$0x2] =	stream.indirect.gather [hbm4b:s4+s16], $0x58, s30, s16, $0xb8;
	[tilespmem:$0x1CC30] =	vst v63  }
0x33: {  	s30 =	smov.u32 s29  }
0x34: {  	p0 =	sne.s32 s29, $0x13000;
	s29 =	sadd.s32 $0x400, s29;
	_ =	swait.ge [sflag:s19], $0x2C00  }
0x35: {  	s30 =	sshra.s32 s30, $0x2;
	[sflag:s19] =	ssyncset.done $0x0  }
0x36: {  	s31 =	sadd.s32 $0x4E80, s30;
	[sflag:s19] =	ssyncadd.s32 $0xFFFFD400  }
0x37: {  	[spmem:s2] =	stream.indirect.scatter.add.f32 [tilespmem:s17], [sflag:$0x3], $0x58, s31, s16, $0xb8;
	[tilespmem:$0x1CC30] =	vst v63  }
0x38: {  	_ =	swait.ge [sflag:s20], $0x2C00  }
0x39: {  	[sflag:s20] =	ssyncset.done $0x0  }
0x3a: {  	s31 =	sadd.s32 $0x100, s30;
	[sflag:s20] =	ssyncadd.s32 $0xFFFFD400  }
0x3b: {  	[tilespmem:s17], [sflag:$0x1] =	stream.indirect.gather [hbm4b:s4+s16], $0x58, s31, s16, $0xb8;
	[tilespmem:$0x1CC30] =	vst v63  }
0x3c: {  	_ =	swait.ge [sflag:s21], $0x2C00  }
0x3d: {  	[sflag:s21] =	ssyncset.done $0x0  }
.Ltmp0:
0x3e: {  	s31 =	sadd.s32 $0x4F00, s30;
	[sflag:s21] =	ssyncadd.s32 $0xFFFFD400;
	(pc) =	sbr.rel @p0 .LBB2_2-.Ltmp0, $4  }
0x3f: {  	[spmem:s2] =	stream.indirect.scatter.add.f32 [tilespmem:s18], [sflag:$0x4], $0x58, s31, s16, $0xb8;
	[tilespmem:$0x1CC30] =	vst v63  }
0x40: {  	_ =	swait.ge [sflag:s22], $0x2C00  }
0x41: {  	[sflag:s22] =	ssyncset.done $0x0  }
0x42: {  	s30 =	sadd.s32 $0x180, s30;
	[sflag:s22] =	ssyncadd.s32 $0xFFFFD400  }
0x43: {  	[tilespmem:s18], [sflag:$0x2] =	stream.indirect.gather [hbm4b:s4+s16], $0x58, s30, s16, $0xb8;
	[tilespmem:$0x1CC30] =	vst v63  }
0x44: {  	_ =	swait.ge [sflag:s19], $0x2C00  }
0x45: {  	[sflag:s19] =	ssyncset.done $0x0  }
0x46: {  	[sflag:s19] =	ssyncadd.s32 $0xFFFFD400  }
0x47: {  	[spmem:s2] =	stream.indirect.scatter.add.f32 [tilespmem:s17], [sflag:$0x3], $0x58, s23, s16, $0xb8;
	[tilespmem:$0x1CC30] =	vst v63  }
0x48: {  	_ =	swait.ge [sflag:s20], $0x2C00  }
0x49: {  	[sflag:s20] =	ssyncset.done $0x0  }
0x4a: {  	[sflag:s20] =	ssyncadd.s32 $0xFFFFD400  }
0x4b: {  	[tilespmem:s17], [sflag:$0x1] =	stream.indirect.gather [hbm4b:s4+s16], $0x58, s24, s16, $0xb8;
	[tilespmem:$0x1CC30] =	vst v63  }
0x4c: {  	_ =	swait.ge [sflag:s21], $0x2C00  }
0x4d: {  	[sflag:s21] =	ssyncset.done $0x0  }
0x4e: {  	[sflag:s21] =	ssyncadd.s32 $0xFFFFD400  }
0x4f: {  	[spmem:s2] =	stream.indirect.scatter.add.f32 [tilespmem:s18], [sflag:$0x4], $0x58, s25, s16, $0xb8;
	[tilespmem:$0x1CC30] =	vst v63  }
0x50: {  	_ =	swait.ge [sflag:s19], $0x2C00  }
0x51: {  	[sflag:s19] =	ssyncset.done $0x0  }
0x52: {  	[sflag:s19] =	ssyncadd.s32 $0xFFFFD400  }
0x53: {  	[spmem:s2] =	stream.indirect.scatter.add.f32 [tilespmem:s17], [sflag:$0x3], $0x58, s26, s16, $0xb8;
	[tilespmem:$0x1CC30] =	vst v63  }
0x54: {  	_ =	swait.ge [sflag:s22], $0x2C00  }
0x55: {  	[sflag:s22] =	ssyncset.done $0x0  }
0x56: {  	[sflag:s22] =	ssyncadd.s32 $0xFFFFD400  }
0x57: {  	_ =	swait.ge [sflag:s20], $0x2C00  }
0x58: {  	[sflag:s20] =	ssyncset.done $0x0  }
0x59: {  	[sflag:s20] =	ssyncadd.s32 $0xFFFFD400  }
0x5a: {  	[bflag:$0x0] =	sbarrier.arrive $0xFFFF  }
0x5b: {  	[hbm:s9], [sflag:s14] =	dma.local [spmem:s15], $0x1AE6  }
0x5c: {  	_ =	swait.ge [sflag:s12], $0x1AE6  }
0x5d: {  	[sflag:s12] =	ssyncset.done $0x0  }
0x5e: {  	[sflag:s12] =	ssyncadd.s32 $0xFFFFE51A  }
0x5f: {  	[bflag:$0x0] =	sbarrier.arrive $0xFFFF  }
0x60: {  	[spmem:s15], [sflag:s14] =	dma.local [hbm:s8], $0x1AE6  }
0x61: {  	_ =	swait.ge [sflag:s12], $0x1AE6  }
0x62: {  	[sflag:s12] =	ssyncset.done $0x0  }
0x63: {  	[sflag:s12] =	ssyncadd.s32 $0xFFFFE51A  }
0x64: {  	s29 =	simm.s32 $0x0;
	[bflag:$0x0] =	sbarrier.arrive $0xFFFF  }
0x65: {  	[tilespmem:s17], [sflag:$0x1] =	stream.indirect.gather [hbm4b:s5+s16], $0x58, s29, s16, $0xb8;
	[tilespmem:$0x1CC30] =	vst v63  }
0x66: {  	_ = 	snop  }
0x67: {  	[tilespmem:s18], [sflag:$0x2] =	stream.indirect.gather [hbm4b:s5+s16], $0x58, s16, s16, $0xb8;
	[tilespmem:$0x1CC30] =	vst v63  }
0x68: {  	_ =	swait.ge [sflag:s19], $0x2C00  }
0x69: {  	[sflag:s19] =	ssyncset.done $0x0  }
0x6a: {  	s29 =	simm.s32 $0x4E80;
	[sflag:s19] =	ssyncadd.s32 $0xFFFFD400  }
0x6b: {  	[spmem:s2] =	stream.indirect.scatter.add.f32 [tilespmem:s17], [sflag:$0x3], $0x58, s29, s16, $0xb8;
	[tilespmem:$0x1CC30] =	vst v63  }
0x6c: {  	_ =	swait.ge [sflag:s20], $0x2C00  }
0x6d: {  	[sflag:s20] =	ssyncset.done $0x0  }
0x6e: {  	s29 =	simm.s32 $0x100;
	[sflag:s20] =	ssyncadd.s32 $0xFFFFD400  }
0x6f: {  	[tilespmem:s17], [sflag:$0x1] =	stream.indirect.gather [hbm4b:s5+s16], $0x58, s29, s16, $0xb8;
	[tilespmem:$0x1CC30] =	vst v63  }
0x70: {  	_ =	swait.ge [sflag:s21], $0x2C00  }
0x71: {  	[sflag:s21] =	ssyncset.done $0x0  }
0x72: {  	s29 =	simm.s32 $0x4F00;
	[sflag:s21] =	ssyncadd.s32 $0xFFFFD400  }
0x73: {  	[spmem:s2] =	stream.indirect.scatter.add.f32 [tilespmem:s18], [sflag:$0x4], $0x58, s29, s16, $0xb8;
	[tilespmem:$0x1CC30] =	vst v63  }
0x74: {  	_ =	swait.ge [sflag:s22], $0x2C00  }
0x75: {  	[sflag:s22] =	ssyncset.done $0x0  }
0x76: {  	s30 =	simm.s32 $0x180;
	s29 =	simm.s32 $0x400;
	[sflag:s22] =	ssyncadd.s32 $0xFFFFD400  }
.LBB2_4:
0x77: {  	[tilespmem:s18], [sflag:$0x2] =	stream.indirect.gather [hbm4b:s5+s16], $0x58, s30, s16, $0xb8;
	[tilespmem:$0x1CC30] =	vst v63  }
0x78: {  	s30 =	smov.u32 s29  }
0x79: {  	p0 =	sne.s32 s29, $0x13000;
	s29 =	sadd.s32 $0x400, s29;
	_ =	swait.ge [sflag:s19], $0x2C00  }
0x7a: {  	s30 =	sshra.s32 s30, $0x2;
	[sflag:s19] =	ssyncset.done $0x0  }
0x7b: {  	s31 =	sadd.s32 $0x4E80, s30;
	[sflag:s19] =	ssyncadd.s32 $0xFFFFD400  }
0x7c: {  	[spmem:s2] =	stream.indirect.scatter.add.f32 [tilespmem:s17], [sflag:$0x3], $0x58, s31, s16, $0xb8;
	[tilespmem:$0x1CC30] =	vst v63  }
0x7d: {  	_ =	swait.ge [sflag:s20], $0x2C00  }
0x7e: {  	[sflag:s20] =	ssyncset.done $0x0  }
0x7f: {  	s31 =	sadd.s32 $0x100, s30;
	[sflag:s20] =	ssyncadd.s32 $0xFFFFD400  }
0x80: {  	[tilespmem:s17], [sflag:$0x1] =	stream.indirect.gather [hbm4b:s5+s16], $0x58, s31, s16, $0xb8;
	[tilespmem:$0x1CC30] =	vst v63  }
0x81: {  	_ =	swait.ge [sflag:s21], $0x2C00  }
0x82: {  	[sflag:s21] =	ssyncset.done $0x0  }
.Ltmp1:
0x83: {  	s31 =	sadd.s32 $0x4F00, s30;
	[sflag:s21] =	ssyncadd.s32 $0xFFFFD400;
	(pc) =	sbr.rel @p0 .LBB2_4-.Ltmp1, $4  }
0x84: {  	[spmem:s2] =	stream.indirect.scatter.add.f32 [tilespmem:s18], [sflag:$0x4], $0x58, s31, s16, $0xb8;
	[tilespmem:$0x1CC30] =	vst v63  }
0x85: {  	_ =	swait.ge [sflag:s22], $0x2C00  }
0x86: {  	[sflag:s22] =	ssyncset.done $0x0  }
0x87: {  	s30 =	sadd.s32 $0x180, s30;
	[sflag:s22] =	ssyncadd.s32 $0xFFFFD400  }
0x88: {  	[tilespmem:s18], [sflag:$0x2] =	stream.indirect.gather [hbm4b:s5+s16], $0x58, s30, s16, $0xb8;
	[tilespmem:$0x1CC30] =	vst v63  }
0x89: {  	_ =	swait.ge [sflag:s19], $0x2C00  }
0x8a: {  	[sflag:s19] =	ssyncset.done $0x0  }
0x8b: {  	[sflag:s19] =	ssyncadd.s32 $0xFFFFD400  }
0x8c: {  	[spmem:s2] =	stream.indirect.scatter.add.f32 [tilespmem:s17], [sflag:$0x3], $0x58, s23, s16, $0xb8;
	[tilespmem:$0x1CC30] =	vst v63  }
0x8d: {  	_ =	swait.ge [sflag:s20], $0x2C00  }
0x8e: {  	[sflag:s20] =	ssyncset.done $0x0  }
0x8f: {  	[sflag:s20] =	ssyncadd.s32 $0xFFFFD400  }
0x90: {  	[tilespmem:s17], [sflag:$0x1] =	stream.indirect.gather [hbm4b:s5+s16], $0x58, s24, s16, $0xb8;
	[tilespmem:$0x1CC30] =	vst v63  }
0x91: {  	_ =	swait.ge [sflag:s21], $0x2C00  }
0x92: {  	[sflag:s21] =	ssyncset.done $0x0  }
0x93: {  	[sflag:s21] =	ssyncadd.s32 $0xFFFFD400  }
0x94: {  	[spmem:s2] =	stream.indirect.scatter.add.f32 [tilespmem:s18], [sflag:$0x4], $0x58, s25, s16, $0xb8;
	[tilespmem:$0x1CC30] =	vst v63  }
0x95: {  	_ =	swait.ge [sflag:s19], $0x2C00  }
0x96: {  	[sflag:s19] =	ssyncset.done $0x0  }
0x97: {  	[sflag:s19] =	ssyncadd.s32 $0xFFFFD400  }
0x98: {  	[spmem:s2] =	stream.indirect.scatter.add.f32 [tilespmem:s17], [sflag:$0x3], $0x58, s26, s16, $0xb8;
	[tilespmem:$0x1CC30] =	vst v63  }
0x99: {  	_ =	swait.ge [sflag:s22], $0x2C00  }
0x9a: {  	[sflag:s22] =	ssyncset.done $0x0  }
0x9b: {  	[sflag:s22] =	ssyncadd.s32 $0xFFFFD400  }
0x9c: {  	_ =	swait.ge [sflag:s20], $0x2C00  }
0x9d: {  	s28 =	sadd.s32 $0x1, s28;
	[sflag:s20] =	ssyncset.done $0x0  }
0x9e: {  	p0 =	sne.s32 s28, s11;
	[sflag:s20] =	ssyncadd.s32 $0xFFFFD400  }
.Ltmp2:
0x9f: {  	[bflag:$0x0] =	sbarrier.arrive $0xFFFF;
	(pc) =	sbr.rel @p0 .LBB2_1-.Ltmp2, $4  }
0xa0: {  	[hbm:s10], [sflag:s14] =	dma.local [spmem:s15], $0x1AE6  }
0xa1: {  	_ =	swait.ge [sflag:s12], $0x1AE6  }
0xa2: {  	[sflag:s12] =	ssyncset.done $0x0  }
0xa3: {  	[sflag:s12] =	ssyncadd.s32 $0xFFFFE51A  }
0xa4: {  	_ =	sfence.sel $0x180000  }
0xa5: {  	[bflag:$0x0] =	sbarrier.arrive $0xFFFF  }
0xa6: {  	p0 =	sne.s32 s0, $0x0;
	_ =	strace $0x9000004A  }
0xa7: {  	s0 =	sadd.s32 @!p0 $0x100000, s1;
	[bflag:$0x2] =	sbarrier.arrive $0xFFFF  }
0xa8: {  	[sflag:s0] =	ssyncadd.tile.s32 @!p0 $0x1;
	_ =	shalt  }
.Lfunc_end2:
_tile_overlayer_lowered:
.L_overlay_start_2:
0xa9: {  	(tag) =	ssettag $0x2  }
0xaa: {  	s0 =	rddreg [dreg:$0x0];
	s2 =	stileid.u32  }
0xab: {  	s1 =	rddreg [dreg:$0x1];
	p0 =	sne.s32 s2, $0x0  }
0xac: {  	s3 =	rddreg [dreg:$0x2];
	[bflag:$0x3] =	sbarrier.arrive $0xFFFF;
	s2 =	simm.s32 @!p0 $0x1C05  }
0xad: {  	[timem:s3], [sflag:s2] =	dma.local @!p0 [hbm:s0], s1  }
0xae: {  	s0 =	simm.s32 @!p0 $0x5  }
0xaf: {  	_ =	swait.ge @!p0 [sflag:s0], s1  }
0xb0: {  	s1 =	ssub.s32 @!p0 $0x0, s1;
	[sflag:s0] =	ssyncset.done @!p0 $0x0  }
0xb1: {  	[sflag:s0] =	ssyncadd.s32 @!p0 s1  }
0xb2: {  	[bflag:$0x3] =	sbarrier.arrive $0xFFFF  }
0xb3: {  	_ =	shalt  }

// kernel: kernel.14.cloned.1.call-start
scs
__scs_entry_jumppad:
0x0: {  	(pc) =	sbr.rel $0x88, $3  }
0x1: {  	(tag) =	ssettag $0x0;
	lr =	simm.s32 $0x1  }
0x2: {  	[smem:$0x3F8E] =	sst lr;
	_ =	strace $0xD0000000  }
0x3: {  	_ = 	snop  }
0x4: {  	_ = 	snop  }
0x5: {  	_ = 	snop  }
0x6: {  	_ = 	snop  }
0x7: {  	_ = 	snop  }
__scs_overlays_trampoline_lowered:
0x8: {  	[smem:$0x3F9D] =	sst s0  }
0x9: {  	[smem:$0x3F9E] =	sst s1  }
0xa: {  	[smem:$0x3F9F] =	sst s2  }
0xb: {  	[smem:$0x3FA0] =	sst s3  }
0xc: {  	[smem:$0x3FA1] =	sst s4  }
0xd: {  	[smem:$0x3FA2] =	sst s5  }
0xe: {  	[smem:$0x3FA3] =	sst s6  }
0xf: {  	[smem:$0x3FA4] =	sst s7  }
0x10: {  	[smem:$0x3FA5] =	sst s8  }
0x11: {  	[smem:$0x3FA6] =	sst s9;
	s0 =	simm.s32 @!p0 $0x0  }
0x12: {  	s1 =	sld [smem:$0x3F8C];
	s0 =	simm.s32 @p0 $0x1  }
0x13: {  	[smem:$0x3FA7] =	sst s0;
	s0 =	simm.s32 @!p1 $0x0  }
0x14: {  	s2 =	sld [smem:$0x3F8B];
	s0 =	simm.s32 @p1 $0x1  }
0x15: {  	[smem:$0x3FA8] =	sst s0;
	s0 =	simm.s32 @!p2 $0x0  }
0x16: {  	s3 =	sld [smem:$0x3FDB];
	s0 =	simm.s32 @p2 $0x1  }
0x17: {  	s4 =	simm.s32 $0x1BF5;
	[smem:$0x3FAA] =	sst s0  }
0x18: {  	s0 =	sld [smem:$0x3F8D];
	_ =	swait.ge [sflag:s4], $0x0  }
0x19: {  	s7 =	sld [smem:$0x3F8E]  }
0x1a: {  	s8 =	sadd.s32 $0xFFFFE003, lr  }
0x1b: {  	s9 =	sadd.s32 $0xFFFFFEF7, lr;
	s5 =	simm.s32 $0xFFFFFFFF;
	p2 =	slt.u32 s8, $0xFFFFF086  }
0x1c: {  	p1 =	slt.u32 s9, $0xF7A;
	s5 =	simm.s32 @!p2 $0x0  }
0x1d: {  	s5 =	simm.s32 @p1 $0x1;
	p0 =	seq.s32 s7, s2  }
0x1e: {  	s7 =	smul.u32 @!p0 $0xF7A, s2;
	p2 =	seq.s32 @!p0 s5, $0x0  }
0x1f: {  	s9 =	smul.u32 $0xF7A, s1;
	s8 =	simm.s32 @!p0 $0x1BF5;
	p2 =	por !p2, p0  }
0x20: {  	[sflag:s8] =	ssyncset.s32 @!p0 $0xFFFFF086;
	s6 =	sadd.s32 @!p0 s3, s7;
	s7 =	simm.s32 @!p0 $0x108  }
0x21: {  	s3 =	sadd.s32 s3, s9;
	s6 =	sadd.s32 @!p0 $0x88, s6;
	s7 =	simm.s32 @p2 $0x1082  }
0x22: {  	[simem:s7], [sflag:s8] =	dma.local @!p0 [hbm:s6], $0xF7A  }
0x23: {  	s9 =	sor.u32 $0xD0000000, s2;
	s6 =	simm.s32 $0x108;
	_ =	swait.ge @!p0 [sflag:s8], $0x0  }
0x24: {  	s3 =	sadd.s32 $0x88, s3;
	s6 =	simm.s32 @!p1 $0x1082;
	[sflag:s4] =	ssyncset.s32 $0xFFFFF086  }
0x25: {  	[simem:s6], [sflag:s4] =	dma.local [hbm:s3], $0xF7A  }
0x26: {  	[smem:$0x3F8E] =	sst s1;
	(tag) =	ssettag s2;
	_ =	strace s9  }
0x27: {  	s1 =	sld [smem:$0x3F9E]  }
0x28: {  	s2 =	sld [smem:$0x3F9F]  }
0x29: {  	s4 =	sld [smem:$0x3FA1]  }
0x2a: {  	p0 =	seq.s32 s5, $0x0;
	s5 =	sld [smem:$0x3FA2]  }
0x2b: {  	s6 =	sld [smem:$0x3FA3]  }
0x2c: {  	s7 =	sld [smem:$0x3FA4]  }
0x2d: {  	s3 =	simm.s32 $0x108;
	s8 =	sld [smem:$0x3FA5]  }
0x2e: {  	s3 =	simm.s32 @!p0 $0x1082;
	s9 =	sld [smem:$0x3FA6]  }
0x2f: {  	lr =	sadd.s32 s0, s3;
	s0 =	sld [smem:$0x3F9D]  }
0x30: {  	s3 =	sld [smem:$0x3FA0]  }
0x31: {  	[smem:$0x3FA9] =	sst s10  }
0x32: {  	s10 =	sld [smem:$0x3FA7];
	_ =	sdelay $0x3  }
0x33: {  	p0 =	seq.s32 s10, $0x1;
	s10 =	sld [smem:$0x3FA9];
	_ =	sdelay $0x3  }
0x34: {  	[smem:$0x3FA9] =	sst s10  }
0x35: {  	s10 =	sld [smem:$0x3FA8];
	_ =	sdelay $0x3  }
0x36: {  	p1 =	seq.s32 s10, $0x1;
	s10 =	sld [smem:$0x3FA9];
	_ =	sdelay $0x3  }
0x37: {  	[smem:$0x3FA9] =	sst s10  }
0x38: {  	s10 =	sld [smem:$0x3FAA]  }
0x39: {  	_ = 	snop;
	(pc) =	sbr.ind lr, $3  }
0x3a: {  	_ = 	snop  }
0x3b: {  	_ = 	snop  }
0x3c: {  	p2 =	seq.s32 s10, $0x1;
	s10 =	sld [smem:$0x3FA9]  }
0x3d: {  	_ =	shalt  }
0x3e: {  	_ =	shalt  }
0x3f: {  	_ =	shalt  }
0x40: {  	_ =	shalt  }
0x41: {  	_ =	shalt  }
0x42: {  	_ =	shalt  }
0x43: {  	_ =	shalt  }
0x44: {  	_ =	shalt  }
0x45: {  	_ =	shalt  }
0x46: {  	_ =	shalt  }
0x47: {  	_ =	shalt  }
0x48: {  	_ =	shalt  }
0x49: {  	_ =	shalt  }
0x4a: {  	_ =	shalt  }
0x4b: {  	_ =	shalt  }
0x4c: {  	_ =	shalt  }
0x4d: {  	_ =	shalt  }
0x4e: {  	_ =	shalt  }
0x4f: {  	_ =	shalt  }
0x50: {  	_ =	shalt  }
0x51: {  	_ =	shalt  }
0x52: {  	_ =	shalt  }
0x53: {  	_ =	shalt  }
0x54: {  	_ =	shalt  }
0x55: {  	_ =	shalt  }
0x56: {  	_ =	shalt  }
0x57: {  	_ =	shalt  }
0x58: {  	_ =	shalt  }
0x59: {  	_ =	shalt  }
0x5a: {  	_ =	shalt  }
0x5b: {  	_ =	shalt  }
0x5c: {  	_ =	shalt  }
0x5d: {  	_ =	shalt  }
0x5e: {  	_ =	shalt  }
0x5f: {  	_ =	shalt  }
0x60: {  	_ =	shalt  }
0x61: {  	_ =	shalt  }
0x62: {  	_ =	shalt  }
0x63: {  	_ =	shalt  }
0x64: {  	_ =	shalt  }
0x65: {  	_ =	shalt  }
0x66: {  	_ =	shalt  }
0x67: {  	_ =	shalt  }
0x68: {  	_ =	shalt  }
0x69: {  	_ =	shalt  }
0x6a: {  	_ =	shalt  }
0x6b: {  	_ =	shalt  }
0x6c: {  	_ =	shalt  }
0x6d: {  	_ =	shalt  }
0x6e: {  	_ =	shalt  }
0x6f: {  	_ =	shalt  }
0x70: {  	_ =	shalt  }
0x71: {  	_ =	shalt  }
0x72: {  	_ =	shalt  }
0x73: {  	_ =	shalt  }
0x74: {  	_ =	shalt  }
0x75: {  	_ =	shalt  }
0x76: {  	_ =	shalt  }
0x77: {  	_ =	shalt  }
0x78: {  	_ =	shalt  }
0x79: {  	_ =	shalt  }
0x7a: {  	_ =	shalt  }
0x7b: {  	_ =	shalt  }
0x7c: {  	_ =	shalt  }
0x7d: {  	_ =	shalt  }
0x7e: {  	_ =	shalt  }
0x7f: {  	_ =	shalt  }
0x80: {  	_ =	shalt  }
0x81: {  	_ =	shalt  }
0x82: {  	_ =	shalt  }
0x83: {  	_ =	shalt  }
0x84: {  	_ =	shalt  }
0x85: {  	_ =	shalt  }
0x86: {  	_ =	shalt  }
0x87: {  	_ =	shalt  }
.Lfunc_end0:
.L_simem_size_0:
called_computation.2_lowered:
.L_overlay_start_0:
0x88: {  	s2 =	sld [smem:$0x3FD9]  }
0x89: {  	s3 =	sld [smem:$0x3FFE];
	_ =	sdelay $0x1  }
0x8a: {  	s1 =	srdreg.scid  }
0x8b: {  	s0 =	sand.u32 $0x1, s1  }
0x8c: {  	s14 =	sshll.u32 s0, $0xA;
	s2 =	sadd.s32 s3, s2  }
0x8d: {  	s2 =	sadd.s32 s2, s14  }
0x8e: {  	[smem:$0x3FB5] =	sst s2  }
0x8f: {  	_ = 	snop  }
0x90: {  	s2 =	sld [smem:$0x3FD0];
	_ =	sdelay $0x2  }
0x91: {  	s15 =	simm.s32 $0xA;
	s4 =	simm.s32 $0x10  }
0x92: {  	[smem:s4], [sflag:s15] =	dma.local [hbm:s2], $0x1  }
0x93: {  	_ =	swait.eq [sflag:s15], $0x1  }
0x94: {  	[sflag:s15] =	ssyncset.done $0x0  }
0x95: {  	[sflag:s15] =	ssyncadd.s32 $0xFFFFFFFF  }
0x96: {  	s16 =	sld [smem:$0x12];
	(tm) =	ssettm $0x1  }
0x97: {  	s17 =	sld [smem:$0x3FFB];
	_ =	sdelay $0x3  }
0x98: {  	_ =	strace s17  }
0x99: {  	s3 =	sld [smem:$0x3FFC];
	_ =	sdelay $0x3  }
0x9a: {  	_ =	strace s3  }
0x9b: {  	s3 =	sld [smem:$0x3FFD];
	_ =	sdelay $0x3  }
0x9c: {  	_ =	strace s3  }
0x9d: {  	_ =	strace $0x8FFFFFFF  }
0x9e: {  	s18 =	sld [smem:$0x3FDB];
	_ =	sdelay $0x1  }
0x9f: {  	s19 =	simm.s32 $_scs_section_size  }
0xa0: {  	s5 =	simm.s32 $_size__tile_overlayer_lowered;
	s6 =	simm.s32 $_tile_overlayer_lowered  }
0xa1: {  	s22 =	simm.s32 $0x1BFF;
	s21 =	sshll.u32 s6, $0x1;
	s3 =	sadd.s32 s19, s18  }
0xa2: {  	s7 =	simm.s32 $0x0;
	s20 =	sshll.u32 s5, $0x1;
	s5 =	sadd.s32 s21, s3  }
0xa3: {  	[timem:s7], [sflag:s22] =	dma.local [hbm:s5], s20  }
0xa4: {  	_ =	swait.ge [sflag:s22], s20  }
0xa5: {  	s4 =	ssub.s32 $0x0, s20;
	[sflag:s22] =	ssyncset.done $0x0  }
0xa6: {  	[sflag:s22] =	ssyncadd.s32 s4;
	_ =	sdelay $0x1  }
0xa7: {  	s23 =	simm.s32 $0x1B8B  }
0xa8: {  	_ =	swait.ge [sflag:s23], $0x1  }
0xa9: {  	[sflag:s23] =	ssyncset.done $0x0  }
0xaa: {  	s25 =	simm.s32 $0x1B8E;
	s24 =	sld [smem:$0x3FFE];
	[sflag:s23] =	ssyncadd.s32 $0xFFFFFFFF  }
0xab: {  	s26 =	simm.s32 $execute0_lowered;
	[smem:$0x3FD2] =	sst s25  }
0xac: {  	s5 =	sshll.u32 s26, $0x1;
	_ =	strace $0x8000004C;
	[dreg:$0x1] =	wrdreg $0xFFFFFFFF  }
0xad: {  	s28 =	simm.s32 $_size_execute0_lowered;
	s3 =	sadd.s32 s3, s5;
	[dreg:$0x0] =	wrdreg $0x0  }
0xae: {  	s5 =	sshll.u32 s28, $0x1;
	[dreg:$0x2] =	wrdreg s3  }
0xaf: {  	[dreg:$0x3] =	wrdreg s5  }
0xb0: {  	[dreg:$0x4] =	wrdreg $0xC0  }
0xb1: {  	_ =	task [dreg:s7], $0x5FFFF  }
0xb2: {  	[dreg:$0x1] =	wrdreg $0xFFFFFFFF  }
0xb3: {  	[dreg:$0x0] =	wrdreg $0x60  }
0xb4: {  	[dreg:$0x2] =	wrdreg s24  }
0xb5: {  	[dreg:$0x3] =	wrdreg s16  }
0xb6: {  	[dreg:$0x4] =	wrdreg $0xCD000  }
0xb7: {  	[dreg:$0x5] =	wrdreg $0x9  }
0xb8: {  	_ =	task.clear_ibuf [dreg:s7], $0x6FFFF;
	_ =	strace $0x9000004C  }
0xb9: {  	s29 =	simm.s32 $0x9;
	_ =	strace $0x8000004E  }
0xba: {  	_ =	swait.ge [sflag:s29], $0x1  }
0xbb: {  	[sflag:s29] =	ssyncadd.s32 $0xFFFFFFFF  }
0xbc: {  	_ =	strace $0x9000004E  }
0xbd: {  	_ =	sfence  }
0xbe: {  	s30 =	sld [smem:$0x0];
	_ =	sdelay $0x2  }
0xbf: {  	s31 =	sshll.u32 s1, $0xD;
	s1 =	sshrl.u32 s1, $0x2  }
0xc0: {  	s3 =	sand.u32 $0x4000, s31;
	s1 =	sadd.s32 s1, s30  }
0xc1: {  	s0 =	sor.u32 s3, s0;
	s1 =	sshll.u32 s1, $0x11  }
0xc2: {  	s0 =	sor.u32 s1, s0  }
0xc3: {  	s0 =	sadd.s32 $0x8F2B, s0  }
0xc4: {  	[sflag:s0] =	ssyncadd.remote.s32 $0x1  }
0xc5: {  	_ =	sfence.sel $0xFFFF  }
0xc6: {  	[dreg:$0x0] =	wrdreg $0xFFFFFFFF;
	(pc) =	sbr.abs _section_cstart, $3  }
0xc7: {  	[dreg:$0x1] =	wrdreg $0xFFFFFFFF  }
0xc8: {  	_ =	task.clear_ibuf [dreg:s7], $0x2FFFF;
	_ =	strace $0x9FFFFFFF  }
0xc9: {  	(tm) =	ssettm $0x7FFFFFFF  }
tec
execute0_lowered:
.L_overlay_start_1:
0x0: {  	(tag) =	ssettag $0x1  }
0x1: {  	s5 =	rddreg [dreg:$0x0]  }
0x2: {  	s7 =	rddreg [dreg:$0x1]  }
0x3: {  	s2 =	rddreg [dreg:$0x2];
	s3 =	srdreg.scid  }
0x4: {  	s0 =	rddreg [dreg:$0x3];
	s1 =	stileid.u32;
	s14 =	simm.s32 $0x80  }
0x5: {  	s15 =	simm.s32 $0x9D00;
	s16 =	simm.s32 $0xB500;
	s17 =	simm.s32 $0x1  }
0x6: {  	s18 =	simm.s32 $0x3;
	s19 =	simm.s32 $0x2;
	s20 =	simm.s32 $0x4  }
0x7: {  	s21 =	simm.s32 $0x9B80;
	s22 =	simm.s32 $0x4E00;
	s23 =	simm.s32 $0x9C00  }
0x8: {  	s24 =	simm.s32 $0x9C80;
	s25 =	simm.s32 $0x0;
	s8 =	smul.u32 $0x7560, s1  }
0x9: {  	s6 =	sand.u32 $0x1, s3;
	s3 =	simm.s32 $0x0;
	s11 =	smul.u32 $0x9D0, s1  }
0xa: {  	s31 =	sshll.u32 s1, $0x6;
	s4 =	sshll.u32 s6, $0x4;
	[smem:$0x7FF] =	sst s3  }
0xb: {  	s10 =	smul.u32 $0x75600, s6;
	s6 =	ssub.s32 $0x2, s6;
	s9 =	sor.u32 s1, s4  }
0xc: {  	_ =	strace $0x8000004D;
	s4 =	sadd.s32 $0x17800, s5;
	s12 =	sshrl.u32 s6, $0x1  }
0xd: {  	s11 =	sadd.s32 s11, s5;
	s30 =	sshrl.u32 s8, $0x3;
	s13 =	sadd.s32 s8, s2  }
0xe: {  	s9 =	smul.u32 $0x9D0, s9;
	s10 =	sadd.s32 s8, s10;
	s12 =	ssub.s32 s6, s12  }
0xf: {  	s6 =	sadd.s32 $0x43800, s11;
	s7 =	sadd.s32 s7, s30;
	s10 =	sshrl.u32 s10, $0x3  }
0x10: {  	s11 =	simm.s32 $0x4E80;
	s9 =	sadd.s32 s9, s5;
	s10 =	sadd.s32 s10, s5  }
0x11: {  	s13 =	sshrl.u32 s13, $0x3;
	s5 =	sadd.s32 $0x3E00, s9;
	s8 =	sadd.s32 $0x4D600, s10  }
0x12: {  	s9 =	smax.u32 s12, $0x1;
	s10 =	simm.s32 $0x5;
	s12 =	sor.u32 $0x1C05, s31  }
.LBB2_1:
0x13: {  	[tilespmem:s3], [sflag:$0x5] =	stream.linear.gather [hbm4b:s5+s3], $0x4E80, $0x38;
	[tilespmem:$0x14260] =	vst v63  }
0x14: {  	_ =	swait.ge [sflag:s10], $0x4E80  }
0x15: {  	[sflag:s10] =	ssyncset.done $0x0  }
0x16: {  	[sflag:s10] =	ssyncadd.s32 $0xFFFFB180  }
0x17: {  	[tilespmem:s11], [sflag:$0x5] =	stream.linear.gather [hbm4b:s6+s3], $0x4E80, $0x38;
	[tilespmem:$0x14260] =	vst v63  }
0x18: {  	_ =	swait.ge [sflag:s10], $0x4E80  }
0x19: {  	[sflag:s10] =	ssyncset.done $0x0  }
0x1a: {  	[sflag:s10] =	ssyncadd.s32 $0xFFFFB180  }
0x1b: {  	[spmem:s13], [sflag:s12] =	dma.local [hbm:s7], $0xEAC  }
0x1c: {  	_ =	swait.ge [sflag:s10], $0xEAC  }
0x1d: {  	[sflag:s10] =	ssyncset.done $0x0  }
0x1e: {  	[sflag:s10] =	ssyncadd.s32 $0xFFFFF154  }
0x1f: {  	[bflag:$0x0] =	sbarrier.arrive $0xFFFF  }
0x20: {  	[tilespmem:s15], [sflag:$0x1] =	stream.indirect.gather [hbm4b:s4+s14], $0x30, s3, s14, $0xb8;
	[tilespmem:$0x14260] =	vst v63  }
0x21: {  	_ = 	snop  }
0x22: {  	[tilespmem:s16], [sflag:$0x2] =	stream.indirect.gather [hbm4b:s4+s14], $0x30, s14, s14, $0xb8;
	[tilespmem:$0x14260] =	vst v63  }
0x23: {  	_ =	swait.ge [sflag:s17], $0x1800  }
0x24: {  	[sflag:s17] =	ssyncset.done $0x0  }
0x25: {  	s26 =	simm.s32 $0x4E80;
	[sflag:s17] =	ssyncadd.s32 $0xFFFFE800  }
0x26: {  	[spmem:s2] =	stream.indirect.scatter.add.f32 [tilespmem:s15], [sflag:$0x3], $0x30, s26, s14, $0xb8;
	[tilespmem:$0x14260] =	vst v63  }
0x27: {  	_ =	swait.ge [sflag:s18], $0x1800  }
0x28: {  	[sflag:s18] =	ssyncset.done $0x0  }
0x29: {  	s30 =	simm.s32 $0x100;
	[sflag:s18] =	ssyncadd.s32 $0xFFFFE800  }
0x2a: {  	[tilespmem:s15], [sflag:$0x1] =	stream.indirect.gather [hbm4b:s4+s14], $0x30, s30, s14, $0xb8;
	[tilespmem:$0x14260] =	vst v63  }
0x2b: {  	_ =	swait.ge [sflag:s19], $0x1800  }
0x2c: {  	[sflag:s19] =	ssyncset.done $0x0  }
0x2d: {  	s31 =	simm.s32 $0x4F00;
	[sflag:s19] =	ssyncadd.s32 $0xFFFFE800  }
0x2e: {  	[spmem:s2] =	stream.indirect.scatter.add.f32 [tilespmem:s16], [sflag:$0x4], $0x30, s31, s14, $0xb8;
	[tilespmem:$0x14260] =	vst v63  }
0x2f: {  	_ =	swait.ge [sflag:s20], $0x1800  }
0x30: {  	[sflag:s20] =	ssyncset.done $0x0  }
0x31: {  	s28 =	simm.s32 $0x180;
	s26 =	simm.s32 $0x400;
	[sflag:s20] =	ssyncadd.s32 $0xFFFFE800  }
.LBB2_2:
0x32: {  	[tilespmem:s16], [sflag:$0x2] =	stream.indirect.gather [hbm4b:s4+s14], $0x30, s28, s14, $0xb8;
	[tilespmem:$0x14260] =	vst v63  }
0x33: {  	s28 =	smov.u32 s26  }
0x34: {  	p0 =	sne.s32 s26, $0x13000;
	s26 =	sadd.s32 $0x400, s26;
	_ =	swait.ge [sflag:s17], $0x1800  }
0x35: {  	s28 =	sshra.s32 s28, $0x2;
	[sflag:s17] =	ssyncset.done $0x0  }
0x36: {  	s29 =	sadd.s32 $0x4E80, s28;
	[sflag:s17] =	ssyncadd.s32 $0xFFFFE800  }
0x37: {  	[spmem:s2] =	stream.indirect.scatter.add.f32 [tilespmem:s15], [sflag:$0x3], $0x30, s29, s14, $0xb8;
	[tilespmem:$0x14260] =	vst v63  }
0x38: {  	_ =	swait.ge [sflag:s18], $0x1800  }
0x39: {  	[sflag:s18] =	ssyncset.done $0x0  }
0x3a: {  	s29 =	sadd.s32 $0x100, s28;
	[sflag:s18] =	ssyncadd.s32 $0xFFFFE800  }
0x3b: {  	[tilespmem:s15], [sflag:$0x1] =	stream.indirect.gather [hbm4b:s4+s14], $0x30, s29, s14, $0xb8;
	[tilespmem:$0x14260] =	vst v63  }
0x3c: {  	_ =	swait.ge [sflag:s19], $0x1800  }
0x3d: {  	[sflag:s19] =	ssyncset.done $0x0  }
.Ltmp0:
0x3e: {  	s29 =	sadd.s32 $0x4F00, s28;
	[sflag:s19] =	ssyncadd.s32 $0xFFFFE800;
	(pc) =	sbr.rel @p0 .LBB2_2-.Ltmp0, $4  }
0x3f: {  	[spmem:s2] =	stream.indirect.scatter.add.f32 [tilespmem:s16], [sflag:$0x4], $0x30, s29, s14, $0xb8;
	[tilespmem:$0x14260] =	vst v63  }
0x40: {  	_ =	swait.ge [sflag:s20], $0x1800  }
0x41: {  	[sflag:s20] =	ssyncset.done $0x0  }
0x42: {  	s28 =	sadd.s32 $0x180, s28;
	[sflag:s20] =	ssyncadd.s32 $0xFFFFE800  }
0x43: {  	[tilespmem:s16], [sflag:$0x2] =	stream.indirect.gather [hbm4b:s4+s14], $0x30, s28, s14, $0xb8;
	[tilespmem:$0x14260] =	vst v63  }
0x44: {  	_ =	swait.ge [sflag:s17], $0x1800  }
0x45: {  	[sflag:s17] =	ssyncset.done $0x0  }
0x46: {  	[sflag:s17] =	ssyncadd.s32 $0xFFFFE800  }
0x47: {  	[spmem:s2] =	stream.indirect.scatter.add.f32 [tilespmem:s15], [sflag:$0x3], $0x30, s21, s14, $0xb8;
	[tilespmem:$0x14260] =	vst v63  }
0x48: {  	_ =	swait.ge [sflag:s18], $0x1800  }
0x49: {  	[sflag:s18] =	ssyncset.done $0x0  }
0x4a: {  	[sflag:s18] =	ssyncadd.s32 $0xFFFFE800  }
0x4b: {  	[tilespmem:s15], [sflag:$0x1] =	stream.indirect.gather [hbm4b:s4+s14], $0x30, s22, s14, $0xb8;
	[tilespmem:$0x14260] =	vst v63  }
0x4c: {  	_ =	swait.ge [sflag:s19], $0x1800  }
0x4d: {  	[sflag:s19] =	ssyncset.done $0x0  }
0x4e: {  	[sflag:s19] =	ssyncadd.s32 $0xFFFFE800  }
0x4f: {  	[spmem:s2] =	stream.indirect.scatter.add.f32 [tilespmem:s16], [sflag:$0x4], $0x30, s23, s14, $0xb8;
	[tilespmem:$0x14260] =	vst v63  }
0x50: {  	_ =	swait.ge [sflag:s17], $0x1800  }
0x51: {  	[sflag:s17] =	ssyncset.done $0x0  }
0x52: {  	[sflag:s17] =	ssyncadd.s32 $0xFFFFE800  }
0x53: {  	[spmem:s2] =	stream.indirect.scatter.add.f32 [tilespmem:s15], [sflag:$0x3], $0x30, s24, s14, $0xb8;
	[tilespmem:$0x14260] =	vst v63  }
0x54: {  	_ =	swait.ge [sflag:s20], $0x1800  }
0x55: {  	[sflag:s20] =	ssyncset.done $0x0  }
0x56: {  	[sflag:s20] =	ssyncadd.s32 $0xFFFFE800  }
0x57: {  	_ =	swait.ge [sflag:s18], $0x1800  }
0x58: {  	s25 =	sadd.s32 $0x1, s25;
	[sflag:s18] =	ssyncset.done $0x0  }
0x59: {  	p0 =	sne.s32 s25, s9;
	[sflag:s18] =	ssyncadd.s32 $0xFFFFE800  }
.Ltmp1:
0x5a: {  	[bflag:$0x0] =	sbarrier.arrive $0xFFFF;
	(pc) =	sbr.rel @p0 .LBB2_1-.Ltmp1, $4  }
0x5b: {  	[hbm:s8], [sflag:s12] =	dma.local [spmem:s13], $0xEAC  }
0x5c: {  	_ =	swait.ge [sflag:s10], $0xEAC  }
0x5d: {  	[sflag:s10] =	ssyncset.done $0x0  }
0x5e: {  	[sflag:s10] =	ssyncadd.s32 $0xFFFFF154  }
0x5f: {  	_ =	sfence.sel $0x180000  }
0x60: {  	[bflag:$0x0] =	sbarrier.arrive $0xFFFF  }
0x61: {  	p0 =	sne.s32 s1, $0x0;
	_ =	strace $0x9000004D  }
0x62: {  	s0 =	sadd.s32 @!p0 $0x100000, s0;
	[bflag:$0x2] =	sbarrier.arrive $0xFFFF  }
0x63: {  	[sflag:s0] =	ssyncadd.tile.s32 @!p0 $0x1;
	_ =	shalt  }
.Lfunc_end2:
_tile_overlayer_lowered:
.L_overlay_start_2:
0x64: {  	(tag) =	ssettag $0x2  }
0x65: {  	s0 =	rddreg [dreg:$0x0];
	s2 =	stileid.u32  }
0x66: {  	s1 =	rddreg [dreg:$0x1];
	p0 =	sne.s32 s2, $0x0  }
0x67: {  	s3 =	rddreg [dreg:$0x2];
	[bflag:$0x3] =	sbarrier.arrive $0xFFFF;
	s2 =	simm.s32 @!p0 $0x1C05  }
0x68: {  	[timem:s3], [sflag:s2] =	dma.local @!p0 [hbm:s0], s1  }
0x69: {  	s0 =	simm.s32 @!p0 $0x5  }
0x6a: {  	_ =	swait.ge @!p0 [sflag:s0], s1  }
0x6b: {  	s1 =	ssub.s32 @!p0 $0x0, s1;
	[sflag:s0] =	ssyncset.done @!p0 $0x0  }
0x6c: {  	[sflag:s0] =	ssyncadd.s32 @!p0 s1  }
0x6d: {  	[bflag:$0x3] =	sbarrier.arrive $0xFFFF  }
0x6e: {  	_ =	shalt  }

// kernel: kernel.8.cloned.1.call-start
scs
__scs_entry_jumppad:
0x0: {  	(pc) =	sbr.rel $0x88, $3  }
0x1: {  	(tag) =	ssettag $0x0;
	lr =	simm.s32 $0x1  }
0x2: {  	[smem:$0x3F8E] =	sst lr;
	_ =	strace $0xD0000000  }
0x3: {  	_ = 	snop  }
0x4: {  	_ = 	snop  }
0x5: {  	_ = 	snop  }
0x6: {  	_ = 	snop  }
0x7: {  	_ = 	snop  }
__scs_overlays_trampoline_lowered:
0x8: {  	[smem:$0x3F9D] =	sst s0  }
0x9: {  	[smem:$0x3F9E] =	sst s1  }
0xa: {  	[smem:$0x3F9F] =	sst s2  }
0xb: {  	[smem:$0x3FA0] =	sst s3  }
0xc: {  	[smem:$0x3FA1] =	sst s4  }
0xd: {  	[smem:$0x3FA2] =	sst s5  }
0xe: {  	[smem:$0x3FA3] =	sst s6  }
0xf: {  	[smem:$0x3FA4] =	sst s7  }
0x10: {  	[smem:$0x3FA5] =	sst s8  }
0x11: {  	[smem:$0x3FA6] =	sst s9;
	s0 =	simm.s32 @!p0 $0x0  }
0x12: {  	s1 =	sld [smem:$0x3F8C];
	s0 =	simm.s32 @p0 $0x1  }
0x13: {  	[smem:$0x3FA7] =	sst s0;
	s0 =	simm.s32 @!p1 $0x0  }
0x14: {  	s2 =	sld [smem:$0x3F8B];
	s0 =	simm.s32 @p1 $0x1  }
0x15: {  	[smem:$0x3FA8] =	sst s0;
	s0 =	simm.s32 @!p2 $0x0  }
0x16: {  	s3 =	sld [smem:$0x3FDB];
	s0 =	simm.s32 @p2 $0x1  }
0x17: {  	s4 =	simm.s32 $0x1BF5;
	[smem:$0x3FAA] =	sst s0  }
0x18: {  	s0 =	sld [smem:$0x3F8D];
	_ =	swait.ge [sflag:s4], $0x0  }
0x19: {  	s7 =	sld [smem:$0x3F8E]  }
0x1a: {  	s8 =	sadd.s32 $0xFFFFE003, lr  }
0x1b: {  	s9 =	sadd.s32 $0xFFFFFEF7, lr;
	s5 =	simm.s32 $0xFFFFFFFF;
	p2 =	slt.u32 s8, $0xFFFFF086  }
0x1c: {  	p1 =	slt.u32 s9, $0xF7A;
	s5 =	simm.s32 @!p2 $0x0  }
0x1d: {  	s5 =	simm.s32 @p1 $0x1;
	p0 =	seq.s32 s7, s2  }
0x1e: {  	s7 =	smul.u32 @!p0 $0xF7A, s2;
	p2 =	seq.s32 @!p0 s5, $0x0  }
0x1f: {  	s9 =	smul.u32 $0xF7A, s1;
	s8 =	simm.s32 @!p0 $0x1BF5;
	p2 =	por !p2, p0  }
0x20: {  	[sflag:s8] =	ssyncset.s32 @!p0 $0xFFFFF086;
	s6 =	sadd.s32 @!p0 s3, s7;
	s7 =	simm.s32 @!p0 $0x108  }
0x21: {  	s3 =	sadd.s32 s3, s9;
	s6 =	sadd.s32 @!p0 $0x88, s6;
	s7 =	simm.s32 @p2 $0x1082  }
0x22: {  	[simem:s7], [sflag:s8] =	dma.local @!p0 [hbm:s6], $0xF7A  }
0x23: {  	s9 =	sor.u32 $0xD0000000, s2;
	s6 =	simm.s32 $0x108;
	_ =	swait.ge @!p0 [sflag:s8], $0x0  }
0x24: {  	s3 =	sadd.s32 $0x88, s3;
	s6 =	simm.s32 @!p1 $0x1082;
	[sflag:s4] =	ssyncset.s32 $0xFFFFF086  }
0x25: {  	[simem:s6], [sflag:s4] =	dma.local [hbm:s3], $0xF7A  }
0x26: {  	[smem:$0x3F8E] =	sst s1;
	(tag) =	ssettag s2;
	_ =	strace s9  }
0x27: {  	s1 =	sld [smem:$0x3F9E]  }
0x28: {  	s2 =	sld [smem:$0x3F9F]  }
0x29: {  	s4 =	sld [smem:$0x3FA1]  }
0x2a: {  	p0 =	seq.s32 s5, $0x0;
	s5 =	sld [smem:$0x3FA2]  }
0x2b: {  	s6 =	sld [smem:$0x3FA3]  }
0x2c: {  	s7 =	sld [smem:$0x3FA4]  }
0x2d: {  	s3 =	simm.s32 $0x108;
	s8 =	sld [smem:$0x3FA5]  }
0x2e: {  	s3 =	simm.s32 @!p0 $0x1082;
	s9 =	sld [smem:$0x3FA6]  }
0x2f: {  	lr =	sadd.s32 s0, s3;
	s0 =	sld [smem:$0x3F9D]  }
0x30: {  	s3 =	sld [smem:$0x3FA0]  }
0x31: {  	[smem:$0x3FA9] =	sst s10  }
0x32: {  	s10 =	sld [smem:$0x3FA7];
	_ =	sdelay $0x3  }
0x33: {  	p0 =	seq.s32 s10, $0x1;
	s10 =	sld [smem:$0x3FA9];
	_ =	sdelay $0x3  }
0x34: {  	[smem:$0x3FA9] =	sst s10  }
0x35: {  	s10 =	sld [smem:$0x3FA8];
	_ =	sdelay $0x3  }
0x36: {  	p1 =	seq.s32 s10, $0x1;
	s10 =	sld [smem:$0x3FA9];
	_ =	sdelay $0x3  }
0x37: {  	[smem:$0x3FA9] =	sst s10  }
0x38: {  	s10 =	sld [smem:$0x3FAA]  }
0x39: {  	_ = 	snop;
	(pc) =	sbr.ind lr, $3  }
0x3a: {  	_ = 	snop  }
0x3b: {  	_ = 	snop  }
0x3c: {  	p2 =	seq.s32 s10, $0x1;
	s10 =	sld [smem:$0x3FA9]  }
0x3d: {  	_ =	shalt  }
0x3e: {  	_ =	shalt  }
0x3f: {  	_ =	shalt  }
0x40: {  	_ =	shalt  }
0x41: {  	_ =	shalt  }
0x42: {  	_ =	shalt  }
0x43: {  	_ =	shalt  }
0x44: {  	_ =	shalt  }
0x45: {  	_ =	shalt  }
0x46: {  	_ =	shalt  }
0x47: {  	_ =	shalt  }
0x48: {  	_ =	shalt  }
0x49: {  	_ =	shalt  }
0x4a: {  	_ =	shalt  }
0x4b: {  	_ =	shalt  }
0x4c: {  	_ =	shalt  }
0x4d: {  	_ =	shalt  }
0x4e: {  	_ =	shalt  }
0x4f: {  	_ =	shalt  }
0x50: {  	_ =	shalt  }
0x51: {  	_ =	shalt  }
0x52: {  	_ =	shalt  }
0x53: {  	_ =	shalt  }
0x54: {  	_ =	shalt  }
0x55: {  	_ =	shalt  }
0x56: {  	_ =	shalt  }
0x57: {  	_ =	shalt  }
0x58: {  	_ =	shalt  }
0x59: {  	_ =	shalt  }
0x5a: {  	_ =	shalt  }
0x5b: {  	_ =	shalt  }
0x5c: {  	_ =	shalt  }
0x5d: {  	_ =	shalt  }
0x5e: {  	_ =	shalt  }
0x5f: {  	_ =	shalt  }
0x60: {  	_ =	shalt  }
0x61: {  	_ =	shalt  }
0x62: {  	_ =	shalt  }
0x63: {  	_ =	shalt  }
0x64: {  	_ =	shalt  }
0x65: {  	_ =	shalt  }
0x66: {  	_ =	shalt  }
0x67: {  	_ =	shalt  }
0x68: {  	_ =	shalt  }
0x69: {  	_ =	shalt  }
0x6a: {  	_ =	shalt  }
0x6b: {  	_ =	shalt  }
0x6c: {  	_ =	shalt  }
0x6d: {  	_ =	shalt  }
0x6e: {  	_ =	shalt  }
0x6f: {  	_ =	shalt  }
0x70: {  	_ =	shalt  }
0x71: {  	_ =	shalt  }
0x72: {  	_ =	shalt  }
0x73: {  	_ =	shalt  }
0x74: {  	_ =	shalt  }
0x75: {  	_ =	shalt  }
0x76: {  	_ =	shalt  }
0x77: {  	_ =	shalt  }
0x78: {  	_ =	shalt  }
0x79: {  	_ =	shalt  }
0x7a: {  	_ =	shalt  }
0x7b: {  	_ =	shalt  }
0x7c: {  	_ =	shalt  }
0x7d: {  	_ =	shalt  }
0x7e: {  	_ =	shalt  }
0x7f: {  	_ =	shalt  }
0x80: {  	_ =	shalt  }
0x81: {  	_ =	shalt  }
0x82: {  	_ =	shalt  }
0x83: {  	_ =	shalt  }
0x84: {  	_ =	shalt  }
0x85: {  	_ =	shalt  }
0x86: {  	_ =	shalt  }
0x87: {  	_ =	shalt  }
.Lfunc_end0:
.L_simem_size_0:
called_computation_lowered:
.L_overlay_start_0:
0x88: {  	s2 =	sld [smem:$0x3FD9]  }
0x89: {  	s3 =	sld [smem:$0x3FFE];
	_ =	sdelay $0x1  }
0x8a: {  	s1 =	srdreg.scid  }
0x8b: {  	s0 =	sand.u32 $0x1, s1  }
0x8c: {  	s16 =	sshll.u32 s0, $0xA;
	s2 =	sadd.s32 s3, s2  }
0x8d: {  	s2 =	sadd.s32 s2, s16  }
0x8e: {  	[smem:$0x3FB5] =	sst s2  }
0x8f: {  	_ = 	snop  }
0x90: {  	(tm) =	ssettm $0x1  }
0x91: {  	s17 =	sld [smem:$0x3FFB];
	_ =	sdelay $0x3  }
0x92: {  	_ =	strace s17  }
0x93: {  	s2 =	sld [smem:$0x3FFC];
	_ =	sdelay $0x3  }
0x94: {  	_ =	strace s2  }
0x95: {  	s2 =	sld [smem:$0x3FFD];
	_ =	sdelay $0x3  }
0x96: {  	_ =	strace s2  }
0x97: {  	_ =	strace $0x8FFFFFFF  }
0x98: {  	s18 =	sld [smem:$0x3FDB];
	_ =	sdelay $0x1  }
0x99: {  	s19 =	simm.s32 $_scs_section_size  }
0x9a: {  	s4 =	simm.s32 $_size__tile_overlayer_lowered;
	s5 =	simm.s32 $_tile_overlayer_lowered  }
0x9b: {  	s22 =	simm.s32 $0x1BFF;
	s21 =	sshll.u32 s5, $0x1;
	s2 =	sadd.s32 s19, s18  }
0x9c: {  	s6 =	simm.s32 $0x0;
	s20 =	sshll.u32 s4, $0x1;
	s4 =	sadd.s32 s21, s2  }
0x9d: {  	[timem:s6], [sflag:s22] =	dma.local [hbm:s4], s20  }
0x9e: {  	_ =	swait.ge [sflag:s22], s20  }
0x9f: {  	s3 =	ssub.s32 $0x0, s20;
	[sflag:s22] =	ssyncset.done $0x0  }
0xa0: {  	[sflag:s22] =	ssyncadd.s32 s3;
	_ =	sdelay $0x1  }
0xa1: {  	s23 =	simm.s32 $0x1B8B  }
0xa2: {  	_ =	swait.ge [sflag:s23], $0x1  }
0xa3: {  	[sflag:s23] =	ssyncset.done $0x0  }
0xa4: {  	s25 =	simm.s32 $0x1B8E;
	s24 =	sld [smem:$0x3FFE];
	[sflag:s23] =	ssyncadd.s32 $0xFFFFFFFF  }
0xa5: {  	s26 =	simm.s32 $execute0_lowered;
	[smem:$0x3FD2] =	sst s25  }
0xa6: {  	s4 =	sshll.u32 s26, $0x1;
	_ =	strace $0x80000046;
	[dreg:$0x1] =	wrdreg $0xFFFFFFFF  }
0xa7: {  	s28 =	simm.s32 $_size_execute0_lowered;
	s2 =	sadd.s32 s2, s4;
	[dreg:$0x0] =	wrdreg $0x0  }
0xa8: {  	s4 =	sshll.u32 s28, $0x1;
	[dreg:$0x2] =	wrdreg s2  }
0xa9: {  	[dreg:$0x3] =	wrdreg s4  }
0xaa: {  	[dreg:$0x4] =	wrdreg $0xC0  }
0xab: {  	_ =	task [dreg:s6], $0x5FFFF  }
0xac: {  	[dreg:$0x1] =	wrdreg $0xFFFFFFFF  }
0xad: {  	[dreg:$0x0] =	wrdreg $0x60  }
0xae: {  	[dreg:$0x2] =	wrdreg s24  }
0xaf: {  	[dreg:$0x3] =	wrdreg $0xE5000  }
0xb0: {  	[dreg:$0x4] =	wrdreg $0x9  }
0xb1: {  	_ =	task.clear_ibuf [dreg:s6], $0x5FFFF;
	_ =	strace $0x90000046  }
0xb2: {  	s29 =	simm.s32 $0x9;
	_ =	strace $0x80000048  }
0xb3: {  	_ =	swait.ge [sflag:s29], $0x1  }
0xb4: {  	[sflag:s29] =	ssyncadd.s32 $0xFFFFFFFF  }
0xb5: {  	_ =	strace $0x90000048  }
0xb6: {  	_ =	sfence  }
0xb7: {  	s30 =	sld [smem:$0x0];
	_ =	sdelay $0x2  }
0xb8: {  	s31 =	sshll.u32 s1, $0xD;
	s1 =	sshrl.u32 s1, $0x2  }
0xb9: {  	s3 =	sand.u32 $0x4000, s31;
	s1 =	sadd.s32 s1, s30  }
0xba: {  	s0 =	sor.u32 s3, s0;
	s1 =	sshll.u32 s1, $0x11  }
0xbb: {  	s0 =	sor.u32 s1, s0  }
0xbc: {  	s0 =	sadd.s32 $0x8F2B, s0  }
0xbd: {  	[sflag:s0] =	ssyncadd.remote.s32 $0x1  }
0xbe: {  	_ =	sfence.sel $0xFFFF  }
0xbf: {  	[dreg:$0x0] =	wrdreg $0xFFFFFFFF;
	(pc) =	sbr.abs _section_cstart, $3  }
0xc0: {  	[dreg:$0x1] =	wrdreg $0xFFFFFFFF  }
0xc1: {  	_ =	task.clear_ibuf [dreg:s6], $0x2FFFF;
	_ =	strace $0x9FFFFFFF  }
0xc2: {  	(tm) =	ssettm $0x7FFFFFFF  }
0xc3: {  	_ =	shalt  }
tec
execute0_lowered:
.L_overlay_start_1:
0x0: {  	(tag) =	ssettag $0x1  }
0x1: {  	s6 =	rddreg [dreg:$0x0]  }
0x2: {  	s0 =	srdreg.scid;
	s2 =	rddreg [dreg:$0x1];
	s3 =	simm.s32 $0x0  }
0x3: {  	s14 =	simm.s32 $0x80;
	s15 =	simm.s32 $0x9D00;
	s16 =	simm.s32 $0xC100  }
0x4: {  	s17 =	simm.s32 $0x1;
	s18 =	simm.s32 $0x3;
	s19 =	simm.s32 $0x2  }
0x5: {  	s20 =	simm.s32 $0x4;
	s21 =	simm.s32 $0x9B80;
	s22 =	simm.s32 $0x4E00  }
0x6: {  	s23 =	simm.s32 $0x9C00;
	s5 =	sand.u32 $0x1, s0;
	s0 =	stileid.u32  }
0x7: {  	s24 =	simm.s32 $0x9C80;
	s25 =	simm.s32 $0x0;
	s8 =	smul.u32 $0x9D0, s0  }
0x8: {  	[smem:$0x7FF] =	sst s3;
	s4 =	sadd.s32 $0x17800, s6;
	s9 =	smul.u32 $0xB010, s0  }
0x9: {  	s1 =	sshll.u32 s5, $0x4;
	s10 =	smul.u32 $0xB0100, s5;
	s5 =	ssub.s32 $0x2, s5  }
0xa: {  	s31 =	sshll.u32 s0, $0x6;
	s1 =	sor.u32 s0, s1;
	s30 =	sshrl.u32 s5, $0x1  }
0xb: {  	s7 =	smul.u32 $0x9D0, s1;
	s1 =	rddreg [dreg:$0x2];
	_ =	strace $0x80000047  }
0xc: {  	s8 =	sadd.s32 s8, s6;
	s10 =	sadd.s32 s9, s10;
	s11 =	sshrl.u32 s9, $0x3  }
0xd: {  	s12 =	ssub.s32 s5, s30;
	s13 =	sadd.s32 s9, s2;
	s10 =	sshrl.u32 s10, $0x3  }
0xe: {  	s11 =	sadd.s32 s11, s6;
	s9 =	smax.u32 s12, $0x1;
	s12 =	sor.u32 $0x1C05, s31  }
0xf: {  	s13 =	sshrl.u32 s13, $0x3;
	s7 =	sadd.s32 s7, s6;
	s10 =	sadd.s32 s10, s6  }
0x10: {  	s6 =	sadd.s32 $0x43800, s8;
	s5 =	sadd.s32 $0x3E00, s7;
	s7 =	sadd.s32 $0x4D600, s11  }
0x11: {  	s8 =	sadd.s32 $0x63800, s10;
	s10 =	simm.s32 $0x5;
	s11 =	simm.s32 $0x4E80  }
.LBB2_1:
0x12: {  	[tilespmem:s3], [sflag:$0x5] =	stream.linear.gather [hbm4b:s5+s3], $0x4E80, $0x38;
	[tilespmem:$0x19510] =	vst v63  }
0x13: {  	_ =	swait.ge [sflag:s10], $0x4E80  }
0x14: {  	[sflag:s10] =	ssyncset.done $0x0  }
0x15: {  	[sflag:s10] =	ssyncadd.s32 $0xFFFFB180  }
0x16: {  	[tilespmem:s11], [sflag:$0x5] =	stream.linear.gather [hbm4b:s6+s3], $0x4E80, $0x38;
	[tilespmem:$0x19510] =	vst v63  }
0x17: {  	_ =	swait.ge [sflag:s10], $0x4E80  }
0x18: {  	[sflag:s10] =	ssyncset.done $0x0  }
0x19: {  	[sflag:s10] =	ssyncadd.s32 $0xFFFFB180  }
0x1a: {  	[spmem:s13], [sflag:s12] =	dma.local [hbm:s7], $0x1602  }
0x1b: {  	_ =	swait.ge [sflag:s10], $0x1602  }
0x1c: {  	[sflag:s10] =	ssyncset.done $0x0  }
0x1d: {  	[sflag:s10] =	ssyncadd.s32 $0xFFFFE9FE  }
0x1e: {  	[bflag:$0x0] =	sbarrier.arrive $0xFFFF  }
0x1f: {  	[tilespmem:s15], [sflag:$0x1] =	stream.indirect.gather [hbm4b:s4+s14], $0x48, s3, s14, $0xb8;
	[tilespmem:$0x19510] =	vst v63  }
0x20: {  	_ = 	snop  }
0x21: {  	[tilespmem:s16], [sflag:$0x2] =	stream.indirect.gather [hbm4b:s4+s14], $0x48, s14, s14, $0xb8;
	[tilespmem:$0x19510] =	vst v63  }
0x22: {  	_ =	swait.ge [sflag:s17], $0x2400  }
0x23: {  	[sflag:s17] =	ssyncset.done $0x0  }
0x24: {  	s26 =	simm.s32 $0x4E80;
	[sflag:s17] =	ssyncadd.s32 $0xFFFFDC00  }
0x25: {  	[spmem:s2] =	stream.indirect.scatter.add.f32 [tilespmem:s15], [sflag:$0x3], $0x48, s26, s14, $0xb8;
	[tilespmem:$0x19510] =	vst v63  }
0x26: {  	_ =	swait.ge [sflag:s18], $0x2400  }
0x27: {  	[sflag:s18] =	ssyncset.done $0x0  }
0x28: {  	s30 =	simm.s32 $0x100;
	[sflag:s18] =	ssyncadd.s32 $0xFFFFDC00  }
0x29: {  	[tilespmem:s15], [sflag:$0x1] =	stream.indirect.gather [hbm4b:s4+s14], $0x48, s30, s14, $0xb8;
	[tilespmem:$0x19510] =	vst v63  }
0x2a: {  	_ =	swait.ge [sflag:s19], $0x2400  }
0x2b: {  	[sflag:s19] =	ssyncset.done $0x0  }
0x2c: {  	s31 =	simm.s32 $0x4F00;
	[sflag:s19] =	ssyncadd.s32 $0xFFFFDC00  }
0x2d: {  	[spmem:s2] =	stream.indirect.scatter.add.f32 [tilespmem:s16], [sflag:$0x4], $0x48, s31, s14, $0xb8;
	[tilespmem:$0x19510] =	vst v63  }
0x2e: {  	_ =	swait.ge [sflag:s20], $0x2400  }
0x2f: {  	[sflag:s20] =	ssyncset.done $0x0  }
0x30: {  	s28 =	simm.s32 $0x180;
	s26 =	simm.s32 $0x400;
	[sflag:s20] =	ssyncadd.s32 $0xFFFFDC00  }
.LBB2_2:
0x31: {  	[tilespmem:s16], [sflag:$0x2] =	stream.indirect.gather [hbm4b:s4+s14], $0x48, s28, s14, $0xb8;
	[tilespmem:$0x19510] =	vst v63  }
0x32: {  	s28 =	smov.u32 s26  }
0x33: {  	p0 =	sne.s32 s26, $0x13000;
	s26 =	sadd.s32 $0x400, s26;
	_ =	swait.ge [sflag:s17], $0x2400  }
0x34: {  	s28 =	sshra.s32 s28, $0x2;
	[sflag:s17] =	ssyncset.done $0x0  }
0x35: {  	s29 =	sadd.s32 $0x4E80, s28;
	[sflag:s17] =	ssyncadd.s32 $0xFFFFDC00  }
0x36: {  	[spmem:s2] =	stream.indirect.scatter.add.f32 [tilespmem:s15], [sflag:$0x3], $0x48, s29, s14, $0xb8;
	[tilespmem:$0x19510] =	vst v63  }
0x37: {  	_ =	swait.ge [sflag:s18], $0x2400  }
0x38: {  	[sflag:s18] =	ssyncset.done $0x0  }
0x39: {  	s29 =	sadd.s32 $0x100, s28;
	[sflag:s18] =	ssyncadd.s32 $0xFFFFDC00  }
0x3a: {  	[tilespmem:s15], [sflag:$0x1] =	stream.indirect.gather [hbm4b:s4+s14], $0x48, s29, s14, $0xb8;
	[tilespmem:$0x19510] =	vst v63  }
0x3b: {  	_ =	swait.ge [sflag:s19], $0x2400  }
0x3c: {  	[sflag:s19] =	ssyncset.done $0x0  }
.Ltmp0:
0x3d: {  	s29 =	sadd.s32 $0x4F00, s28;
	[sflag:s19] =	ssyncadd.s32 $0xFFFFDC00;
	(pc) =	sbr.rel @p0 .LBB2_2-.Ltmp0, $4  }
0x3e: {  	[spmem:s2] =	stream.indirect.scatter.add.f32 [tilespmem:s16], [sflag:$0x4], $0x48, s29, s14, $0xb8;
	[tilespmem:$0x19510] =	vst v63  }
0x3f: {  	_ =	swait.ge [sflag:s20], $0x2400  }
0x40: {  	[sflag:s20] =	ssyncset.done $0x0  }
0x41: {  	s28 =	sadd.s32 $0x180, s28;
	[sflag:s20] =	ssyncadd.s32 $0xFFFFDC00  }
0x42: {  	[tilespmem:s16], [sflag:$0x2] =	stream.indirect.gather [hbm4b:s4+s14], $0x48, s28, s14, $0xb8;
	[tilespmem:$0x19510] =	vst v63  }
0x43: {  	_ =	swait.ge [sflag:s17], $0x2400  }
0x44: {  	[sflag:s17] =	ssyncset.done $0x0  }
0x45: {  	[sflag:s17] =	ssyncadd.s32 $0xFFFFDC00  }
0x46: {  	[spmem:s2] =	stream.indirect.scatter.add.f32 [tilespmem:s15], [sflag:$0x3], $0x48, s21, s14, $0xb8;
	[tilespmem:$0x19510] =	vst v63  }
0x47: {  	_ =	swait.ge [sflag:s18], $0x2400  }
0x48: {  	[sflag:s18] =	ssyncset.done $0x0  }
0x49: {  	[sflag:s18] =	ssyncadd.s32 $0xFFFFDC00  }
0x4a: {  	[tilespmem:s15], [sflag:$0x1] =	stream.indirect.gather [hbm4b:s4+s14], $0x48, s22, s14, $0xb8;
	[tilespmem:$0x19510] =	vst v63  }
0x4b: {  	_ =	swait.ge [sflag:s19], $0x2400  }
0x4c: {  	[sflag:s19] =	ssyncset.done $0x0  }
0x4d: {  	[sflag:s19] =	ssyncadd.s32 $0xFFFFDC00  }
0x4e: {  	[spmem:s2] =	stream.indirect.scatter.add.f32 [tilespmem:s16], [sflag:$0x4], $0x48, s23, s14, $0xb8;
	[tilespmem:$0x19510] =	vst v63  }
0x4f: {  	_ =	swait.ge [sflag:s17], $0x2400  }
0x50: {  	[sflag:s17] =	ssyncset.done $0x0  }
0x51: {  	[sflag:s17] =	ssyncadd.s32 $0xFFFFDC00  }
0x52: {  	[spmem:s2] =	stream.indirect.scatter.add.f32 [tilespmem:s15], [sflag:$0x3], $0x48, s24, s14, $0xb8;
	[tilespmem:$0x19510] =	vst v63  }
0x53: {  	_ =	swait.ge [sflag:s20], $0x2400  }
0x54: {  	[sflag:s20] =	ssyncset.done $0x0  }
0x55: {  	[sflag:s20] =	ssyncadd.s32 $0xFFFFDC00  }
0x56: {  	_ =	swait.ge [sflag:s18], $0x2400  }
0x57: {  	s25 =	sadd.s32 $0x1, s25;
	[sflag:s18] =	ssyncset.done $0x0  }
0x58: {  	p0 =	sne.s32 s25, s9;
	[sflag:s18] =	ssyncadd.s32 $0xFFFFDC00  }
.Ltmp1:
0x59: {  	[bflag:$0x0] =	sbarrier.arrive $0xFFFF;
	(pc) =	sbr.rel @p0 .LBB2_1-.Ltmp1, $4  }
0x5a: {  	[hbm:s8], [sflag:s12] =	dma.local [spmem:s13], $0x1602  }
0x5b: {  	_ =	swait.ge [sflag:s10], $0x1602  }
0x5c: {  	[sflag:s10] =	ssyncset.done $0x0  }
0x5d: {  	[sflag:s10] =	ssyncadd.s32 $0xFFFFE9FE  }
0x5e: {  	_ =	sfence.sel $0x180000  }
0x5f: {  	[bflag:$0x0] =	sbarrier.arrive $0xFFFF  }
0x60: {  	p0 =	sne.s32 s0, $0x0;
	_ =	strace $0x90000047  }
0x61: {  	s0 =	sadd.s32 @!p0 $0x100000, s1;
	[bflag:$0x2] =	sbarrier.arrive $0xFFFF  }
0x62: {  	[sflag:s0] =	ssyncadd.tile.s32 @!p0 $0x1;
	_ =	shalt  }
.Lfunc_end2:
_tile_overlayer_lowered:
.L_overlay_start_2:
0x63: {  	(tag) =	ssettag $0x2  }
0x64: {  	s0 =	rddreg [dreg:$0x0];
	s2 =	stileid.u32  }
0x65: {  	s1 =	rddreg [dreg:$0x1];
	p0 =	sne.s32 s2, $0x0  }
0x66: {  	s3 =	rddreg [dreg:$0x2];
	[bflag:$0x3] =	sbarrier.arrive $0xFFFF;
	s2 =	simm.s32 @!p0 $0x1C05  }
0x67: {  	[timem:s3], [sflag:s2] =	dma.local @!p0 [hbm:s0], s1  }
0x68: {  	s0 =	simm.s32 @!p0 $0x5  }
0x69: {  	_ =	swait.ge @!p0 [sflag:s0], s1  }
0x6a: {  	s1 =	ssub.s32 @!p0 $0x0, s1;
	[sflag:s0] =	ssyncset.done @!p0 $0x0  }
0x6b: {  	[sflag:s0] =	ssyncadd.s32 @!p0 s1  }
0x6c: {  	[bflag:$0x3] =	sbarrier.arrive $0xFFFF  }
0x6d: {  	_ =	shalt  }

</sc_bundles>
